<compile_context>
chip_gen: v7x
topology: tpu7x:2x2x1
jax: 0.10.2.dev20260603
libtpu: 0.0.44.dev20260713+nightly
codegen_flags: <defaults>
</compile_context>

<pallas_src>
import functools

import jax
import jax.numpy as jnp
from jax import lax
from jax.experimental import pallas as pl
from jax.experimental.pallas import tpu as pltpu
from jax.experimental.pallas import tpu_sc as plsc

N = 10000
E = 320000
D_IN = 128
D_H = 64
D_OUT = 128

NC = 2
NS = 16
NW = NC * NS
EPT = E // NW
CH = 128
NFULL = EPT // CH
TAIL = EPT - NFULL * CH
WPT = 624
WREM = N - NS * WPT
ZROWS = 156
DW = 16


def _seg_sum_kernel(with_deg: bool):
    mesh = plsc.VectorSubcoreMesh(core_axis_name="c", subcore_axis_name="s",
                                  num_cores=NC, num_subcores=NS)

    out_type = [jax.ShapeDtypeStruct((NC, N, D_H), jnp.float32)]
    if with_deg:
        out_type.append(jax.ShapeDtypeStruct((NC, N, DW), jnp.float32))

    scratch = [
        pltpu.VMEM((EPT,), jnp.int32),
        pltpu.VMEM((EPT,), jnp.int32),
        pltpu.VMEM((CH,), jnp.int32),
        pltpu.VMEM((CH,), jnp.int32),
        pltpu.VMEM((CH,), jnp.int32),
        pltpu.VMEM((CH,), jnp.int32),
        pltpu.VMEM((TAIL,), jnp.int32),
        pltpu.VMEM((TAIL,), jnp.int32),
        pltpu.VMEM((CH, D_H), jnp.float32),
        pltpu.VMEM((CH, D_H), jnp.float32),
        pltpu.VMEM((TAIL, D_H), jnp.float32),
        pltpu.VMEM((ZROWS, D_H), jnp.float32),
        pltpu.VMEM_SHARED((N, D_H), jnp.float32),
        pltpu.SemaphoreType.DMA,
        pltpu.SemaphoreType.DMA,
        pltpu.SemaphoreType.DMA,
        pltpu.SemaphoreType.DMA,
    ]
    if with_deg:
        scratch += [
            pltpu.VMEM((CH, DW), jnp.float32),
            pltpu.VMEM_SHARED((N, DW), jnp.float32),
            pltpu.SemaphoreType.DMA,
            pltpu.SemaphoreType.DMA,
        ]

    def body(*refs):
        if with_deg:
            (src_h, dst_h, tab_h,
             part_h, degp_h,
             srcall, dstall, sidx0, sidx1, didx0, didx1, sidx_t, didx_t,
             rows0, rows1, rows_t, zbuf, acc,
             gsem0, gsem1, ssem0, ssem1,
             ones_v, dacc, dsem0, dsem1) = refs
        else:
            (src_h, dst_h, tab_h,
             part_h,
             srcall, dstall, sidx0, sidx1, didx0, didx1, sidx_t, didx_t,
             rows0, rows1, rows_t, zbuf, acc,
             gsem0, gsem1, ssem0, ssem1) = refs
            dsem0 = dsem1 = None
        slots = ((sidx0, didx0, rows0, gsem0, ssem0, dsem0),
                 (sidx1, didx1, rows1, gsem1, ssem1, dsem1))

        c = lax.axis_index("c")
        s = lax.axis_index("s")
        wid = s * NC + c
        ebase = pl.multiple_of(wid * EPT, 8)
        rbase = pl.multiple_of(s * WPT, 8)

        zero16 = jnp.zeros((16,), jnp.float32)

        def zrow(r, carry):
            for j in range(D_H // 16):
                zbuf[r, pl.ds(j * 16, 16)] = zero16
            return carry

        lax.fori_loop(0, ZROWS, zrow, 0)
        for k in range(WPT // ZROWS):
            pltpu.sync_copy(zbuf, acc.at[pl.ds(rbase + k * ZROWS, ZROWS)])
            if with_deg:
                pltpu.sync_copy(zbuf.at[pl.ds(0, ZROWS), pl.ds(0, DW)],
                                dacc.at[pl.ds(rbase + k * ZROWS, ZROWS)])

        @pl.when(s == NS - 1)
        def _():
            pltpu.sync_copy(zbuf.at[pl.ds(0, WREM)],
                            acc.at[pl.ds(NS * WPT, WREM)])
            if with_deg:
                pltpu.sync_copy(zbuf.at[pl.ds(0, WREM), pl.ds(0, DW)],
                                dacc.at[pl.ds(NS * WPT, WREM)])
        if with_deg:
            one16 = jnp.ones((16,), jnp.float32)

            def orow(r, carry):
                ones_v[r, pl.ds(0, DW)] = one16
                return carry

            lax.fori_loop(0, CH, orow, 0)

        pltpu.sync_copy(src_h.at[pl.ds(ebase, EPT)], srcall)
        pltpu.sync_copy(dst_h.at[pl.ds(ebase, EPT)], dstall)

        plsc.subcore_barrier()

        def stage(sl, ci):
            sidx_k, didx_k = sl[0], sl[1]
            off = ci * CH
            for j in range(CH // 16):
                sidx_k[pl.ds(j * 16, 16)] = srcall[pl.ds(off + j * 16, 16)]
                didx_k[pl.ds(j * 16, 16)] = dstall[pl.ds(off + j * 16, 16)]

        def fire_g(sl):
            pltpu.async_copy(tab_h.at[sl[0]], sl[2], sl[3])

        def wait_g(sl):
            pltpu.make_async_copy(tab_h.at[sl[0]], sl[2], sl[3]).wait()

        def fire_s(sl):
            pltpu.async_copy(sl[2], acc.at[sl[1]], sl[4], add=True)
            if with_deg:
                pltpu.async_copy(ones_v, dacc.at[sl[1]], sl[5], add=True)

        def wait_s(sl):
            pltpu.make_async_copy(sl[2], acc.at[sl[1]], sl[4]).wait()
            if with_deg:
                pltpu.make_async_copy(ones_v, dacc.at[sl[1]], sl[5]).wait()

        s0, s1 = slots
        stage(s0, 0)
        fire_g(s0)
        stage(s1, 1)
        fire_g(s1)
        wait_g(s0)
        fire_s(s0)

        def pbody(p, carry):
            c0 = 2 * p + 2
            wait_s(s0)
            stage(s0, c0)
            fire_g(s0)
            wait_g(s1)
            fire_s(s1)
            wait_s(s1)
            stage(s1, c0 + 1)
            fire_g(s1)
            wait_g(s0)
            fire_s(s0)
            return carry

        lax.fori_loop(0, (NFULL - 2) // 2, pbody, 0)

        wait_g(s1)
        fire_s(s1)

        sidx_t[pl.ds(0, TAIL)] = srcall[pl.ds(NFULL * CH, TAIL)]
        didx_t[pl.ds(0, TAIL)] = dstall[pl.ds(NFULL * CH, TAIL)]
        pltpu.async_copy(tab_h.at[sidx_t], rows_t, gsem0).wait()
        wait_s(s0)
        wait_s(s1)
        pltpu.async_copy(rows_t, acc.at[didx_t], ssem0, add=True).wait()
        if with_deg:
            pltpu.async_copy(ones_v.at[pl.ds(0, TAIL)], dacc.at[didx_t],
                             dsem0, add=True).wait()

        plsc.subcore_barrier()

        pltpu.sync_copy(acc.at[pl.ds(rbase, WPT)],
                        part_h.at[c, pl.ds(rbase, WPT)])

        if with_deg:
            pltpu.sync_copy(dacc.at[pl.ds(rbase, WPT)],
                            degp_h.at[c, pl.ds(rbase, WPT)])

        @pl.when(s == NS - 1)
        def _():
            pltpu.sync_copy(acc.at[pl.ds(NS * WPT, WREM)],
                            part_h.at[c, pl.ds(NS * WPT, WREM)])
            if with_deg:
                pltpu.sync_copy(dacc.at[pl.ds(NS * WPT, WREM)],
                                degp_h.at[c, pl.ds(NS * WPT, WREM)])

    ot = tuple(out_type) if with_deg else out_type[0]
    return pl.kernel(
        body, out_type=ot, mesh=mesh, scratch_types=scratch,
        compiler_params=pltpu.CompilerParams(use_tc_tiling_on_sc=False))


_seg_sum_deg = _seg_sum_kernel(True)
_seg_sum = _seg_sum_kernel(False)



BLK = 2000


def _tc1_body(x_ref, w1l_ref, w1r_ref, b1_ref, y1_ref, z1_ref):
    xb = x_ref[...]
    y1_ref[...] = jnp.dot(xb, w1l_ref[...], preferred_element_type=jnp.float32)
    z1_ref[...] = (jnp.dot(xb, w1r_ref[...],
                           preferred_element_type=jnp.float32) + b1_ref[...])


def _tc2_body(p_ref, dp_ref, z1_ref, w2r_ref, b2_ref, h_ref, z2_ref, rd_ref):
    rdeg = 1.0 / jnp.maximum(dp_ref[0, :, 0:1] + dp_ref[1, :, 0:1], 1.0)
    h = jnp.maximum((p_ref[0] + p_ref[1]) * rdeg + z1_ref[...], 0.0)
    rd_ref[...] = rdeg
    h_ref[...] = h
    z2_ref[...] = (jnp.dot(h, w2r_ref[...],
                           preferred_element_type=jnp.float32) + b2_ref[...])


def _tc3_body(p_ref, rd_ref, z2_ref, w2l_ref, o_ref):
    a2 = (p_ref[0] + p_ref[1]) * rd_ref[...]
    o_ref[...] = (jnp.dot(a2, w2l_ref[...],
                          preferred_element_type=jnp.float32) + z2_ref[...])


def _row_spec(d):
    return pl.BlockSpec((BLK, d), lambda i: (i, 0))


def _part_spec(d):
    return pl.BlockSpec((NC, BLK, d), lambda i: (0, i, 0))


def _full_spec(r, d):
    return pl.BlockSpec((r, d), lambda i: (0, 0))


_tc1 = pl.pallas_call(
    _tc1_body,
    grid=(N // BLK,),
    in_specs=[_row_spec(D_IN), _full_spec(D_IN, D_H), _full_spec(D_IN, D_H),
              _full_spec(1, D_H)],
    out_specs=[_row_spec(D_H), _row_spec(D_H)],
    out_shape=[jax.ShapeDtypeStruct((N, D_H), jnp.float32),
               jax.ShapeDtypeStruct((N, D_H), jnp.float32)],
)

_tc2 = pl.pallas_call(
    _tc2_body,
    grid=(N // BLK,),
    in_specs=[_part_spec(D_H), _part_spec(DW), _row_spec(D_H),
              _full_spec(D_H, D_OUT), _full_spec(1, D_OUT)],
    out_specs=[_row_spec(D_H), _row_spec(D_OUT), _row_spec(1)],
    out_shape=[jax.ShapeDtypeStruct((N, D_H), jnp.float32),
               jax.ShapeDtypeStruct((N, D_OUT), jnp.float32),
               jax.ShapeDtypeStruct((N, 1), jnp.float32)],
)

_tc3 = pl.pallas_call(
    _tc3_body,
    grid=(N // BLK,),
    in_specs=[_part_spec(D_H), _row_spec(1), _row_spec(D_OUT),
              _full_spec(D_H, D_OUT)],
    out_specs=_row_spec(D_OUT),
    out_shape=jax.ShapeDtypeStruct((N, D_OUT), jnp.float32),
)


def kernel(x, edge_index, W1l, b1, W1r, W2l, b2, W2r):
    src = edge_index[0]
    dst = edge_index[1]

    y1, z1 = _tc1(x, W1l.T, W1r.T, b1.reshape(1, D_H))
    part1, degp = _seg_sum_deg(src, dst, y1)
    h, z2, rdeg = _tc2(part1, degp, z1, W2r.T, b2.reshape(1, D_OUT))
    part2 = _seg_sum(src, dst, h)
    return _tc3(part2, rdeg, z2, W2l.T)

# --- scband reference (transcript-rebuilt; emitter-appended) ---
"""Pipeline reference for scband-graph-sage-2199023255751 (READ-ONLY COPY).

The authoritative reference and input builder live on the scoring server;
editing this copy changes nothing except your own understanding.
"""

import jax, jax.numpy as jnp
import numpy as np

N = 10000
E = 320000
D_IN = 128
D_H = 64
D_OUT = 128


def setup_inputs(seed: int = 0) -> dict:
    key = jax.random.key(seed)
    ks = jax.random.split(key, 9)
    x = jax.random.normal(ks[0], (N, D_IN), dtype=jnp.float32)
    edge_index = jax.random.randint(ks[1], (2, E), 0, N, dtype=jnp.int32)
    s_in = 1.0 / np.sqrt(D_IN)
    s_h = 1.0 / np.sqrt(D_H)
    W1l = jax.random.uniform(ks[2], (D_H, D_IN), jnp.float32, -s_in, s_in)
    b1 = jax.random.uniform(ks[3], (D_H,), jnp.float32, -s_in, s_in)
    W1r = jax.random.uniform(ks[4], (D_H, D_IN), jnp.float32, -s_in, s_in)
    W2l = jax.random.uniform(ks[5], (D_OUT, D_H), jnp.float32, -s_h, s_h)
    b2 = jax.random.uniform(ks[6], (D_OUT,), jnp.float32, -s_h, s_h)
    W2r = jax.random.uniform(ks[7], (D_OUT, D_H), jnp.float32, -s_h, s_h)
    return {"x": x, "edge_index": edge_index, "W1l": W1l, "b1": b1, "W1r": W1r, "W2l": W2l, "b2": b2, "W2r": W2r}


def _sage_conv(x, edge_index, Wl, bl, Wr):
    src = edge_index[0]
    dst = edge_index[1]
    msg = jnp.take(x, src, axis=0)
    aggr = jax.ops.segment_sum(msg, dst, num_segments=N)
    deg = jax.ops.segment_sum(jnp.ones((edge_index.shape[1],), x.dtype), dst, num_segments=N)
    aggr = aggr / jnp.clip(deg, 1.0)[:, None]
    return aggr @ Wl.T + bl + x @ Wr.T


def reference(x, edge_index, W1l, b1, W1r, W2l, b2, W2r):
    h = _sage_conv(x, edge_index, W1l, b1, W1r)
    h = jax.nn.relu(h)
    out = _sage_conv(h, edge_index, W2l, b2, W2r)
    return out

if __name__ == "__main__":
    import jax
    _d = setup_inputs()
    print(jax.jit(kernel)(*tuple(_d.values())))

</pallas_src>

<mosaic_0001>
#map = affine_map<(d0, d1) -> (0)>
#map1 = affine_map<(d0, d1) -> (0, 0)>
#map2 = affine_map<(d0, d1) -> (0, 0, 0)>
module attributes {stable_mosaic.version = 14 : i64} {
  func.func @body(%arg0: i32, %arg1: i32, %arg2: memref<320000xi32, #tpu.memory_space<hbm>>, %arg3: memref<320000xi32, #tpu.memory_space<hbm>>, %arg4: memref<10000x64xf32, #tpu.memory_space<hbm>>, %arg5: memref<2x10000x64xf32, #tpu.memory_space<hbm>>, %arg6: memref<10000xi32, #tpu.memory_space<vmem>>, %arg7: memref<10000xi32, #tpu.memory_space<vmem>>, %arg8: memref<128xi32, #tpu.memory_space<vmem>>, %arg9: memref<128xi32, #tpu.memory_space<vmem>>, %arg10: memref<128xi32, #tpu.memory_space<vmem>>, %arg11: memref<128xi32, #tpu.memory_space<vmem>>, %arg12: memref<16xi32, #tpu.memory_space<vmem>>, %arg13: memref<16xi32, #tpu.memory_space<vmem>>, %arg14: memref<128x64xf32, #tpu.memory_space<vmem>>, %arg15: memref<128x64xf32, #tpu.memory_space<vmem>>, %arg16: memref<16x64xf32, #tpu.memory_space<vmem>>, %arg17: memref<156x64xf32, #tpu.memory_space<vmem>>, %arg18: memref<10000x64xf32, #tpu.memory_space<vmem_shared>>, %arg19: memref<!tpu.dma_semaphore, #tpu.memory_space<semaphore_mem>>, %arg20: memref<!tpu.dma_semaphore, #tpu.memory_space<semaphore_mem>>, %arg21: memref<!tpu.dma_semaphore, #tpu.memory_space<semaphore_mem>>, %arg22: memref<!tpu.dma_semaphore, #tpu.memory_space<semaphore_mem>>) attributes {dimension_semantics = [#tpu.dimension_semantics<core_parallel>, #tpu.dimension_semantics<subcore_parallel>], iteration_bounds = array<i64: 2, 16>, scalar_prefetch = 0 : i64, scratch_operands = 17 : i64, tpu.core_type = #tpu.core_type<sc_vector_subcore>, window_params = [{transform_indices = #map}, {transform_indices = #map}, {transform_indices = #map1}, {transform_indices = #map2}]} {
    %mul3A = arith.constant 2 : i32
    %mul3A_0 = arith.muli %arg1, %mul3A : i32
    %add3A = arith.addi %mul3A_0, %arg0 : i32
    %mul3A_1 = arith.constant 10000 : i32
    %mul3A_2 = arith.muli %add3A, %mul3A_1 : i32
    %multiple_of3A = tpu.assume_multiple %mul3A_2, 8 : i32
    %mul3A_3 = arith.constant 624 : i32
    %mul3A_4 = arith.muli %arg1, %mul3A_3 : i32
    %multiple_of3A_5 = tpu.assume_multiple %mul3A_4, 8 : i32
    %broadcast_in_dim3A = arith.constant 0.000000e+00 : f32
    %broadcast_in_dim3A_6 = vector.broadcast %broadcast_in_dim3A : f32 to vector<16xf32>
    %scan3A = arith.constant 0 : i32
    %scan3A_7 = arith.constant 0 : i32
    %scan3A_8 = arith.constant 156 : i32
    %scan3A_9 = arith.addi %scan3A_7, %scan3A_8 : i32
    %scan3A_10 = arith.constant 1 : i32
    scf.for %scan3A_304 = %scan3A_7 to %scan3A_9 step %scan3A_10  : i32 {
      %swap3A_305 = arith.index_cast %scan3A_304 : i32 to index
      %swap3A_306 = arith.constant 0 : index
      %swap3A_307 = tpu.vector_load %arg17[%swap3A_305, %swap3A_306] {strides = array<i32>} : memref<156x64xf32, #tpu.memory_space<vmem>>, vector<1x16xf32>,
      %swap3A_308 = vector.shape_cast %swap3A_307 : vector<1x16xf32> to vector<16xf32>
      %swap3A_309 = vector.shape_cast %broadcast_in_dim3A_6 : vector<16xf32> to vector<1x16xf32>
      tpu.vector_store %arg17[%swap3A_305, %swap3A_306], %swap3A_309 {strides = array<i32>} : memref<156x64xf32, #tpu.memory_space<vmem>>, vector<1x16xf32>,
      %swap3A_310 = arith.index_cast %scan3A_304 : i32 to index
      %swap3A_311 = arith.constant 16 : index
      %swap3A_312 = tpu.vector_load %arg17[%swap3A_310, %swap3A_311] {strides = array<i32>} : memref<156x64xf32, #tpu.memory_space<vmem>>, vector<1x16xf32>,
      %swap3A_313 = vector.shape_cast %swap3A_312 : vector<1x16xf32> to vector<16xf32>
      %swap3A_314 = vector.shape_cast %broadcast_in_dim3A_6 : vector<16xf32> to vector<1x16xf32>
      tpu.vector_store %arg17[%swap3A_310, %swap3A_311], %swap3A_314 {strides = array<i32>} : memref<156x64xf32, #tpu.memory_space<vmem>>, vector<1x16xf32>,
      %swap3A_315 = arith.index_cast %scan3A_304 : i32 to index
      %swap3A_316 = arith.constant 32 : index
      %swap3A_317 = tpu.vector_load %arg17[%swap3A_315, %swap3A_316] {strides = array<i32>} : memref<156x64xf32, #tpu.memory_space<vmem>>, vector<1x16xf32>,
      %swap3A_318 = vector.shape_cast %swap3A_317 : vector<1x16xf32> to vector<16xf32>
      %swap3A_319 = vector.shape_cast %broadcast_in_dim3A_6 : vector<16xf32> to vector<1x16xf32>
      tpu.vector_store %arg17[%swap3A_315, %swap3A_316], %swap3A_319 {strides = array<i32>} : memref<156x64xf32, #tpu.memory_space<vmem>>, vector<1x16xf32>,
      %swap3A_320 = arith.index_cast %scan3A_304 : i32 to index
      %swap3A_321 = arith.constant 48 : index
      %swap3A_322 = tpu.vector_load %arg17[%swap3A_320, %swap3A_321] {strides = array<i32>} : memref<156x64xf32, #tpu.memory_space<vmem>>, vector<1x16xf32>,
      %swap3A_323 = vector.shape_cast %swap3A_322 : vector<1x16xf32> to vector<16xf32>
      %swap3A_324 = vector.shape_cast %broadcast_in_dim3A_6 : vector<16xf32> to vector<1x16xf32>
      tpu.vector_store %arg17[%swap3A_320, %swap3A_321], %swap3A_324 {strides = array<i32>} : memref<156x64xf32, #tpu.memory_space<vmem>>, vector<1x16xf32>,
    }
    %scan3A_11 = arith.constant 156 : i32
    %add3A_12 = arith.constant 0 : i32
    %add3A_13 = arith.addi %multiple_of3A_5, %add3A_12 : i32
    "tpu.region"() ({
      %run_scoped3A = tpu.sem_alloc : memref<!tpu.dma_semaphore, #tpu.memory_space<semaphore_mem>>
      %dma_start3A_304 = arith.constant 0 : i32
      %dma_start3A_305 = tpu.memref_slice %arg18[%add3A_13, %dma_start3A_304] : memref<10000x64xf32, #tpu.memory_space<vmem_shared>> -> memref<156x64xf32, #tpu.memory_space<vmem_shared>>
      %dma_start3A_306 = arith.constant 0 : i32
      %dma_start3A_307 = tpu.memref_slice %arg18[%add3A_13, %dma_start3A_306] : memref<10000x64xf32, #tpu.memory_space<vmem_shared>> -> memref<156x64xf32, #tpu.memory_space<vmem_shared>>
      tpu.enqueue_dma source(%arg17 : memref<156x64xf32, #tpu.memory_space<vmem>>) target(%dma_start3A_307 : memref<156x64xf32, #tpu.memory_space<vmem_shared>>) target_semaphore(%run_scoped3A : memref<!tpu.dma_semaphore, #tpu.memory_space<semaphore_mem>>)
      %dma_wait3A_308 = arith.constant 0 : i32
      %dma_wait3A_309 = tpu.memref_slice %arg18[%add3A_13, %dma_wait3A_308] : memref<10000x64xf32, #tpu.memory_space<vmem_shared>> -> memref<156x64xf32, #tpu.memory_space<vmem_shared>>
      %dma_wait3A_310 = arith.constant 0 : i32
      %dma_wait3A_311 = tpu.memref_slice %arg18[%add3A_13, %dma_wait3A_310] : memref<10000x64xf32, #tpu.memory_space<vmem_shared>> -> memref<156x64xf32, #tpu.memory_space<vmem_shared>>
      tpu.wait_dma2 semaphore(%run_scoped3A : memref<!tpu.dma_semaphore, #tpu.memory_space<semaphore_mem>>) src(%arg17 : memref<156x64xf32, #tpu.memory_space<vmem>>) dst(%dma_wait3A_311 : memref<156x64xf32, #tpu.memory_space<vmem_shared>>)
      tpu.yield
    }) : () -> ()
    %add3A_14 = arith.constant 156 : i32
    %add3A_15 = arith.addi %multiple_of3A_5, %add3A_14 : i32
    "tpu.region"() ({
      %run_scoped3A = tpu.sem_alloc : memref<!tpu.dma_semaphore, #tpu.memory_space<semaphore_mem>>
      %dma_start3A_304 = arith.constant 0 : i32
      %dma_start3A_305 = tpu.memref_slice %arg18[%add3A_15, %dma_start3A_304] : memref<10000x64xf32, #tpu.memory_space<vmem_shared>> -> memref<156x64xf32, #tpu.memory_space<vmem_shared>>
      %dma_start3A_306 = arith.constant 0 : i32
      %dma_start3A_307 = tpu.memref_slice %arg18[%add3A_15, %dma_start3A_306] : memref<10000x64xf32, #tpu.memory_space<vmem_shared>> -> memref<156x64xf32, #tpu.memory_space<vmem_shared>>
      tpu.enqueue_dma source(%arg17 : memref<156x64xf32, #tpu.memory_space<vmem>>) target(%dma_start3A_307 : memref<156x64xf32, #tpu.memory_space<vmem_shared>>) target_semaphore(%run_scoped3A : memref<!tpu.dma_semaphore, #tpu.memory_space<semaphore_mem>>)
      %dma_wait3A_308 = arith.constant 0 : i32
      %dma_wait3A_309 = tpu.memref_slice %arg18[%add3A_15, %dma_wait3A_308] : memref<10000x64xf32, #tpu.memory_space<vmem_shared>> -> memref<156x64xf32, #tpu.memory_space<vmem_shared>>
      %dma_wait3A_310 = arith.constant 0 : i32
      %dma_wait3A_311 = tpu.memref_slice %arg18[%add3A_15, %dma_wait3A_310] : memref<10000x64xf32, #tpu.memory_space<vmem_shared>> -> memref<156x64xf32, #tpu.memory_space<vmem_shared>>
      tpu.wait_dma2 semaphore(%run_scoped3A : memref<!tpu.dma_semaphore, #tpu.memory_space<semaphore_mem>>) src(%arg17 : memref<156x64xf32, #tpu.memory_space<vmem>>) dst(%dma_wait3A_311 : memref<156x64xf32, #tpu.memory_space<vmem_shared>>)
      tpu.yield
    }) : () -> ()
    %add3A_16 = arith.constant 312 : i32
    %add3A_17 = arith.addi %multiple_of3A_5, %add3A_16 : i32
    "tpu.region"() ({
      %run_scoped3A = tpu.sem_alloc : memref<!tpu.dma_semaphore, #tpu.memory_space<semaphore_mem>>
      %dma_start3A_304 = arith.constant 0 : i32
      %dma_start3A_305 = tpu.memref_slice %arg18[%add3A_17, %dma_start3A_304] : memref<10000x64xf32, #tpu.memory_space<vmem_shared>> -> memref<156x64xf32, #tpu.memory_space<vmem_shared>>
      %dma_start3A_306 = arith.constant 0 : i32
      %dma_start3A_307 = tpu.memref_slice %arg18[%add3A_17, %dma_start3A_306] : memref<10000x64xf32, #tpu.memory_space<vmem_shared>> -> memref<156x64xf32, #tpu.memory_space<vmem_shared>>
      tpu.enqueue_dma source(%arg17 : memref<156x64xf32, #tpu.memory_space<vmem>>) target(%dma_start3A_307 : memref<156x64xf32, #tpu.memory_space<vmem_shared>>) target_semaphore(%run_scoped3A : memref<!tpu.dma_semaphore, #tpu.memory_space<semaphore_mem>>)
      %dma_wait3A_308 = arith.constant 0 : i32
      %dma_wait3A_309 = tpu.memref_slice %arg18[%add3A_17, %dma_wait3A_308] : memref<10000x64xf32, #tpu.memory_space<vmem_shared>> -> memref<156x64xf32, #tpu.memory_space<vmem_shared>>
      %dma_wait3A_310 = arith.constant 0 : i32
      %dma_wait3A_311 = tpu.memref_slice %arg18[%add3A_17, %dma_wait3A_310] : memref<10000x64xf32, #tpu.memory_space<vmem_shared>> -> memref<156x64xf32, #tpu.memory_space<vmem_shared>>
      tpu.wait_dma2 semaphore(%run_scoped3A : memref<!tpu.dma_semaphore, #tpu.memory_space<semaphore_mem>>) src(%arg17 : memref<156x64xf32, #tpu.memory_space<vmem>>) dst(%dma_wait3A_311 : memref<156x64xf32, #tpu.memory_space<vmem_shared>>)
      tpu.yield
    }) : () -> ()
    %add3A_18 = arith.constant 468 : i32
    %add3A_19 = arith.addi %multiple_of3A_5, %add3A_18 : i32
    "tpu.region"() ({
      %run_scoped3A = tpu.sem_alloc : memref<!tpu.dma_semaphore, #tpu.memory_space<semaphore_mem>>
      %dma_start3A_304 = arith.constant 0 : i32
      %dma_start3A_305 = tpu.memref_slice %arg18[%add3A_19, %dma_start3A_304] : memref<10000x64xf32, #tpu.memory_space<vmem_shared>> -> memref<156x64xf32, #tpu.memory_space<vmem_shared>>
      %dma_start3A_306 = arith.constant 0 : i32
      %dma_start3A_307 = tpu.memref_slice %arg18[%add3A_19, %dma_start3A_306] : memref<10000x64xf32, #tpu.memory_space<vmem_shared>> -> memref<156x64xf32, #tpu.memory_space<vmem_shared>>
      tpu.enqueue_dma source(%arg17 : memref<156x64xf32, #tpu.memory_space<vmem>>) target(%dma_start3A_307 : memref<156x64xf32, #tpu.memory_space<vmem_shared>>) target_semaphore(%run_scoped3A : memref<!tpu.dma_semaphore, #tpu.memory_space<semaphore_mem>>)
      %dma_wait3A_308 = arith.constant 0 : i32
      %dma_wait3A_309 = tpu.memref_slice %arg18[%add3A_19, %dma_wait3A_308] : memref<10000x64xf32, #tpu.memory_space<vmem_shared>> -> memref<156x64xf32, #tpu.memory_space<vmem_shared>>
      %dma_wait3A_310 = arith.constant 0 : i32
      %dma_wait3A_311 = tpu.memref_slice %arg18[%add3A_19, %dma_wait3A_310] : memref<10000x64xf32, #tpu.memory_space<vmem_shared>> -> memref<156x64xf32, #tpu.memory_space<vmem_shared>>
      tpu.wait_dma2 semaphore(%run_scoped3A : memref<!tpu.dma_semaphore, #tpu.memory_space<semaphore_mem>>) src(%arg17 : memref<156x64xf32, #tpu.memory_space<vmem>>) dst(%dma_wait3A_311 : memref<156x64xf32, #tpu.memory_space<vmem_shared>>)
      tpu.yield
    }) : () -> ()
    %eq3A = arith.constant 15 : i32
    %eq3A_20 = arith.cmpi eq, %arg1, %eq3A : i32
    %convert_element_type3A = arith.extui %eq3A_20 : i1 to i32
    %cond3A = arith.constant 0 : i32
    %cond3A_21 = arith.cmpi ne, %convert_element_type3A, %cond3A : i32
    scf.if %cond3A_21 {
      "tpu.region"() ({
        %run_scoped3A = tpu.sem_alloc : memref<!tpu.dma_semaphore, #tpu.memory_space<semaphore_mem>>
        %dma_start3A_304 = arith.constant 0 : i32
        %dma_start3A_305 = arith.constant 0 : i32
        %dma_start3A_306 = tpu.memref_slice %arg17[%dma_start3A_304, %dma_start3A_305] : memref<156x64xf32, #tpu.memory_space<vmem>> -> memref<16x64xf32, #tpu.memory_space<vmem>>
        %dma_start3A_307 = arith.constant 9984 : i32
        %dma_start3A_308 = arith.constant 0 : i32
        %dma_start3A_309 = tpu.memref_slice %arg18[%dma_start3A_307, %dma_start3A_308] : memref<10000x64xf32, #tpu.memory_space<vmem_shared>> -> memref<16x64xf32, #tpu.memory_space<vmem_shared>>
        %dma_start3A_310 = arith.constant 9984 : i32
        %dma_start3A_311 = arith.constant 0 : i32
        %dma_start3A_312 = tpu.memref_slice %arg18[%dma_start3A_310, %dma_start3A_311] : memref<10000x64xf32, #tpu.memory_space<vmem_shared>> -> memref<16x64xf32, #tpu.memory_space<vmem_shared>>
        %dma_start3A_313 = arith.constant 0 : i32
        %dma_start3A_314 = arith.constant 0 : i32
        %dma_start3A_315 = tpu.memref_slice %arg17[%dma_start3A_313, %dma_start3A_314] : memref<156x64xf32, #tpu.memory_space<vmem>> -> memref<16x64xf32, #tpu.memory_space<vmem>>
        tpu.enqueue_dma source(%dma_start3A_315 : memref<16x64xf32, #tpu.memory_space<vmem>>) target(%dma_start3A_312 : memref<16x64xf32, #tpu.memory_space<vmem_shared>>) target_semaphore(%run_scoped3A : memref<!tpu.dma_semaphore, #tpu.memory_space<semaphore_mem>>)
        %dma_wait3A_316 = arith.constant 0 : i32
        %dma_wait3A_317 = arith.constant 0 : i32
        %dma_wait3A_318 = tpu.memref_slice %arg17[%dma_wait3A_316, %dma_wait3A_317] : memref<156x64xf32, #tpu.memory_space<vmem>> -> memref<16x64xf32, #tpu.memory_space<vmem>>
        %dma_wait3A_319 = arith.constant 9984 : i32
        %dma_wait3A_320 = arith.constant 0 : i32
        %dma_wait3A_321 = tpu.memref_slice %arg18[%dma_wait3A_319, %dma_wait3A_320] : memref<10000x64xf32, #tpu.memory_space<vmem_shared>> -> memref<16x64xf32, #tpu.memory_space<vmem_shared>>
        %dma_wait3A_322 = arith.constant 9984 : i32
        %dma_wait3A_323 = arith.constant 0 : i32
        %dma_wait3A_324 = tpu.memref_slice %arg18[%dma_wait3A_322, %dma_wait3A_323] : memref<10000x64xf32, #tpu.memory_space<vmem_shared>> -> memref<16x64xf32, #tpu.memory_space<vmem_shared>>
        %dma_wait3A_325 = arith.constant 0 : i32
        %dma_wait3A_326 = arith.constant 0 : i32
        %dma_wait3A_327 = tpu.memref_slice %arg17[%dma_wait3A_325, %dma_wait3A_326] : memref<156x64xf32, #tpu.memory_space<vmem>> -> memref<16x64xf32, #tpu.memory_space<vmem>>
        tpu.wait_dma2 semaphore(%run_scoped3A : memref<!tpu.dma_semaphore, #tpu.memory_space<semaphore_mem>>) src(%dma_wait3A_327 : memref<16x64xf32, #tpu.memory_space<vmem>>) dst(%dma_wait3A_324 : memref<16x64xf32, #tpu.memory_space<vmem_shared>>)
        tpu.yield
      }) : () -> ()
    } else {
    }
    "tpu.region"() ({
      %run_scoped3A = tpu.sem_alloc : memref<!tpu.dma_semaphore, #tpu.memory_space<semaphore_mem>>
      %dma_start3A_304 = tpu.memref_slice %arg2[%multiple_of3A] : memref<320000xi32, #tpu.memory_space<hbm>> -> memref<10000xi32, #tpu.memory_space<hbm>>
      %dma_start3A_305 = tpu.memref_slice %arg2[%multiple_of3A] : memref<320000xi32, #tpu.memory_space<hbm>> -> memref<10000xi32, #tpu.memory_space<hbm>>
      tpu.enqueue_dma source(%dma_start3A_305 : memref<10000xi32, #tpu.memory_space<hbm>>) target(%arg6 : memref<10000xi32, #tpu.memory_space<vmem>>) target_semaphore(%run_scoped3A : memref<!tpu.dma_semaphore, #tpu.memory_space<semaphore_mem>>)
      %dma_wait3A_306 = tpu.memref_slice %arg2[%multiple_of3A] : memref<320000xi32, #tpu.memory_space<hbm>> -> memref<10000xi32, #tpu.memory_space<hbm>>
      %dma_wait3A_307 = tpu.memref_slice %arg2[%multiple_of3A] : memref<320000xi32, #tpu.memory_space<hbm>> -> memref<10000xi32, #tpu.memory_space<hbm>>
      tpu.wait_dma2 semaphore(%run_scoped3A : memref<!tpu.dma_semaphore, #tpu.memory_space<semaphore_mem>>) src(%dma_wait3A_307 : memref<10000xi32, #tpu.memory_space<hbm>>) dst(%arg6 : memref<10000xi32, #tpu.memory_space<vmem>>)
      tpu.yield
    }) : () -> ()
    "tpu.region"() ({
      %run_scoped3A = tpu.sem_alloc : memref<!tpu.dma_semaphore, #tpu.memory_space<semaphore_mem>>
      %dma_start3A_304 = tpu.memref_slice %arg3[%multiple_of3A] : memref<320000xi32, #tpu.memory_space<hbm>> -> memref<10000xi32, #tpu.memory_space<hbm>>
      %dma_start3A_305 = tpu.memref_slice %arg3[%multiple_of3A] : memref<320000xi32, #tpu.memory_space<hbm>> -> memref<10000xi32, #tpu.memory_space<hbm>>
      tpu.enqueue_dma source(%dma_start3A_305 : memref<10000xi32, #tpu.memory_space<hbm>>) target(%arg7 : memref<10000xi32, #tpu.memory_space<vmem>>) target_semaphore(%run_scoped3A : memref<!tpu.dma_semaphore, #tpu.memory_space<semaphore_mem>>)
      %dma_wait3A_306 = tpu.memref_slice %arg3[%multiple_of3A] : memref<320000xi32, #tpu.memory_space<hbm>> -> memref<10000xi32, #tpu.memory_space<hbm>>
      %dma_wait3A_307 = tpu.memref_slice %arg3[%multiple_of3A] : memref<320000xi32, #tpu.memory_space<hbm>> -> memref<10000xi32, #tpu.memory_space<hbm>>
      tpu.wait_dma2 semaphore(%run_scoped3A : memref<!tpu.dma_semaphore, #tpu.memory_space<semaphore_mem>>) src(%dma_wait3A_307 : memref<10000xi32, #tpu.memory_space<hbm>>) dst(%arg7 : memref<10000xi32, #tpu.memory_space<vmem>>)
      tpu.yield
    }) : () -> ()
    %barrier3A = arith.constant 0 : index
    tpu.barrier barrier_id(%barrier3A)
    %get3A = arith.constant 0 : index
    %get3A_22 = tpu.vector_load %arg6[%get3A] {strides = array<i32>} : memref<10000xi32, #tpu.memory_space<vmem>>, vector<16xi32>,
    %get3A_23 = vector.shape_cast %get3A_22 : vector<16xi32> to vector<16xi32>
    %swap3A = arith.constant 0 : index
    %swap3A_24 = tpu.vector_load %arg8[%swap3A] {strides = array<i32>} : memref<128xi32, #tpu.memory_space<vmem>>, vector<16xi32>,
    %swap3A_25 = vector.shape_cast %swap3A_24 : vector<16xi32> to vector<16xi32>
    %swap3A_26 = vector.shape_cast %get3A_23 : vector<16xi32> to vector<16xi32>
    tpu.vector_store %arg8[%swap3A], %swap3A_26 {strides = array<i32>} : memref<128xi32, #tpu.memory_space<vmem>>, vector<16xi32>,
    %get3A_27 = arith.constant 0 : index
    %get3A_28 = tpu.vector_load %arg7[%get3A_27] {strides = array<i32>} : memref<10000xi32, #tpu.memory_space<vmem>>, vector<16xi32>,
    %get3A_29 = vector.shape_cast %get3A_28 : vector<16xi32> to vector<16xi32>
    %swap3A_30 = arith.constant 0 : index
    %swap3A_31 = tpu.vector_load %arg10[%swap3A_30] {strides = array<i32>} : memref<128xi32, #tpu.memory_space<vmem>>, vector<16xi32>,
    %swap3A_32 = vector.shape_cast %swap3A_31 : vector<16xi32> to vector<16xi32>
    %swap3A_33 = vector.shape_cast %get3A_29 : vector<16xi32> to vector<16xi32>
    tpu.vector_store %arg10[%swap3A_30], %swap3A_33 {strides = array<i32>} : memref<128xi32, #tpu.memory_space<vmem>>, vector<16xi32>,
    %get3A_34 = arith.constant 16 : index
    %get3A_35 = tpu.vector_load %arg6[%get3A_34] {strides = array<i32>} : memref<10000xi32, #tpu.memory_space<vmem>>, vector<16xi32>,
    %get3A_36 = vector.shape_cast %get3A_35 : vector<16xi32> to vector<16xi32>
    %swap3A_37 = arith.constant 16 : index
    %swap3A_38 = tpu.vector_load %arg8[%swap3A_37] {strides = array<i32>} : memref<128xi32, #tpu.memory_space<vmem>>, vector<16xi32>,
    %swap3A_39 = vector.shape_cast %swap3A_38 : vector<16xi32> to vector<16xi32>
    %swap3A_40 = vector.shape_cast %get3A_36 : vector<16xi32> to vector<16xi32>
    tpu.vector_store %arg8[%swap3A_37], %swap3A_40 {strides = array<i32>} : memref<128xi32, #tpu.memory_space<vmem>>, vector<16xi32>,
    %get3A_41 = arith.constant 16 : index
    %get3A_42 = tpu.vector_load %arg7[%get3A_41] {strides = array<i32>} : memref<10000xi32, #tpu.memory_space<vmem>>, vector<16xi32>,
    %get3A_43 = vector.shape_cast %get3A_42 : vector<16xi32> to vector<16xi32>
    %swap3A_44 = arith.constant 16 : index
    %swap3A_45 = tpu.vector_load %arg10[%swap3A_44] {strides = array<i32>} : memref<128xi32, #tpu.memory_space<vmem>>, vector<16xi32>,
    %swap3A_46 = vector.shape_cast %swap3A_45 : vector<16xi32> to vector<16xi32>
    %swap3A_47 = vector.shape_cast %get3A_43 : vector<16xi32> to vector<16xi32>
    tpu.vector_store %arg10[%swap3A_44], %swap3A_47 {strides = array<i32>} : memref<128xi32, #tpu.memory_space<vmem>>, vector<16xi32>,
    %get3A_48 = arith.constant 32 : index
    %get3A_49 = tpu.vector_load %arg6[%get3A_48] {strides = array<i32>} : memref<10000xi32, #tpu.memory_space<vmem>>, vector<16xi32>,
    %get3A_50 = vector.shape_cast %get3A_49 : vector<16xi32> to vector<16xi32>
    %swap3A_51 = arith.constant 32 : index
    %swap3A_52 = tpu.vector_load %arg8[%swap3A_51] {strides = array<i32>} : memref<128xi32, #tpu.memory_space<vmem>>, vector<16xi32>,
    %swap3A_53 = vector.shape_cast %swap3A_52 : vector<16xi32> to vector<16xi32>
    %swap3A_54 = vector.shape_cast %get3A_50 : vector<16xi32> to vector<16xi32>
    tpu.vector_store %arg8[%swap3A_51], %swap3A_54 {strides = array<i32>} : memref<128xi32, #tpu.memory_space<vmem>>, vector<16xi32>,
    %get3A_55 = arith.constant 32 : index
    %get3A_56 = tpu.vector_load %arg7[%get3A_55] {strides = array<i32>} : memref<10000xi32, #tpu.memory_space<vmem>>, vector<16xi32>,
    %get3A_57 = vector.shape_cast %get3A_56 : vector<16xi32> to vector<16xi32>
    %swap3A_58 = arith.constant 32 : index
    %swap3A_59 = tpu.vector_load %arg10[%swap3A_58] {strides = array<i32>} : memref<128xi32, #tpu.memory_space<vmem>>, vector<16xi32>,
    %swap3A_60 = vector.shape_cast %swap3A_59 : vector<16xi32> to vector<16xi32>
    %swap3A_61 = vector.shape_cast %get3A_57 : vector<16xi32> to vector<16xi32>
    tpu.vector_store %arg10[%swap3A_58], %swap3A_61 {strides = array<i32>} : memref<128xi32, #tpu.memory_space<vmem>>, vector<16xi32>,
    %get3A_62 = arith.constant 48 : index
    %get3A_63 = tpu.vector_load %arg6[%get3A_62] {strides = array<i32>} : memref<10000xi32, #tpu.memory_space<vmem>>, vector<16xi32>,
    %get3A_64 = vector.shape_cast %get3A_63 : vector<16xi32> to vector<16xi32>
    %swap3A_65 = arith.constant 48 : index
    %swap3A_66 = tpu.vector_load %arg8[%swap3A_65] {strides = array<i32>} : memref<128xi32, #tpu.memory_space<vmem>>, vector<16xi32>,
    %swap3A_67 = vector.shape_cast %swap3A_66 : vector<16xi32> to vector<16xi32>
    %swap3A_68 = vector.shape_cast %get3A_64 : vector<16xi32> to vector<16xi32>
    tpu.vector_store %arg8[%swap3A_65], %swap3A_68 {strides = array<i32>} : memref<128xi32, #tpu.memory_space<vmem>>, vector<16xi32>,
    %get3A_69 = arith.constant 48 : index
    %get3A_70 = tpu.vector_load %arg7[%get3A_69] {strides = array<i32>} : memref<10000xi32, #tpu.memory_space<vmem>>, vector<16xi32>,
    %get3A_71 = vector.shape_cast %get3A_70 : vector<16xi32> to vector<16xi32>
    %swap3A_72 = arith.constant 48 : index
    %swap3A_73 = tpu.vector_load %arg10[%swap3A_72] {strides = array<i32>} : memref<128xi32, #tpu.memory_space<vmem>>, vector<16xi32>,
    %swap3A_74 = vector.shape_cast %swap3A_73 : vector<16xi32> to vector<16xi32>
    %swap3A_75 = vector.shape_cast %get3A_71 : vector<16xi32> to vector<16xi32>
    tpu.vector_store %arg10[%swap3A_72], %swap3A_75 {strides = array<i32>} : memref<128xi32, #tpu.memory_space<vmem>>, vector<16xi32>,
    %get3A_76 = arith.constant 64 : index
    %get3A_77 = tpu.vector_load %arg6[%get3A_76] {strides = array<i32>} : memref<10000xi32, #tpu.memory_space<vmem>>, vector<16xi32>,
    %get3A_78 = vector.shape_cast %get3A_77 : vector<16xi32> to vector<16xi32>
    %swap3A_79 = arith.constant 64 : index
    %swap3A_80 = tpu.vector_load %arg8[%swap3A_79] {strides = array<i32>} : memref<128xi32, #tpu.memory_space<vmem>>, vector<16xi32>,
    %swap3A_81 = vector.shape_cast %swap3A_80 : vector<16xi32> to vector<16xi32>
    %swap3A_82 = vector.shape_cast %get3A_78 : vector<16xi32> to vector<16xi32>
    tpu.vector_store %arg8[%swap3A_79], %swap3A_82 {strides = array<i32>} : memref<128xi32, #tpu.memory_space<vmem>>, vector<16xi32>,
    %get3A_83 = arith.constant 64 : index
    %get3A_84 = tpu.vector_load %arg7[%get3A_83] {strides = array<i32>} : memref<10000xi32, #tpu.memory_space<vmem>>, vector<16xi32>,
    %get3A_85 = vector.shape_cast %get3A_84 : vector<16xi32> to vector<16xi32>
    %swap3A_86 = arith.constant 64 : index
    %swap3A_87 = tpu.vector_load %arg10[%swap3A_86] {strides = array<i32>} : memref<128xi32, #tpu.memory_space<vmem>>, vector<16xi32>,
    %swap3A_88 = vector.shape_cast %swap3A_87 : vector<16xi32> to vector<16xi32>
    %swap3A_89 = vector.shape_cast %get3A_85 : vector<16xi32> to vector<16xi32>
    tpu.vector_store %arg10[%swap3A_86], %swap3A_89 {strides = array<i32>} : memref<128xi32, #tpu.memory_space<vmem>>, vector<16xi32>,
    %get3A_90 = arith.constant 80 : index
    %get3A_91 = tpu.vector_load %arg6[%get3A_90] {strides = array<i32>} : memref<10000xi32, #tpu.memory_space<vmem>>, vector<16xi32>,
    %get3A_92 = vector.shape_cast %get3A_91 : vector<16xi32> to vector<16xi32>
    %swap3A_93 = arith.constant 80 : index
    %swap3A_94 = tpu.vector_load %arg8[%swap3A_93] {strides = array<i32>} : memref<128xi32, #tpu.memory_space<vmem>>, vector<16xi32>,
    %swap3A_95 = vector.shape_cast %swap3A_94 : vector<16xi32> to vector<16xi32>
    %swap3A_96 = vector.shape_cast %get3A_92 : vector<16xi32> to vector<16xi32>
    tpu.vector_store %arg8[%swap3A_93], %swap3A_96 {strides = array<i32>} : memref<128xi32, #tpu.memory_space<vmem>>, vector<16xi32>,
    %get3A_97 = arith.constant 80 : index
    %get3A_98 = tpu.vector_load %arg7[%get3A_97] {strides = array<i32>} : memref<10000xi32, #tpu.memory_space<vmem>>, vector<16xi32>,
    %get3A_99 = vector.shape_cast %get3A_98 : vector<16xi32> to vector<16xi32>
    %swap3A_100 = arith.constant 80 : index
    %swap3A_101 = tpu.vector_load %arg10[%swap3A_100] {strides = array<i32>} : memref<128xi32, #tpu.memory_space<vmem>>, vector<16xi32>,
    %swap3A_102 = vector.shape_cast %swap3A_101 : vector<16xi32> to vector<16xi32>
    %swap3A_103 = vector.shape_cast %get3A_99 : vector<16xi32> to vector<16xi32>
    tpu.vector_store %arg10[%swap3A_100], %swap3A_103 {strides = array<i32>} : memref<128xi32, #tpu.memory_space<vmem>>, vector<16xi32>,
    %get3A_104 = arith.constant 96 : index
    %get3A_105 = tpu.vector_load %arg6[%get3A_104] {strides = array<i32>} : memref<10000xi32, #tpu.memory_space<vmem>>, vector<16xi32>,
    %get3A_106 = vector.shape_cast %get3A_105 : vector<16xi32> to vector<16xi32>
    %swap3A_107 = arith.constant 96 : index
    %swap3A_108 = tpu.vector_load %arg8[%swap3A_107] {strides = array<i32>} : memref<128xi32, #tpu.memory_space<vmem>>, vector<16xi32>,
    %swap3A_109 = vector.shape_cast %swap3A_108 : vector<16xi32> to vector<16xi32>
    %swap3A_110 = vector.shape_cast %get3A_106 : vector<16xi32> to vector<16xi32>
    tpu.vector_store %arg8[%swap3A_107], %swap3A_110 {strides = array<i32>} : memref<128xi32, #tpu.memory_space<vmem>>, vector<16xi32>,
    %get3A_111 = arith.constant 96 : index
    %get3A_112 = tpu.vector_load %arg7[%get3A_111] {strides = array<i32>} : memref<10000xi32, #tpu.memory_space<vmem>>, vector<16xi32>,
    %get3A_113 = vector.shape_cast %get3A_112 : vector<16xi32> to vector<16xi32>
    %swap3A_114 = arith.constant 96 : index
    %swap3A_115 = tpu.vector_load %arg10[%swap3A_114] {strides = array<i32>} : memref<128xi32, #tpu.memory_space<vmem>>, vector<16xi32>,
    %swap3A_116 = vector.shape_cast %swap3A_115 : vector<16xi32> to vector<16xi32>
    %swap3A_117 = vector.shape_cast %get3A_113 : vector<16xi32> to vector<16xi32>
    tpu.vector_store %arg10[%swap3A_114], %swap3A_117 {strides = array<i32>} : memref<128xi32, #tpu.memory_space<vmem>>, vector<16xi32>,
    %get3A_118 = arith.constant 112 : index
    %get3A_119 = tpu.vector_load %arg6[%get3A_118] {strides = array<i32>} : memref<10000xi32, #tpu.memory_space<vmem>>, vector<16xi32>,
    %get3A_120 = vector.shape_cast %get3A_119 : vector<16xi32> to vector<16xi32>
    %swap3A_121 = arith.constant 112 : index
    %swap3A_122 = tpu.vector_load %arg8[%swap3A_121] {strides = array<i32>} : memref<128xi32, #tpu.memory_space<vmem>>, vector<16xi32>,
    %swap3A_123 = vector.shape_cast %swap3A_122 : vector<16xi32> to vector<16xi32>
    %swap3A_124 = vector.shape_cast %get3A_120 : vector<16xi32> to vector<16xi32>
    tpu.vector_store %arg8[%swap3A_121], %swap3A_124 {strides = array<i32>} : memref<128xi32, #tpu.memory_space<vmem>>, vector<16xi32>,
    %get3A_125 = arith.constant 112 : index
    %get3A_126 = tpu.vector_load %arg7[%get3A_125] {strides = array<i32>} : memref<10000xi32, #tpu.memory_space<vmem>>, vector<16xi32>,
    %get3A_127 = vector.shape_cast %get3A_126 : vector<16xi32> to vector<16xi32>
    %swap3A_128 = arith.constant 112 : index
    %swap3A_129 = tpu.vector_load %arg10[%swap3A_128] {strides = array<i32>} : memref<128xi32, #tpu.memory_space<vmem>>, vector<16xi32>,
    %swap3A_130 = vector.shape_cast %swap3A_129 : vector<16xi32> to vector<16xi32>
    %swap3A_131 = vector.shape_cast %get3A_127 : vector<16xi32> to vector<16xi32>
    tpu.vector_store %arg10[%swap3A_128], %swap3A_131 {strides = array<i32>} : memref<128xi32, #tpu.memory_space<vmem>>, vector<16xi32>,
    %dma_start3A = arith.constant 0 : i32
    %dma_start3A_132 = arith.constant 0 : i32
    %dma_start3A_133 = tpu.memref_slice %arg4[%dma_start3A, %dma_start3A_132] : memref<10000x64xf32, #tpu.memory_space<hbm>> -> memref<10000x64xf32, #tpu.memory_space<hbm>>
    tpu.enqueue_indirect_dma source(%dma_start3A_133 : memref<10000x64xf32, #tpu.memory_space<hbm>>) target(%arg14 : memref<128x64xf32, #tpu.memory_space<vmem>>) offsets(%arg8 : memref<128xi32, #tpu.memory_space<vmem>>) semaphore(%arg19 : memref<!tpu.dma_semaphore, #tpu.memory_space<semaphore_mem>>)
    %get3A_134 = arith.constant 128 : index
    %get3A_135 = tpu.vector_load %arg6[%get3A_134] {strides = array<i32>} : memref<10000xi32, #tpu.memory_space<vmem>>, vector<16xi32>,
    %get3A_136 = vector.shape_cast %get3A_135 : vector<16xi32> to vector<16xi32>
    %swap3A_137 = arith.constant 0 : index
    %swap3A_138 = tpu.vector_load %arg9[%swap3A_137] {strides = array<i32>} : memref<128xi32, #tpu.memory_space<vmem>>, vector<16xi32>,
    %swap3A_139 = vector.shape_cast %swap3A_138 : vector<16xi32> to vector<16xi32>
    %swap3A_140 = vector.shape_cast %get3A_136 : vector<16xi32> to vector<16xi32>
    tpu.vector_store %arg9[%swap3A_137], %swap3A_140 {strides = array<i32>} : memref<128xi32, #tpu.memory_space<vmem>>, vector<16xi32>,
    %get3A_141 = arith.constant 128 : index
    %get3A_142 = tpu.vector_load %arg7[%get3A_141] {strides = array<i32>} : memref<10000xi32, #tpu.memory_space<vmem>>, vector<16xi32>,
    %get3A_143 = vector.shape_cast %get3A_142 : vector<16xi32> to vector<16xi32>
    %swap3A_144 = arith.constant 0 : index
    %swap3A_145 = tpu.vector_load %arg11[%swap3A_144] {strides = array<i32>} : memref<128xi32, #tpu.memory_space<vmem>>, vector<16xi32>,
    %swap3A_146 = vector.shape_cast %swap3A_145 : vector<16xi32> to vector<16xi32>
    %swap3A_147 = vector.shape_cast %get3A_143 : vector<16xi32> to vector<16xi32>
    tpu.vector_store %arg11[%swap3A_144], %swap3A_147 {strides = array<i32>} : memref<128xi32, #tpu.memory_space<vmem>>, vector<16xi32>,
    %get3A_148 = arith.constant 144 : index
    %get3A_149 = tpu.vector_load %arg6[%get3A_148] {strides = array<i32>} : memref<10000xi32, #tpu.memory_space<vmem>>, vector<16xi32>,
    %get3A_150 = vector.shape_cast %get3A_149 : vector<16xi32> to vector<16xi32>
    %swap3A_151 = arith.constant 16 : index
    %swap3A_152 = tpu.vector_load %arg9[%swap3A_151] {strides = array<i32>} : memref<128xi32, #tpu.memory_space<vmem>>, vector<16xi32>,
    %swap3A_153 = vector.shape_cast %swap3A_152 : vector<16xi32> to vector<16xi32>
    %swap3A_154 = vector.shape_cast %get3A_150 : vector<16xi32> to vector<16xi32>
    tpu.vector_store %arg9[%swap3A_151], %swap3A_154 {strides = array<i32>} : memref<128xi32, #tpu.memory_space<vmem>>, vector<16xi32>,
    %get3A_155 = arith.constant 144 : index
    %get3A_156 = tpu.vector_load %arg7[%get3A_155] {strides = array<i32>} : memref<10000xi32, #tpu.memory_space<vmem>>, vector<16xi32>,
    %get3A_157 = vector.shape_cast %get3A_156 : vector<16xi32> to vector<16xi32>
    %swap3A_158 = arith.constant 16 : index
    %swap3A_159 = tpu.vector_load %arg11[%swap3A_158] {strides = array<i32>} : memref<128xi32, #tpu.memory_space<vmem>>, vector<16xi32>,
    %swap3A_160 = vector.shape_cast %swap3A_159 : vector<16xi32> to vector<16xi32>
    %swap3A_161 = vector.shape_cast %get3A_157 : vector<16xi32> to vector<16xi32>
    tpu.vector_store %arg11[%swap3A_158], %swap3A_161 {strides = array<i32>} : memref<128xi32, #tpu.memory_space<vmem>>, vector<16xi32>,
    %get3A_162 = arith.constant 160 : index
    %get3A_163 = tpu.vector_load %arg6[%get3A_162] {strides = array<i32>} : memref<10000xi32, #tpu.memory_space<vmem>>, vector<16xi32>,
    %get3A_164 = vector.shape_cast %get3A_163 : vector<16xi32> to vector<16xi32>
    %swap3A_165 = arith.constant 32 : index
    %swap3A_166 = tpu.vector_load %arg9[%swap3A_165] {strides = array<i32>} : memref<128xi32, #tpu.memory_space<vmem>>, vector<16xi32>,
    %swap3A_167 = vector.shape_cast %swap3A_166 : vector<16xi32> to vector<16xi32>
    %swap3A_168 = vector.shape_cast %get3A_164 : vector<16xi32> to vector<16xi32>
    tpu.vector_store %arg9[%swap3A_165], %swap3A_168 {strides = array<i32>} : memref<128xi32, #tpu.memory_space<vmem>>, vector<16xi32>,
    %get3A_169 = arith.constant 160 : index
    %get3A_170 = tpu.vector_load %arg7[%get3A_169] {strides = array<i32>} : memref<10000xi32, #tpu.memory_space<vmem>>, vector<16xi32>,
    %get3A_171 = vector.shape_cast %get3A_170 : vector<16xi32> to vector<16xi32>
    %swap3A_172 = arith.constant 32 : index
    %swap3A_173 = tpu.vector_load %arg11[%swap3A_172] {strides = array<i32>} : memref<128xi32, #tpu.memory_space<vmem>>, vector<16xi32>,
    %swap3A_174 = vector.shape_cast %swap3A_173 : vector<16xi32> to vector<16xi32>
    %swap3A_175 = vector.shape_cast %get3A_171 : vector<16xi32> to vector<16xi32>
    tpu.vector_store %arg11[%swap3A_172], %swap3A_175 {strides = array<i32>} : memref<128xi32, #tpu.memory_space<vmem>>, vector<16xi32>,
    %get3A_176 = arith.constant 176 : index
    %get3A_177 = tpu.vector_load %arg6[%get3A_176] {strides = array<i32>} : memref<10000xi32, #tpu.memory_space<vmem>>, vector<16xi32>,
    %get3A_178 = vector.shape_cast %get3A_177 : vector<16xi32> to vector<16xi32>
    %swap3A_179 = arith.constant 48 : index
    %swap3A_180 = tpu.vector_load %arg9[%swap3A_179] {strides = array<i32>} : memref<128xi32, #tpu.memory_space<vmem>>, vector<16xi32>,
    %swap3A_181 = vector.shape_cast %swap3A_180 : vector<16xi32> to vector<16xi32>
    %swap3A_182 = vector.shape_cast %get3A_178 : vector<16xi32> to vector<16xi32>
    tpu.vector_store %arg9[%swap3A_179], %swap3A_182 {strides = array<i32>} : memref<128xi32, #tpu.memory_space<vmem>>, vector<16xi32>,
    %get3A_183 = arith.constant 176 : index
    %get3A_184 = tpu.vector_load %arg7[%get3A_183] {strides = array<i32>} : memref<10000xi32, #tpu.memory_space<vmem>>, vector<16xi32>,
    %get3A_185 = vector.shape_cast %get3A_184 : vector<16xi32> to vector<16xi32>
    %swap3A_186 = arith.constant 48 : index
    %swap3A_187 = tpu.vector_load %arg11[%swap3A_186] {strides = array<i32>} : memref<128xi32, #tpu.memory_space<vmem>>, vector<16xi32>,
    %swap3A_188 = vector.shape_cast %swap3A_187 : vector<16xi32> to vector<16xi32>
    %swap3A_189 = vector.shape_cast %get3A_185 : vector<16xi32> to vector<16xi32>
    tpu.vector_store %arg11[%swap3A_186], %swap3A_189 {strides = array<i32>} : memref<128xi32, #tpu.memory_space<vmem>>, vector<16xi32>,
    %get3A_190 = arith.constant 192 : index
    %get3A_191 = tpu.vector_load %arg6[%get3A_190] {strides = array<i32>} : memref<10000xi32, #tpu.memory_space<vmem>>, vector<16xi32>,
    %get3A_192 = vector.shape_cast %get3A_191 : vector<16xi32> to vector<16xi32>
    %swap3A_193 = arith.constant 64 : index
    %swap3A_194 = tpu.vector_load %arg9[%swap3A_193] {strides = array<i32>} : memref<128xi32, #tpu.memory_space<vmem>>, vector<16xi32>,
    %swap3A_195 = vector.shape_cast %swap3A_194 : vector<16xi32> to vector<16xi32>
    %swap3A_196 = vector.shape_cast %get3A_192 : vector<16xi32> to vector<16xi32>
    tpu.vector_store %arg9[%swap3A_193], %swap3A_196 {strides = array<i32>} : memref<128xi32, #tpu.memory_space<vmem>>, vector<16xi32>,
    %get3A_197 = arith.constant 192 : index
    %get3A_198 = tpu.vector_load %arg7[%get3A_197] {strides = array<i32>} : memref<10000xi32, #tpu.memory_space<vmem>>, vector<16xi32>,
    %get3A_199 = vector.shape_cast %get3A_198 : vector<16xi32> to vector<16xi32>
    %swap3A_200 = arith.constant 64 : index
    %swap3A_201 = tpu.vector_load %arg11[%swap3A_200] {strides = array<i32>} : memref<128xi32, #tpu.memory_space<vmem>>, vector<16xi32>,
    %swap3A_202 = vector.shape_cast %swap3A_201 : vector<16xi32> to vector<16xi32>
    %swap3A_203 = vector.shape_cast %get3A_199 : vector<16xi32> to vector<16xi32>
    tpu.vector_store %arg11[%swap3A_200], %swap3A_203 {strides = array<i32>} : memref<128xi32, #tpu.memory_space<vmem>>, vector<16xi32>,
    %get3A_204 = arith.constant 208 : index
    %get3A_205 = tpu.vector_load %arg6[%get3A_204] {strides = array<i32>} : memref<10000xi32, #tpu.memory_space<vmem>>, vector<16xi32>,
    %get3A_206 = vector.shape_cast %get3A_205 : vector<16xi32> to vector<16xi32>
    %swap3A_207 = arith.constant 80 : index
    %swap3A_208 = tpu.vector_load %arg9[%swap3A_207] {strides = array<i32>} : memref<128xi32, #tpu.memory_space<vmem>>, vector<16xi32>,
    %swap3A_209 = vector.shape_cast %swap3A_208 : vector<16xi32> to vector<16xi32>
    %swap3A_210 = vector.shape_cast %get3A_206 : vector<16xi32> to vector<16xi32>
    tpu.vector_store %arg9[%swap3A_207], %swap3A_210 {strides = array<i32>} : memref<128xi32, #tpu.memory_space<vmem>>, vector<16xi32>,
    %get3A_211 = arith.constant 208 : index
    %get3A_212 = tpu.vector_load %arg7[%get3A_211] {strides = array<i32>} : memref<10000xi32, #tpu.memory_space<vmem>>, vector<16xi32>,
    %get3A_213 = vector.shape_cast %get3A_212 : vector<16xi32> to vector<16xi32>
    %swap3A_214 = arith.constant 80 : index
    %swap3A_215 = tpu.vector_load %arg11[%swap3A_214] {strides = array<i32>} : memref<128xi32, #tpu.memory_space<vmem>>, vector<16xi32>,
    %swap3A_216 = vector.shape_cast %swap3A_215 : vector<16xi32> to vector<16xi32>
    %swap3A_217 = vector.shape_cast %get3A_213 : vector<16xi32> to vector<16xi32>
    tpu.vector_store %arg11[%swap3A_214], %swap3A_217 {strides = array<i32>} : memref<128xi32, #tpu.memory_space<vmem>>, vector<16xi32>,
    %get3A_218 = arith.constant 224 : index
    %get3A_219 = tpu.vector_load %arg6[%get3A_218] {strides = array<i32>} : memref<10000xi32, #tpu.memory_space<vmem>>, vector<16xi32>,
    %get3A_220 = vector.shape_cast %get3A_219 : vector<16xi32> to vector<16xi32>
    %swap3A_221 = arith.constant 96 : index
    %swap3A_222 = tpu.vector_load %arg9[%swap3A_221] {strides = array<i32>} : memref<128xi32, #tpu.memory_space<vmem>>, vector<16xi32>,
    %swap3A_223 = vector.shape_cast %swap3A_222 : vector<16xi32> to vector<16xi32>
    %swap3A_224 = vector.shape_cast %get3A_220 : vector<16xi32> to vector<16xi32>
    tpu.vector_store %arg9[%swap3A_221], %swap3A_224 {strides = array<i32>} : memref<128xi32, #tpu.memory_space<vmem>>, vector<16xi32>,
    %get3A_225 = arith.constant 224 : index
    %get3A_226 = tpu.vector_load %arg7[%get3A_225] {strides = array<i32>} : memref<10000xi32, #tpu.memory_space<vmem>>, vector<16xi32>,
    %get3A_227 = vector.shape_cast %get3A_226 : vector<16xi32> to vector<16xi32>
    %swap3A_228 = arith.constant 96 : index
    %swap3A_229 = tpu.vector_load %arg11[%swap3A_228] {strides = array<i32>} : memref<128xi32, #tpu.memory_space<vmem>>, vector<16xi32>,
    %swap3A_230 = vector.shape_cast %swap3A_229 : vector<16xi32> to vector<16xi32>
    %swap3A_231 = vector.shape_cast %get3A_227 : vector<16xi32> to vector<16xi32>
    tpu.vector_store %arg11[%swap3A_228], %swap3A_231 {strides = array<i32>} : memref<128xi32, #tpu.memory_space<vmem>>, vector<16xi32>,
    %get3A_232 = arith.constant 240 : index
    %get3A_233 = tpu.vector_load %arg6[%get3A_232] {strides = array<i32>} : memref<10000xi32, #tpu.memory_space<vmem>>, vector<16xi32>,
    %get3A_234 = vector.shape_cast %get3A_233 : vector<16xi32> to vector<16xi32>
    %swap3A_235 = arith.constant 112 : index
    %swap3A_236 = tpu.vector_load %arg9[%swap3A_235] {strides = array<i32>} : memref<128xi32, #tpu.memory_space<vmem>>, vector<16xi32>,
    %swap3A_237 = vector.shape_cast %swap3A_236 : vector<16xi32> to vector<16xi32>
    %swap3A_238 = vector.shape_cast %get3A_234 : vector<16xi32> to vector<16xi32>
    tpu.vector_store %arg9[%swap3A_235], %swap3A_238 {strides = array<i32>} : memref<128xi32, #tpu.memory_space<vmem>>, vector<16xi32>,
    %get3A_239 = arith.constant 240 : index
    %get3A_240 = tpu.vector_load %arg7[%get3A_239] {strides = array<i32>} : memref<10000xi32, #tpu.memory_space<vmem>>, vector<16xi32>,
    %get3A_241 = vector.shape_cast %get3A_240 : vector<16xi32> to vector<16xi32>
    %swap3A_242 = arith.constant 112 : index
    %swap3A_243 = tpu.vector_load %arg11[%swap3A_242] {strides = array<i32>} : memref<128xi32, #tpu.memory_space<vmem>>, vector<16xi32>,
    %swap3A_244 = vector.shape_cast %swap3A_243 : vector<16xi32> to vector<16xi32>
    %swap3A_245 = vector.shape_cast %get3A_241 : vector<16xi32> to vector<16xi32>
    tpu.vector_store %arg11[%swap3A_242], %swap3A_245 {strides = array<i32>} : memref<128xi32, #tpu.memory_space<vmem>>, vector<16xi32>,
    %dma_start3A_246 = arith.constant 0 : i32
    %dma_start3A_247 = arith.constant 0 : i32
    %dma_start3A_248 = tpu.memref_slice %arg4[%dma_start3A_246, %dma_start3A_247] : memref<10000x64xf32, #tpu.memory_space<hbm>> -> memref<10000x64xf32, #tpu.memory_space<hbm>>
    tpu.enqueue_indirect_dma source(%dma_start3A_248 : memref<10000x64xf32, #tpu.memory_space<hbm>>) target(%arg15 : memref<128x64xf32, #tpu.memory_space<vmem>>) offsets(%arg9 : memref<128xi32, #tpu.memory_space<vmem>>) semaphore(%arg20 : memref<!tpu.dma_semaphore, #tpu.memory_space<semaphore_mem>>)
    %dma_wait3A = arith.constant 0 : i32
    %dma_wait3A_249 = arith.constant 0 : i32
    %dma_wait3A_250 = tpu.memref_slice %arg4[%dma_wait3A, %dma_wait3A_249] : memref<10000x64xf32, #tpu.memory_space<hbm>> -> memref<10000x64xf32, #tpu.memory_space<hbm>>
    tpu.wait_indirect_dma semaphore(%arg19 : memref<!tpu.dma_semaphore, #tpu.memory_space<semaphore_mem>>) src(%dma_wait3A_250 : memref<10000x64xf32, #tpu.memory_space<hbm>>) dst(%arg14 : memref<128x64xf32, #tpu.memory_space<vmem>>)
    %dma_start3A_251 = arith.constant 0 : i32
    %dma_start3A_252 = arith.constant 0 : i32
    %dma_start3A_253 = tpu.memref_slice %arg18[%dma_start3A_251, %dma_start3A_252] : memref<10000x64xf32, #tpu.memory_space<vmem_shared>> -> memref<10000x64xf32, #tpu.memory_space<vmem_shared>>
    tpu.enqueue_indirect_dma source(%arg14 : memref<128x64xf32, #tpu.memory_space<vmem>>) target(%dma_start3A_253 : memref<10000x64xf32, #tpu.memory_space<vmem_shared>>) offsets(%arg10 : memref<128xi32, #tpu.memory_space<vmem>>) semaphore(%arg21 : memref<!tpu.dma_semaphore, #tpu.memory_space<semaphore_mem>>) {add = true}
    %scan3A_254 = arith.constant 0 : i32
    %scan3A_255 = arith.constant 0 : i32
    %scan3A_256 = arith.constant 38 : i32
    %scan3A_257 = arith.addi %scan3A_255, %scan3A_256 : i32
    %scan3A_258 = arith.constant 1 : i32
    scf.for %scan3A_304 = %scan3A_255 to %scan3A_257 step %scan3A_258  : i32 {
      %mul3A_305 = arith.constant 2 : i32
      %mul3A_306 = arith.muli %mul3A_305, %scan3A_304 : i32
      %add3A_307 = arith.constant 2 : i32
      %add3A_308 = arith.addi %mul3A_306, %add3A_307 : i32
      %dma_wait3A_309 = arith.constant 0 : i32
      %dma_wait3A_310 = arith.constant 0 : i32
      %dma_wait3A_311 = tpu.memref_slice %arg18[%dma_wait3A_309, %dma_wait3A_310] : memref<10000x64xf32, #tpu.memory_space<vmem_shared>> -> memref<10000x64xf32, #tpu.memory_space<vmem_shared>>
      tpu.wait_indirect_dma semaphore(%arg21 : memref<!tpu.dma_semaphore, #tpu.memory_space<semaphore_mem>>) src(%arg14 : memref<128x64xf32, #tpu.memory_space<vmem>>) dst(%dma_wait3A_311 : memref<10000x64xf32, #tpu.memory_space<vmem_shared>>)
      %mul3A_312 = arith.constant 128 : i32
      %mul3A_313 = arith.muli %add3A_308, %mul3A_312 : i32
      %add3A_314 = arith.constant 0 : i32
      %add3A_315 = arith.addi %mul3A_313, %add3A_314 : i32
      %get3A_316 = arith.index_cast %add3A_315 : i32 to index
      %get3A_317 = tpu.vector_load %arg6[%get3A_316] {strides = array<i32>} : memref<10000xi32, #tpu.memory_space<vmem>>, vector<16xi32>,
      %get3A_318 = vector.shape_cast %get3A_317 : vector<16xi32> to vector<16xi32>
      %swap3A_319 = arith.constant 0 : index
      %swap3A_320 = tpu.vector_load %arg8[%swap3A_319] {strides = array<i32>} : memref<128xi32, #tpu.memory_space<vmem>>, vector<16xi32>,
      %swap3A_321 = vector.shape_cast %swap3A_320 : vector<16xi32> to vector<16xi32>
      %swap3A_322 = vector.shape_cast %get3A_318 : vector<16xi32> to vector<16xi32>
      tpu.vector_store %arg8[%swap3A_319], %swap3A_322 {strides = array<i32>} : memref<128xi32, #tpu.memory_space<vmem>>, vector<16xi32>,
      %add3A_323 = arith.constant 0 : i32
      %add3A_324 = arith.addi %mul3A_313, %add3A_323 : i32
      %get3A_325 = arith.index_cast %add3A_324 : i32 to index
      %get3A_326 = tpu.vector_load %arg7[%get3A_325] {strides = array<i32>} : memref<10000xi32, #tpu.memory_space<vmem>>, vector<16xi32>,
      %get3A_327 = vector.shape_cast %get3A_326 : vector<16xi32> to vector<16xi32>
      %swap3A_328 = arith.constant 0 : index
      %swap3A_329 = tpu.vector_load %arg10[%swap3A_328] {strides = array<i32>} : memref<128xi32, #tpu.memory_space<vmem>>, vector<16xi32>,
      %swap3A_330 = vector.shape_cast %swap3A_329 : vector<16xi32> to vector<16xi32>
      %swap3A_331 = vector.shape_cast %get3A_327 : vector<16xi32> to vector<16xi32>
      tpu.vector_store %arg10[%swap3A_328], %swap3A_331 {strides = array<i32>} : memref<128xi32, #tpu.memory_space<vmem>>, vector<16xi32>,
      %add3A_332 = arith.constant 16 : i32
      %add3A_333 = arith.addi %mul3A_313, %add3A_332 : i32
      %get3A_334 = arith.index_cast %add3A_333 : i32 to index
      %get3A_335 = tpu.vector_load %arg6[%get3A_334] {strides = array<i32>} : memref<10000xi32, #tpu.memory_space<vmem>>, vector<16xi32>,
      %get3A_336 = vector.shape_cast %get3A_335 : vector<16xi32> to vector<16xi32>
      %swap3A_337 = arith.constant 16 : index
      %swap3A_338 = tpu.vector_load %arg8[%swap3A_337] {strides = array<i32>} : memref<128xi32, #tpu.memory_space<vmem>>, vector<16xi32>,
      %swap3A_339 = vector.shape_cast %swap3A_338 : vector<16xi32> to vector<16xi32>
      %swap3A_340 = vector.shape_cast %get3A_336 : vector<16xi32> to vector<16xi32>
      tpu.vector_store %arg8[%swap3A_337], %swap3A_340 {strides = array<i32>} : memref<128xi32, #tpu.memory_space<vmem>>, vector<16xi32>,
      %add3A_341 = arith.constant 16 : i32
      %add3A_342 = arith.addi %mul3A_313, %add3A_341 : i32
      %get3A_343 = arith.index_cast %add3A_342 : i32 to index
      %get3A_344 = tpu.vector_load %arg7[%get3A_343] {strides = array<i32>} : memref<10000xi32, #tpu.memory_space<vmem>>, vector<16xi32>,
      %get3A_345 = vector.shape_cast %get3A_344 : vector<16xi32> to vector<16xi32>
      %swap3A_346 = arith.constant 16 : index
      %swap3A_347 = tpu.vector_load %arg10[%swap3A_346] {strides = array<i32>} : memref<128xi32, #tpu.memory_space<vmem>>, vector<16xi32>,
      %swap3A_348 = vector.shape_cast %swap3A_347 : vector<16xi32> to vector<16xi32>
      %swap3A_349 = vector.shape_cast %get3A_345 : vector<16xi32> to vector<16xi32>
      tpu.vector_store %arg10[%swap3A_346], %swap3A_349 {strides = array<i32>} : memref<128xi32, #tpu.memory_space<vmem>>, vector<16xi32>,
      %add3A_350 = arith.constant 32 : i32
      %add3A_351 = arith.addi %mul3A_313, %add3A_350 : i32
      %get3A_352 = arith.index_cast %add3A_351 : i32 to index
      %get3A_353 = tpu.vector_load %arg6[%get3A_352] {strides = array<i32>} : memref<10000xi32, #tpu.memory_space<vmem>>, vector<16xi32>,
      %get3A_354 = vector.shape_cast %get3A_353 : vector<16xi32> to vector<16xi32>
      %swap3A_355 = arith.constant 32 : index
      %swap3A_356 = tpu.vector_load %arg8[%swap3A_355] {strides = array<i32>} : memref<128xi32, #tpu.memory_space<vmem>>, vector<16xi32>,
      %swap3A_357 = vector.shape_cast %swap3A_356 : vector<16xi32> to vector<16xi32>
      %swap3A_358 = vector.shape_cast %get3A_354 : vector<16xi32> to vector<16xi32>
      tpu.vector_store %arg8[%swap3A_355], %swap3A_358 {strides = array<i32>} : memref<128xi32, #tpu.memory_space<vmem>>, vector<16xi32>,
      %add3A_359 = arith.constant 32 : i32
      %add3A_360 = arith.addi %mul3A_313, %add3A_359 : i32
      %get3A_361 = arith.index_cast %add3A_360 : i32 to index
      %get3A_362 = tpu.vector_load %arg7[%get3A_361] {strides = array<i32>} : memref<10000xi32, #tpu.memory_space<vmem>>, vector<16xi32>,
      %get3A_363 = vector.shape_cast %get3A_362 : vector<16xi32> to vector<16xi32>
      %swap3A_364 = arith.constant 32 : index
      %swap3A_365 = tpu.vector_load %arg10[%swap3A_364] {strides = array<i32>} : memref<128xi32, #tpu.memory_space<vmem>>, vector<16xi32>,
      %swap3A_366 = vector.shape_cast %swap3A_365 : vector<16xi32> to vector<16xi32>
      %swap3A_367 = vector.shape_cast %get3A_363 : vector<16xi32> to vector<16xi32>
      tpu.vector_store %arg10[%swap3A_364], %swap3A_367 {strides = array<i32>} : memref<128xi32, #tpu.memory_space<vmem>>, vector<16xi32>,
      %add3A_368 = arith.constant 48 : i32
      %add3A_369 = arith.addi %mul3A_313, %add3A_368 : i32
      %get3A_370 = arith.index_cast %add3A_369 : i32 to index
      %get3A_371 = tpu.vector_load %arg6[%get3A_370] {strides = array<i32>} : memref<10000xi32, #tpu.memory_space<vmem>>, vector<16xi32>,
      %get3A_372 = vector.shape_cast %get3A_371 : vector<16xi32> to vector<16xi32>
      %swap3A_373 = arith.constant 48 : index
      %swap3A_374 = tpu.vector_load %arg8[%swap3A_373] {strides = array<i32>} : memref<128xi32, #tpu.memory_space<vmem>>, vector<16xi32>,
      %swap3A_375 = vector.shape_cast %swap3A_374 : vector<16xi32> to vector<16xi32>
      %swap3A_376 = vector.shape_cast %get3A_372 : vector<16xi32> to vector<16xi32>
      tpu.vector_store %arg8[%swap3A_373], %swap3A_376 {strides = array<i32>} : memref<128xi32, #tpu.memory_space<vmem>>, vector<16xi32>,
      %add3A_377 = arith.constant 48 : i32
      %add3A_378 = arith.addi %mul3A_313, %add3A_377 : i32
      %get3A_379 = arith.index_cast %add3A_378 : i32 to index
      %get3A_380 = tpu.vector_load %arg7[%get3A_379] {strides = array<i32>} : memref<10000xi32, #tpu.memory_space<vmem>>, vector<16xi32>,
      %get3A_381 = vector.shape_cast %get3A_380 : vector<16xi32> to vector<16xi32>
      %swap3A_382 = arith.constant 48 : index
      %swap3A_383 = tpu.vector_load %arg10[%swap3A_382] {strides = array<i32>} : memref<128xi32, #tpu.memory_space<vmem>>, vector<16xi32>,
      %swap3A_384 = vector.shape_cast %swap3A_383 : vector<16xi32> to vector<16xi32>
      %swap3A_385 = vector.shape_cast %get3A_381 : vector<16xi32> to vector<16xi32>
      tpu.vector_store %arg10[%swap3A_382], %swap3A_385 {strides = array<i32>} : memref<128xi32, #tpu.memory_space<vmem>>, vector<16xi32>,
      %add3A_386 = arith.constant 64 : i32
      %add3A_387 = arith.addi %mul3A_313, %add3A_386 : i32
      %get3A_388 = arith.index_cast %add3A_387 : i32 to index
      %get3A_389 = tpu.vector_load %arg6[%get3A_388] {strides = array<i32>} : memref<10000xi32, #tpu.memory_space<vmem>>, vector<16xi32>,
      %get3A_390 = vector.shape_cast %get3A_389 : vector<16xi32> to vector<16xi32>
      %swap3A_391 = arith.constant 64 : index
      %swap3A_392 = tpu.vector_load %arg8[%swap3A_391] {strides = array<i32>} : memref<128xi32, #tpu.memory_space<vmem>>, vector<16xi32>,
      %swap3A_393 = vector.shape_cast %swap3A_392 : vector<16xi32> to vector<16xi32>
      %swap3A_394 = vector.shape_cast %get3A_390 : vector<16xi32> to vector<16xi32>
      tpu.vector_store %arg8[%swap3A_391], %swap3A_394 {strides = array<i32>} : memref<128xi32, #tpu.memory_space<vmem>>, vector<16xi32>,
      %add3A_395 = arith.constant 64 : i32
      %add3A_396 = arith.addi %mul3A_313, %add3A_395 : i32
      %get3A_397 = arith.index_cast %add3A_396 : i32 to index
      %get3A_398 = tpu.vector_load %arg7[%get3A_397] {strides = array<i32>} : memref<10000xi32, #tpu.memory_space<vmem>>, vector<16xi32>,
      %get3A_399 = vector.shape_cast %get3A_398 : vector<16xi32> to vector<16xi32>
      %swap3A_400 = arith.constant 64 : index
      %swap3A_401 = tpu.vector_load %arg10[%swap3A_400] {strides = array<i32>} : memref<128xi32, #tpu.memory_space<vmem>>, vector<16xi32>,
      %swap3A_402 = vector.shape_cast %swap3A_401 : vector<16xi32> to vector<16xi32>
      %swap3A_403 = vector.shape_cast %get3A_399 : vector<16xi32> to vector<16xi32>
      tpu.vector_store %arg10[%swap3A_400], %swap3A_403 {strides = array<i32>} : memref<128xi32, #tpu.memory_space<vmem>>, vector<16xi32>,
      %add3A_404 = arith.constant 80 : i32
      %add3A_405 = arith.addi %mul3A_313, %add3A_404 : i32
      %get3A_406 = arith.index_cast %add3A_405 : i32 to index
      %get3A_407 = tpu.vector_load %arg6[%get3A_406] {strides = array<i32>} : memref<10000xi32, #tpu.memory_space<vmem>>, vector<16xi32>,
      %get3A_408 = vector.shape_cast %get3A_407 : vector<16xi32> to vector<16xi32>
      %swap3A_409 = arith.constant 80 : index
      %swap3A_410 = tpu.vector_load %arg8[%swap3A_409] {strides = array<i32>} : memref<128xi32, #tpu.memory_space<vmem>>, vector<16xi32>,
      %swap3A_411 = vector.shape_cast %swap3A_410 : vector<16xi32> to vector<16xi32>
      %swap3A_412 = vector.shape_cast %get3A_408 : vector<16xi32> to vector<16xi32>
      tpu.vector_store %arg8[%swap3A_409], %swap3A_412 {strides = array<i32>} : memref<128xi32, #tpu.memory_space<vmem>>, vector<16xi32>,
      %add3A_413 = arith.constant 80 : i32
      %add3A_414 = arith.addi %mul3A_313, %add3A_413 : i32
      %get3A_415 = arith.index_cast %add3A_414 : i32 to index
      %get3A_416 = tpu.vector_load %arg7[%get3A_415] {strides = array<i32>} : memref<10000xi32, #tpu.memory_space<vmem>>, vector<16xi32>,
      %get3A_417 = vector.shape_cast %get3A_416 : vector<16xi32> to vector<16xi32>
      %swap3A_418 = arith.constant 80 : index
      %swap3A_419 = tpu.vector_load %arg10[%swap3A_418] {strides = array<i32>} : memref<128xi32, #tpu.memory_space<vmem>>, vector<16xi32>,
      %swap3A_420 = vector.shape_cast %swap3A_419 : vector<16xi32> to vector<16xi32>
      %swap3A_421 = vector.shape_cast %get3A_417 : vector<16xi32> to vector<16xi32>
      tpu.vector_store %arg10[%swap3A_418], %swap3A_421 {strides = array<i32>} : memref<128xi32, #tpu.memory_space<vmem>>, vector<16xi32>,
      %add3A_422 = arith.constant 96 : i32
      %add3A_423 = arith.addi %mul3A_313, %add3A_422 : i32
      %get3A_424 = arith.index_cast %add3A_423 : i32 to index
      %get3A_425 = tpu.vector_load %arg6[%get3A_424] {strides = array<i32>} : memref<10000xi32, #tpu.memory_space<vmem>>, vector<16xi32>,
      %get3A_426 = vector.shape_cast %get3A_425 : vector<16xi32> to vector<16xi32>
      %swap3A_427 = arith.constant 96 : index
      %swap3A_428 = tpu.vector_load %arg8[%swap3A_427] {strides = array<i32>} : memref<128xi32, #tpu.memory_space<vmem>>, vector<16xi32>,
      %swap3A_429 = vector.shape_cast %swap3A_428 : vector<16xi32> to vector<16xi32>
      %swap3A_430 = vector.shape_cast %get3A_426 : vector<16xi32> to vector<16xi32>
      tpu.vector_store %arg8[%swap3A_427], %swap3A_430 {strides = array<i32>} : memref<128xi32, #tpu.memory_space<vmem>>, vector<16xi32>,
      %add3A_431 = arith.constant 96 : i32
      %add3A_432 = arith.addi %mul3A_313, %add3A_431 : i32
      %get3A_433 = arith.index_cast %add3A_432 : i32 to index
      %get3A_434 = tpu.vector_load %arg7[%get3A_433] {strides = array<i32>} : memref<10000xi32, #tpu.memory_space<vmem>>, vector<16xi32>,
      %get3A_435 = vector.shape_cast %get3A_434 : vector<16xi32> to vector<16xi32>
      %swap3A_436 = arith.constant 96 : index
      %swap3A_437 = tpu.vector_load %arg10[%swap3A_436] {strides = array<i32>} : memref<128xi32, #tpu.memory_space<vmem>>, vector<16xi32>,
      %swap3A_438 = vector.shape_cast %swap3A_437 : vector<16xi32> to vector<16xi32>
      %swap3A_439 = vector.shape_cast %get3A_435 : vector<16xi32> to vector<16xi32>
      tpu.vector_store %arg10[%swap3A_436], %swap3A_439 {strides = array<i32>} : memref<128xi32, #tpu.memory_space<vmem>>, vector<16xi32>,
      %add3A_440 = arith.constant 112 : i32
      %add3A_441 = arith.addi %mul3A_313, %add3A_440 : i32
      %get3A_442 = arith.index_cast %add3A_441 : i32 to index
      %get3A_443 = tpu.vector_load %arg6[%get3A_442] {strides = array<i32>} : memref<10000xi32, #tpu.memory_space<vmem>>, vector<16xi32>,
      %get3A_444 = vector.shape_cast %get3A_443 : vector<16xi32> to vector<16xi32>
      %swap3A_445 = arith.constant 112 : index
      %swap3A_446 = tpu.vector_load %arg8[%swap3A_445] {strides = array<i32>} : memref<128xi32, #tpu.memory_space<vmem>>, vector<16xi32>,
      %swap3A_447 = vector.shape_cast %swap3A_446 : vector<16xi32> to vector<16xi32>
      %swap3A_448 = vector.shape_cast %get3A_444 : vector<16xi32> to vector<16xi32>
      tpu.vector_store %arg8[%swap3A_445], %swap3A_448 {strides = array<i32>} : memref<128xi32, #tpu.memory_space<vmem>>, vector<16xi32>,
      %add3A_449 = arith.constant 112 : i32
      %add3A_450 = arith.addi %mul3A_313, %add3A_449 : i32
      %get3A_451 = arith.index_cast %add3A_450 : i32 to index
      %get3A_452 = tpu.vector_load %arg7[%get3A_451] {strides = array<i32>} : memref<10000xi32, #tpu.memory_space<vmem>>, vector<16xi32>,
      %get3A_453 = vector.shape_cast %get3A_452 : vector<16xi32> to vector<16xi32>
      %swap3A_454 = arith.constant 112 : index
      %swap3A_455 = tpu.vector_load %arg10[%swap3A_454] {strides = array<i32>} : memref<128xi32, #tpu.memory_space<vmem>>, vector<16xi32>,
      %swap3A_456 = vector.shape_cast %swap3A_455 : vector<16xi32> to vector<16xi32>
      %swap3A_457 = vector.shape_cast %get3A_453 : vector<16xi32> to vector<16xi32>
      tpu.vector_store %arg10[%swap3A_454], %swap3A_457 {strides = array<i32>} : memref<128xi32, #tpu.memory_space<vmem>>, vector<16xi32>,
      %dma_start3A_458 = arith.constant 0 : i32
      %dma_start3A_459 = arith.constant 0 : i32
      %dma_start3A_460 = tpu.memref_slice %arg4[%dma_start3A_458, %dma_start3A_459] : memref<10000x64xf32, #tpu.memory_space<hbm>> -> memref<10000x64xf32, #tpu.memory_space<hbm>>
      tpu.enqueue_indirect_dma source(%dma_start3A_460 : memref<10000x64xf32, #tpu.memory_space<hbm>>) target(%arg14 : memref<128x64xf32, #tpu.memory_space<vmem>>) offsets(%arg8 : memref<128xi32, #tpu.memory_space<vmem>>) semaphore(%arg19 : memref<!tpu.dma_semaphore, #tpu.memory_space<semaphore_mem>>)
      %dma_wait3A_461 = arith.constant 0 : i32
      %dma_wait3A_462 = arith.constant 0 : i32
      %dma_wait3A_463 = tpu.memref_slice %arg4[%dma_wait3A_461, %dma_wait3A_462] : memref<10000x64xf32, #tpu.memory_space<hbm>> -> memref<10000x64xf32, #tpu.memory_space<hbm>>
      tpu.wait_indirect_dma semaphore(%arg20 : memref<!tpu.dma_semaphore, #tpu.memory_space<semaphore_mem>>) src(%dma_wait3A_463 : memref<10000x64xf32, #tpu.memory_space<hbm>>) dst(%arg15 : memref<128x64xf32, #tpu.memory_space<vmem>>)
      %dma_start3A_464 = arith.constant 0 : i32
      %dma_start3A_465 = arith.constant 0 : i32
      %dma_start3A_466 = tpu.memref_slice %arg18[%dma_start3A_464, %dma_start3A_465] : memref<10000x64xf32, #tpu.memory_space<vmem_shared>> -> memref<10000x64xf32, #tpu.memory_space<vmem_shared>>
      tpu.enqueue_indirect_dma source(%arg15 : memref<128x64xf32, #tpu.memory_space<vmem>>) target(%dma_start3A_466 : memref<10000x64xf32, #tpu.memory_space<vmem_shared>>) offsets(%arg11 : memref<128xi32, #tpu.memory_space<vmem>>) semaphore(%arg22 : memref<!tpu.dma_semaphore, #tpu.memory_space<semaphore_mem>>) {add = true}
      %dma_wait3A_467 = arith.constant 0 : i32
      %dma_wait3A_468 = arith.constant 0 : i32
      %dma_wait3A_469 = tpu.memref_slice %arg18[%dma_wait3A_467, %dma_wait3A_468] : memref<10000x64xf32, #tpu.memory_space<vmem_shared>> -> memref<10000x64xf32, #tpu.memory_space<vmem_shared>>
      tpu.wait_indirect_dma semaphore(%arg22 : memref<!tpu.dma_semaphore, #tpu.memory_space<semaphore_mem>>) src(%arg15 : memref<128x64xf32, #tpu.memory_space<vmem>>) dst(%dma_wait3A_469 : memref<10000x64xf32, #tpu.memory_space<vmem_shared>>)
      %add3A_470 = arith.constant 1 : i32
      %add3A_471 = arith.addi %add3A_308, %add3A_470 : i32
      %mul3A_472 = arith.constant 128 : i32
      %mul3A_473 = arith.muli %add3A_471, %mul3A_472 : i32
      %add3A_474 = arith.constant 0 : i32
      %add3A_475 = arith.addi %mul3A_473, %add3A_474 : i32
      %get3A_476 = arith.index_cast %add3A_475 : i32 to index
      %get3A_477 = tpu.vector_load %arg6[%get3A_476] {strides = array<i32>} : memref<10000xi32, #tpu.memory_space<vmem>>, vector<16xi32>,
      %get3A_478 = vector.shape_cast %get3A_477 : vector<16xi32> to vector<16xi32>
      %swap3A_479 = arith.constant 0 : index
      %swap3A_480 = tpu.vector_load %arg9[%swap3A_479] {strides = array<i32>} : memref<128xi32, #tpu.memory_space<vmem>>, vector<16xi32>,
      %swap3A_481 = vector.shape_cast %swap3A_480 : vector<16xi32> to vector<16xi32>
      %swap3A_482 = vector.shape_cast %get3A_478 : vector<16xi32> to vector<16xi32>
      tpu.vector_store %arg9[%swap3A_479], %swap3A_482 {strides = array<i32>} : memref<128xi32, #tpu.memory_space<vmem>>, vector<16xi32>,
      %add3A_483 = arith.constant 0 : i32
      %add3A_484 = arith.addi %mul3A_473, %add3A_483 : i32
      %get3A_485 = arith.index_cast %add3A_484 : i32 to index
      %get3A_486 = tpu.vector_load %arg7[%get3A_485] {strides = array<i32>} : memref<10000xi32, #tpu.memory_space<vmem>>, vector<16xi32>,
      %get3A_487 = vector.shape_cast %get3A_486 : vector<16xi32> to vector<16xi32>
      %swap3A_488 = arith.constant 0 : index
      %swap3A_489 = tpu.vector_load %arg11[%swap3A_488] {strides = array<i32>} : memref<128xi32, #tpu.memory_space<vmem>>, vector<16xi32>,
      %swap3A_490 = vector.shape_cast %swap3A_489 : vector<16xi32> to vector<16xi32>
      %swap3A_491 = vector.shape_cast %get3A_487 : vector<16xi32> to vector<16xi32>
      tpu.vector_store %arg11[%swap3A_488], %swap3A_491 {strides = array<i32>} : memref<128xi32, #tpu.memory_space<vmem>>, vector<16xi32>,
      %add3A_492 = arith.constant 16 : i32
      %add3A_493 = arith.addi %mul3A_473, %add3A_492 : i32
      %get3A_494 = arith.index_cast %add3A_493 : i32 to index
      %get3A_495 = tpu.vector_load %arg6[%get3A_494] {strides = array<i32>} : memref<10000xi32, #tpu.memory_space<vmem>>, vector<16xi32>,
      %get3A_496 = vector.shape_cast %get3A_495 : vector<16xi32> to vector<16xi32>
      %swap3A_497 = arith.constant 16 : index
      %swap3A_498 = tpu.vector_load %arg9[%swap3A_497] {strides = array<i32>} : memref<128xi32, #tpu.memory_space<vmem>>, vector<16xi32>,
      %swap3A_499 = vector.shape_cast %swap3A_498 : vector<16xi32> to vector<16xi32>
      %swap3A_500 = vector.shape_cast %get3A_496 : vector<16xi32> to vector<16xi32>
      tpu.vector_store %arg9[%swap3A_497], %swap3A_500 {strides = array<i32>} : memref<128xi32, #tpu.memory_space<vmem>>, vector<16xi32>,
      %add3A_501 = arith.constant 16 : i32
      %add3A_502 = arith.addi %mul3A_473, %add3A_501 : i32
      %get3A_503 = arith.index_cast %add3A_502 : i32 to index
      %get3A_504 = tpu.vector_load %arg7[%get3A_503] {strides = array<i32>} : memref<10000xi32, #tpu.memory_space<vmem>>, vector<16xi32>,
      %get3A_505 = vector.shape_cast %get3A_504 : vector<16xi32> to vector<16xi32>
      %swap3A_506 = arith.constant 16 : index
      %swap3A_507 = tpu.vector_load %arg11[%swap3A_506] {strides = array<i32>} : memref<128xi32, #tpu.memory_space<vmem>>, vector<16xi32>,
      %swap3A_508 = vector.shape_cast %swap3A_507 : vector<16xi32> to vector<16xi32>
      %swap3A_509 = vector.shape_cast %get3A_505 : vector<16xi32> to vector<16xi32>
      tpu.vector_store %arg11[%swap3A_506], %swap3A_509 {strides = array<i32>} : memref<128xi32, #tpu.memory_space<vmem>>, vector<16xi32>,
      %add3A_510 = arith.constant 32 : i32
      %add3A_511 = arith.addi %mul3A_473, %add3A_510 : i32
      %get3A_512 = arith.index_cast %add3A_511 : i32 to index
      %get3A_513 = tpu.vector_load %arg6[%get3A_512] {strides = array<i32>} : memref<10000xi32, #tpu.memory_space<vmem>>, vector<16xi32>,
      %get3A_514 = vector.shape_cast %get3A_513 : vector<16xi32> to vector<16xi32>
      %swap3A_515 = arith.constant 32 : index
      %swap3A_516 = tpu.vector_load %arg9[%swap3A_515] {strides = array<i32>} : memref<128xi32, #tpu.memory_space<vmem>>, vector<16xi32>,
      %swap3A_517 = vector.shape_cast %swap3A_516 : vector<16xi32> to vector<16xi32>
      %swap3A_518 = vector.shape_cast %get3A_514 : vector<16xi32> to vector<16xi32>
      tpu.vector_store %arg9[%swap3A_515], %swap3A_518 {strides = array<i32>} : memref<128xi32, #tpu.memory_space<vmem>>, vector<16xi32>,
      %add3A_519 = arith.constant 32 : i32
      %add3A_520 = arith.addi %mul3A_473, %add3A_519 : i32
      %get3A_521 = arith.index_cast %add3A_520 : i32 to index
      %get3A_522 = tpu.vector_load %arg7[%get3A_521] {strides = array<i32>} : memref<10000xi32, #tpu.memory_space<vmem>>, vector<16xi32>,
      %get3A_523 = vector.shape_cast %get3A_522 : vector<16xi32> to vector<16xi32>
      %swap3A_524 = arith.constant 32 : index
      %swap3A_525 = tpu.vector_load %arg11[%swap3A_524] {strides = array<i32>} : memref<128xi32, #tpu.memory_space<vmem>>, vector<16xi32>,
      %swap3A_526 = vector.shape_cast %swap3A_525 : vector<16xi32> to vector<16xi32>
      %swap3A_527 = vector.shape_cast %get3A_523 : vector<16xi32> to vector<16xi32>
      tpu.vector_store %arg11[%swap3A_524], %swap3A_527 {strides = array<i32>} : memref<128xi32, #tpu.memory_space<vmem>>, vector<16xi32>,
      %add3A_528 = arith.constant 48 : i32
      %add3A_529 = arith.addi %mul3A_473, %add3A_528 : i32
      %get3A_530 = arith.index_cast %add3A_529 : i32 to index
      %get3A_531 = tpu.vector_load %arg6[%get3A_530] {strides = array<i32>} : memref<10000xi32, #tpu.memory_space<vmem>>, vector<16xi32>,
      %get3A_532 = vector.shape_cast %get3A_531 : vector<16xi32> to vector<16xi32>
      %swap3A_533 = arith.constant 48 : index
      %swap3A_534 = tpu.vector_load %arg9[%swap3A_533] {strides = array<i32>} : memref<128xi32, #tpu.memory_space<vmem>>, vector<16xi32>,
      %swap3A_535 = vector.shape_cast %swap3A_534 : vector<16xi32> to vector<16xi32>
      %swap3A_536 = vector.shape_cast %get3A_532 : vector<16xi32> to vector<16xi32>
      tpu.vector_store %arg9[%swap3A_533], %swap3A_536 {strides = array<i32>} : memref<128xi32, #tpu.memory_space<vmem>>, vector<16xi32>,
      %add3A_537 = arith.constant 48 : i32
      %add3A_538 = arith.addi %mul3A_473, %add3A_537 : i32
      %get3A_539 = arith.index_cast %add3A_538 : i32 to index
      %get3A_540 = tpu.vector_load %arg7[%get3A_539] {strides = array<i32>} : memref<10000xi32, #tpu.memory_space<vmem>>, vector<16xi32>,
      %get3A_541 = vector.shape_cast %get3A_540 : vector<16xi32> to vector<16xi32>
      %swap3A_542 = arith.constant 48 : index
      %swap3A_543 = tpu.vector_load %arg11[%swap3A_542] {strides = array<i32>} : memref<128xi32, #tpu.memory_space<vmem>>, vector<16xi32>,
      %swap3A_544 = vector.shape_cast %swap3A_543 : vector<16xi32> to vector<16xi32>
      %swap3A_545 = vector.shape_cast %get3A_541 : vector<16xi32> to vector<16xi32>
      tpu.vector_store %arg11[%swap3A_542], %swap3A_545 {strides = array<i32>} : memref<128xi32, #tpu.memory_space<vmem>>, vector<16xi32>,
      %add3A_546 = arith.constant 64 : i32
      %add3A_547 = arith.addi %mul3A_473, %add3A_546 : i32
      %get3A_548 = arith.index_cast %add3A_547 : i32 to index
      %get3A_549 = tpu.vector_load %arg6[%get3A_548] {strides = array<i32>} : memref<10000xi32, #tpu.memory_space<vmem>>, vector<16xi32>,
      %get3A_550 = vector.shape_cast %get3A_549 : vector<16xi32> to vector<16xi32>
      %swap3A_551 = arith.constant 64 : index
      %swap3A_552 = tpu.vector_load %arg9[%swap3A_551] {strides = array<i32>} : memref<128xi32, #tpu.memory_space<vmem>>, vector<16xi32>,
      %swap3A_553 = vector.shape_cast %swap3A_552 : vector<16xi32> to vector<16xi32>
      %swap3A_554 = vector.shape_cast %get3A_550 : vector<16xi32> to vector<16xi32>
      tpu.vector_store %arg9[%swap3A_551], %swap3A_554 {strides = array<i32>} : memref<128xi32, #tpu.memory_space<vmem>>, vector<16xi32>,
      %add3A_555 = arith.constant 64 : i32
      %add3A_556 = arith.addi %mul3A_473, %add3A_555 : i32
      %get3A_557 = arith.index_cast %add3A_556 : i32 to index
      %get3A_558 = tpu.vector_load %arg7[%get3A_557] {strides = array<i32>} : memref<10000xi32, #tpu.memory_space<vmem>>, vector<16xi32>,
      %get3A_559 = vector.shape_cast %get3A_558 : vector<16xi32> to vector<16xi32>
      %swap3A_560 = arith.constant 64 : index
      %swap3A_561 = tpu.vector_load %arg11[%swap3A_560] {strides = array<i32>} : memref<128xi32, #tpu.memory_space<vmem>>, vector<16xi32>,
      %swap3A_562 = vector.shape_cast %swap3A_561 : vector<16xi32> to vector<16xi32>
      %swap3A_563 = vector.shape_cast %get3A_559 : vector<16xi32> to vector<16xi32>
      tpu.vector_store %arg11[%swap3A_560], %swap3A_563 {strides = array<i32>} : memref<128xi32, #tpu.memory_space<vmem>>, vector<16xi32>,
      %add3A_564 = arith.constant 80 : i32
      %add3A_565 = arith.addi %mul3A_473, %add3A_564 : i32
      %get3A_566 = arith.index_cast %add3A_565 : i32 to index
      %get3A_567 = tpu.vector_load %arg6[%get3A_566] {strides = array<i32>} : memref<10000xi32, #tpu.memory_space<vmem>>, vector<16xi32>,
      %get3A_568 = vector.shape_cast %get3A_567 : vector<16xi32> to vector<16xi32>
      %swap3A_569 = arith.constant 80 : index
      %swap3A_570 = tpu.vector_load %arg9[%swap3A_569] {strides = array<i32>} : memref<128xi32, #tpu.memory_space<vmem>>, vector<16xi32>,
      %swap3A_571 = vector.shape_cast %swap3A_570 : vector<16xi32> to vector<16xi32>
      %swap3A_572 = vector.shape_cast %get3A_568 : vector<16xi32> to vector<16xi32>
      tpu.vector_store %arg9[%swap3A_569], %swap3A_572 {strides = array<i32>} : memref<128xi32, #tpu.memory_space<vmem>>, vector<16xi32>,
      %add3A_573 = arith.constant 80 : i32
      %add3A_574 = arith.addi %mul3A_473, %add3A_573 : i32
      %get3A_575 = arith.index_cast %add3A_574 : i32 to index
      %get3A_576 = tpu.vector_load %arg7[%get3A_575] {strides = array<i32>} : memref<10000xi32, #tpu.memory_space<vmem>>, vector<16xi32>,
      %get3A_577 = vector.shape_cast %get3A_576 : vector<16xi32> to vector<16xi32>
      %swap3A_578 = arith.constant 80 : index
      %swap3A_579 = tpu.vector_load %arg11[%swap3A_578] {strides = array<i32>} : memref<128xi32, #tpu.memory_space<vmem>>, vector<16xi32>,
      %swap3A_580 = vector.shape_cast %swap3A_579 : vector<16xi32> to vector<16xi32>
      %swap3A_581 = vector.shape_cast %get3A_577 : vector<16xi32> to vector<16xi32>
      tpu.vector_store %arg11[%swap3A_578], %swap3A_581 {strides = array<i32>} : memref<128xi32, #tpu.memory_space<vmem>>, vector<16xi32>,
      %add3A_582 = arith.constant 96 : i32
      %add3A_583 = arith.addi %mul3A_473, %add3A_582 : i32
      %get3A_584 = arith.index_cast %add3A_583 : i32 to index
      %get3A_585 = tpu.vector_load %arg6[%get3A_584] {strides = array<i32>} : memref<10000xi32, #tpu.memory_space<vmem>>, vector<16xi32>,
      %get3A_586 = vector.shape_cast %get3A_585 : vector<16xi32> to vector<16xi32>
      %swap3A_587 = arith.constant 96 : index
      %swap3A_588 = tpu.vector_load %arg9[%swap3A_587] {strides = array<i32>} : memref<128xi32, #tpu.memory_space<vmem>>, vector<16xi32>,
      %swap3A_589 = vector.shape_cast %swap3A_588 : vector<16xi32> to vector<16xi32>
      %swap3A_590 = vector.shape_cast %get3A_586 : vector<16xi32> to vector<16xi32>
      tpu.vector_store %arg9[%swap3A_587], %swap3A_590 {strides = array<i32>} : memref<128xi32, #tpu.memory_space<vmem>>, vector<16xi32>,
      %add3A_591 = arith.constant 96 : i32
      %add3A_592 = arith.addi %mul3A_473, %add3A_591 : i32
      %get3A_593 = arith.index_cast %add3A_592 : i32 to index
      %get3A_594 = tpu.vector_load %arg7[%get3A_593] {strides = array<i32>} : memref<10000xi32, #tpu.memory_space<vmem>>, vector<16xi32>,
      %get3A_595 = vector.shape_cast %get3A_594 : vector<16xi32> to vector<16xi32>
      %swap3A_596 = arith.constant 96 : index
      %swap3A_597 = tpu.vector_load %arg11[%swap3A_596] {strides = array<i32>} : memref<128xi32, #tpu.memory_space<vmem>>, vector<16xi32>,
      %swap3A_598 = vector.shape_cast %swap3A_597 : vector<16xi32> to vector<16xi32>
      %swap3A_599 = vector.shape_cast %get3A_595 : vector<16xi32> to vector<16xi32>
      tpu.vector_store %arg11[%swap3A_596], %swap3A_599 {strides = array<i32>} : memref<128xi32, #tpu.memory_space<vmem>>, vector<16xi32>,
      %add3A_600 = arith.constant 112 : i32
      %add3A_601 = arith.addi %mul3A_473, %add3A_600 : i32
      %get3A_602 = arith.index_cast %add3A_601 : i32 to index
      %get3A_603 = tpu.vector_load %arg6[%get3A_602] {strides = array<i32>} : memref<10000xi32, #tpu.memory_space<vmem>>, vector<16xi32>,
      %get3A_604 = vector.shape_cast %get3A_603 : vector<16xi32> to vector<16xi32>
      %swap3A_605 = arith.constant 112 : index
      %swap3A_606 = tpu.vector_load %arg9[%swap3A_605] {strides = array<i32>} : memref<128xi32, #tpu.memory_space<vmem>>, vector<16xi32>,
      %swap3A_607 = vector.shape_cast %swap3A_606 : vector<16xi32> to vector<16xi32>
      %swap3A_608 = vector.shape_cast %get3A_604 : vector<16xi32> to vector<16xi32>
      tpu.vector_store %arg9[%swap3A_605], %swap3A_608 {strides = array<i32>} : memref<128xi32, #tpu.memory_space<vmem>>, vector<16xi32>,
      %add3A_609 = arith.constant 112 : i32
      %add3A_610 = arith.addi %mul3A_473, %add3A_609 : i32
      %get3A_611 = arith.index_cast %add3A_610 : i32 to index
      %get3A_612 = tpu.vector_load %arg7[%get3A_611] {strides = array<i32>} : memref<10000xi32, #tpu.memory_space<vmem>>, vector<16xi32>,
      %get3A_613 = vector.shape_cast %get3A_612 : vector<16xi32> to vector<16xi32>
      %swap3A_614 = arith.constant 112 : index
      %swap3A_615 = tpu.vector_load %arg11[%swap3A_614] {strides = array<i32>} : memref<128xi32, #tpu.memory_space<vmem>>, vector<16xi32>,
      %swap3A_616 = vector.shape_cast %swap3A_615 : vector<16xi32> to vector<16xi32>
      %swap3A_617 = vector.shape_cast %get3A_613 : vector<16xi32> to vector<16xi32>
      tpu.vector_store %arg11[%swap3A_614], %swap3A_617 {strides = array<i32>} : memref<128xi32, #tpu.memory_space<vmem>>, vector<16xi32>,
      %dma_start3A_618 = arith.constant 0 : i32
      %dma_start3A_619 = arith.constant 0 : i32
      %dma_start3A_620 = tpu.memref_slice %arg4[%dma_start3A_618, %dma_start3A_619] : memref<10000x64xf32, #tpu.memory_space<hbm>> -> memref<10000x64xf32, #tpu.memory_space<hbm>>
      tpu.enqueue_indirect_dma source(%dma_start3A_620 : memref<10000x64xf32, #tpu.memory_space<hbm>>) target(%arg15 : memref<128x64xf32, #tpu.memory_space<vmem>>) offsets(%arg9 : memref<128xi32, #tpu.memory_space<vmem>>) semaphore(%arg20 : memref<!tpu.dma_semaphore, #tpu.memory_space<semaphore_mem>>)
      %dma_wait3A_621 = arith.constant 0 : i32
      %dma_wait3A_622 = arith.constant 0 : i32
      %dma_wait3A_623 = tpu.memref_slice %arg4[%dma_wait3A_621, %dma_wait3A_622] : memref<10000x64xf32, #tpu.memory_space<hbm>> -> memref<10000x64xf32, #tpu.memory_space<hbm>>
      tpu.wait_indirect_dma semaphore(%arg19 : memref<!tpu.dma_semaphore, #tpu.memory_space<semaphore_mem>>) src(%dma_wait3A_623 : memref<10000x64xf32, #tpu.memory_space<hbm>>) dst(%arg14 : memref<128x64xf32, #tpu.memory_space<vmem>>)
      %dma_start3A_624 = arith.constant 0 : i32
      %dma_start3A_625 = arith.constant 0 : i32
      %dma_start3A_626 = tpu.memref_slice %arg18[%dma_start3A_624, %dma_start3A_625] : memref<10000x64xf32, #tpu.memory_space<vmem_shared>> -> memref<10000x64xf32, #tpu.memory_space<vmem_shared>>
      tpu.enqueue_indirect_dma source(%arg14 : memref<128x64xf32, #tpu.memory_space<vmem>>) target(%dma_start3A_626 : memref<10000x64xf32, #tpu.memory_space<vmem_shared>>) offsets(%arg10 : memref<128xi32, #tpu.memory_space<vmem>>) semaphore(%arg21 : memref<!tpu.dma_semaphore, #tpu.memory_space<semaphore_mem>>) {add = true}
    }
    %scan3A_259 = arith.constant 38 : i32
    %dma_wait3A_260 = arith.constant 0 : i32
    %dma_wait3A_261 = arith.constant 0 : i32
    %dma_wait3A_262 = tpu.memref_slice %arg4[%dma_wait3A_260, %dma_wait3A_261] : memref<10000x64xf32, #tpu.memory_space<hbm>> -> memref<10000x64xf32, #tpu.memory_space<hbm>>
    tpu.wait_indirect_dma semaphore(%arg20 : memref<!tpu.dma_semaphore, #tpu.memory_space<semaphore_mem>>) src(%dma_wait3A_262 : memref<10000x64xf32, #tpu.memory_space<hbm>>) dst(%arg15 : memref<128x64xf32, #tpu.memory_space<vmem>>)
    %dma_start3A_263 = arith.constant 0 : i32
    %dma_start3A_264 = arith.constant 0 : i32
    %dma_start3A_265 = tpu.memref_slice %arg18[%dma_start3A_263, %dma_start3A_264] : memref<10000x64xf32, #tpu.memory_space<vmem_shared>> -> memref<10000x64xf32, #tpu.memory_space<vmem_shared>>
    tpu.enqueue_indirect_dma source(%arg15 : memref<128x64xf32, #tpu.memory_space<vmem>>) target(%dma_start3A_265 : memref<10000x64xf32, #tpu.memory_space<vmem_shared>>) offsets(%arg11 : memref<128xi32, #tpu.memory_space<vmem>>) semaphore(%arg22 : memref<!tpu.dma_semaphore, #tpu.memory_space<semaphore_mem>>) {add = true}
    %get3A_266 = arith.constant 9984 : index
    %get3A_267 = tpu.vector_load %arg6[%get3A_266] {strides = array<i32>} : memref<10000xi32, #tpu.memory_space<vmem>>, vector<16xi32>,
    %get3A_268 = vector.shape_cast %get3A_267 : vector<16xi32> to vector<16xi32>
    %swap3A_269 = arith.constant 0 : index
    %swap3A_270 = tpu.vector_load %arg12[%swap3A_269] {strides = array<i32>} : memref<16xi32, #tpu.memory_space<vmem>>, vector<16xi32>,
    %swap3A_271 = vector.shape_cast %swap3A_270 : vector<16xi32> to vector<16xi32>
    %swap3A_272 = vector.shape_cast %get3A_268 : vector<16xi32> to vector<16xi32>
    tpu.vector_store %arg12[%swap3A_269], %swap3A_272 {strides = array<i32>} : memref<16xi32, #tpu.memory_space<vmem>>, vector<16xi32>,
    %get3A_273 = arith.constant 9984 : index
    %get3A_274 = tpu.vector_load %arg7[%get3A_273] {strides = array<i32>} : memref<10000xi32, #tpu.memory_space<vmem>>, vector<16xi32>,
    %get3A_275 = vector.shape_cast %get3A_274 : vector<16xi32> to vector<16xi32>
    %swap3A_276 = arith.constant 0 : index
    %swap3A_277 = tpu.vector_load %arg13[%swap3A_276] {strides = array<i32>} : memref<16xi32, #tpu.memory_space<vmem>>, vector<16xi32>,
    %swap3A_278 = vector.shape_cast %swap3A_277 : vector<16xi32> to vector<16xi32>
    %swap3A_279 = vector.shape_cast %get3A_275 : vector<16xi32> to vector<16xi32>
    tpu.vector_store %arg13[%swap3A_276], %swap3A_279 {strides = array<i32>} : memref<16xi32, #tpu.memory_space<vmem>>, vector<16xi32>,
    %dma_start3A_280 = arith.constant 0 : i32
    %dma_start3A_281 = arith.constant 0 : i32
    %dma_start3A_282 = tpu.memref_slice %arg4[%dma_start3A_280, %dma_start3A_281] : memref<10000x64xf32, #tpu.memory_space<hbm>> -> memref<10000x64xf32, #tpu.memory_space<hbm>>
    tpu.enqueue_indirect_dma source(%dma_start3A_282 : memref<10000x64xf32, #tpu.memory_space<hbm>>) target(%arg16 : memref<16x64xf32, #tpu.memory_space<vmem>>) offsets(%arg12 : memref<16xi32, #tpu.memory_space<vmem>>) semaphore(%arg19 : memref<!tpu.dma_semaphore, #tpu.memory_space<semaphore_mem>>)
    %dma_wait3A_283 = arith.constant 0 : i32
    %dma_wait3A_284 = arith.constant 0 : i32
    %dma_wait3A_285 = tpu.memref_slice %arg4[%dma_wait3A_283, %dma_wait3A_284] : memref<10000x64xf32, #tpu.memory_space<hbm>> -> memref<10000x64xf32, #tpu.memory_space<hbm>>
    tpu.wait_indirect_dma semaphore(%arg19 : memref<!tpu.dma_semaphore, #tpu.memory_space<semaphore_mem>>) src(%dma_wait3A_285 : memref<10000x64xf32, #tpu.memory_space<hbm>>) dst(%arg16 : memref<16x64xf32, #tpu.memory_space<vmem>>)
    %dma_wait3A_286 = arith.constant 0 : i32
    %dma_wait3A_287 = arith.constant 0 : i32
    %dma_wait3A_288 = tpu.memref_slice %arg18[%dma_wait3A_286, %dma_wait3A_287] : memref<10000x64xf32, #tpu.memory_space<vmem_shared>> -> memref<10000x64xf32, #tpu.memory_space<vmem_shared>>
    tpu.wait_indirect_dma semaphore(%arg21 : memref<!tpu.dma_semaphore, #tpu.memory_space<semaphore_mem>>) src(%arg14 : memref<128x64xf32, #tpu.memory_space<vmem>>) dst(%dma_wait3A_288 : memref<10000x64xf32, #tpu.memory_space<vmem_shared>>)
    %dma_wait3A_289 = arith.constant 0 : i32
    %dma_wait3A_290 = arith.constant 0 : i32
    %dma_wait3A_291 = tpu.memref_slice %arg18[%dma_wait3A_289, %dma_wait3A_290] : memref<10000x64xf32, #tpu.memory_space<vmem_shared>> -> memref<10000x64xf32, #tpu.memory_space<vmem_shared>>
    tpu.wait_indirect_dma semaphore(%arg22 : memref<!tpu.dma_semaphore, #tpu.memory_space<semaphore_mem>>) src(%arg15 : memref<128x64xf32, #tpu.memory_space<vmem>>) dst(%dma_wait3A_291 : memref<10000x64xf32, #tpu.memory_space<vmem_shared>>)
    %dma_start3A_292 = arith.constant 0 : i32
    %dma_start3A_293 = arith.constant 0 : i32
    %dma_start3A_294 = tpu.memref_slice %arg18[%dma_start3A_292, %dma_start3A_293] : memref<10000x64xf32, #tpu.memory_space<vmem_shared>> -> memref<10000x64xf32, #tpu.memory_space<vmem_shared>>
    tpu.enqueue_indirect_dma source(%arg16 : memref<16x64xf32, #tpu.memory_space<vmem>>) target(%dma_start3A_294 : memref<10000x64xf32, #tpu.memory_space<vmem_shared>>) offsets(%arg13 : memref<16xi32, #tpu.memory_space<vmem>>) semaphore(%arg21 : memref<!tpu.dma_semaphore, #tpu.memory_space<semaphore_mem>>) {add = true}
    %dma_wait3A_295 = arith.constant 0 : i32
    %dma_wait3A_296 = arith.constant 0 : i32
    %dma_wait3A_297 = tpu.memref_slice %arg18[%dma_wait3A_295, %dma_wait3A_296] : memref<10000x64xf32, #tpu.memory_space<vmem_shared>> -> memref<10000x64xf32, #tpu.memory_space<vmem_shared>>
    tpu.wait_indirect_dma semaphore(%arg21 : memref<!tpu.dma_semaphore, #tpu.memory_space<semaphore_mem>>) src(%arg16 : memref<16x64xf32, #tpu.memory_space<vmem>>) dst(%dma_wait3A_297 : memref<10000x64xf32, #tpu.memory_space<vmem_shared>>)
    %barrier3A_298 = arith.constant 0 : index
    tpu.barrier barrier_id(%barrier3A_298)
    "tpu.region"() ({
      %run_scoped3A = tpu.sem_alloc : memref<!tpu.dma_semaphore, #tpu.memory_space<semaphore_mem>>
      %dma_start3A_304 = arith.constant 0 : i32
      %dma_start3A_305 = tpu.memref_slice %arg5[%arg0, %multiple_of3A_5, %dma_start3A_304] : memref<2x10000x64xf32, #tpu.memory_space<hbm>> -> memref<1x624x64xf32, #tpu.memory_space<hbm>>
      %dma_start3A_306 = tpu.memref_squeeze %dma_start3A_305 : memref<1x624x64xf32, #tpu.memory_space<hbm>> -> memref<624x64xf32, #tpu.memory_space<hbm>>
      %dma_start3A_307 = arith.constant 0 : i32
      %dma_start3A_308 = tpu.memref_slice %arg18[%multiple_of3A_5, %dma_start3A_307] : memref<10000x64xf32, #tpu.memory_space<vmem_shared>> -> memref<624x64xf32, #tpu.memory_space<vmem_shared>>
      tpu.enqueue_dma source(%dma_start3A_308 : memref<624x64xf32, #tpu.memory_space<vmem_shared>>) target(%dma_start3A_306 : memref<624x64xf32, #tpu.memory_space<hbm>>) target_semaphore(%run_scoped3A : memref<!tpu.dma_semaphore, #tpu.memory_space<semaphore_mem>>)
      %dma_wait3A_309 = arith.constant 0 : i32
      %dma_wait3A_310 = tpu.memref_slice %arg5[%arg0, %multiple_of3A_5, %dma_wait3A_309] : memref<2x10000x64xf32, #tpu.memory_space<hbm>> -> memref<1x624x64xf32, #tpu.memory_space<hbm>>
      %dma_wait3A_311 = tpu.memref_squeeze %dma_wait3A_310 : memref<1x624x64xf32, #tpu.memory_space<hbm>> -> memref<624x64xf32, #tpu.memory_space<hbm>>
      %dma_wait3A_312 = arith.constant 0 : i32
      %dma_wait3A_313 = tpu.memref_slice %arg18[%multiple_of3A_5, %dma_wait3A_312] : memref<10000x64xf32, #tpu.memory_space<vmem_shared>> -> memref<624x64xf32, #tpu.memory_space<vmem_shared>>
      tpu.wait_dma2 semaphore(%run_scoped3A : memref<!tpu.dma_semaphore, #tpu.memory_space<semaphore_mem>>) src(%dma_wait3A_313 : memref<624x64xf32, #tpu.memory_space<vmem_shared>>) dst(%dma_wait3A_311 : memref<624x64xf32, #tpu.memory_space<hbm>>)
      tpu.yield
    }) : () -> ()
    %eq3A_299 = arith.constant 15 : i32
    %eq3A_300 = arith.cmpi eq, %arg1, %eq3A_299 : i32
    %convert_element_type3A_301 = arith.extui %eq3A_300 : i1 to i32
    %cond3A_302 = arith.constant 0 : i32
    %cond3A_303 = arith.cmpi ne, %convert_element_type3A_301, %cond3A_302 : i32
    scf.if %cond3A_303 {
      "tpu.region"() ({
        %run_scoped3A = tpu.sem_alloc : memref<!tpu.dma_semaphore, #tpu.memory_space<semaphore_mem>>
        %dma_start3A_304 = arith.constant 9984 : i32
        %dma_start3A_305 = arith.constant 0 : i32
        %dma_start3A_306 = tpu.memref_slice %arg5[%arg0, %dma_start3A_304, %dma_start3A_305] : memref<2x10000x64xf32, #tpu.memory_space<hbm>> -> memref<1x16x64xf32, #tpu.memory_space<hbm>>
        %dma_start3A_307 = tpu.memref_squeeze %dma_start3A_306 : memref<1x16x64xf32, #tpu.memory_space<hbm>> -> memref<16x64xf32, #tpu.memory_space<hbm>>
        %dma_start3A_308 = arith.constant 9984 : i32
        %dma_start3A_309 = arith.constant 0 : i32
        %dma_start3A_310 = tpu.memref_slice %arg18[%dma_start3A_308, %dma_start3A_309] : memref<10000x64xf32, #tpu.memory_space<vmem_shared>> -> memref<16x64xf32, #tpu.memory_space<vmem_shared>>
        tpu.enqueue_dma source(%dma_start3A_310 : memref<16x64xf32, #tpu.memory_space<vmem_shared>>) target(%dma_start3A_307 : memref<16x64xf32, #tpu.memory_space<hbm>>) target_semaphore(%run_scoped3A : memref<!tpu.dma_semaphore, #tpu.memory_space<semaphore_mem>>)
        %dma_wait3A_311 = arith.constant 9984 : i32
        %dma_wait3A_312 = arith.constant 0 : i32
        %dma_wait3A_313 = tpu.memref_slice %arg5[%arg0, %dma_wait3A_311, %dma_wait3A_312] : memref<2x10000x64xf32, #tpu.memory_space<hbm>> -> memref<1x16x64xf32, #tpu.memory_space<hbm>>
        %dma_wait3A_314 = tpu.memref_squeeze %dma_wait3A_313 : memref<1x16x64xf32, #tpu.memory_space<hbm>> -> memref<16x64xf32, #tpu.memory_space<hbm>>
        %dma_wait3A_315 = arith.constant 9984 : i32
        %dma_wait3A_316 = arith.constant 0 : i32
        %dma_wait3A_317 = tpu.memref_slice %arg18[%dma_wait3A_315, %dma_wait3A_316] : memref<10000x64xf32, #tpu.memory_space<vmem_shared>> -> memref<16x64xf32, #tpu.memory_space<vmem_shared>>
        tpu.wait_dma2 semaphore(%run_scoped3A : memref<!tpu.dma_semaphore, #tpu.memory_space<semaphore_mem>>) src(%dma_wait3A_317 : memref<16x64xf32, #tpu.memory_space<vmem_shared>>) dst(%dma_wait3A_314 : memref<16x64xf32, #tpu.memory_space<hbm>>)
        tpu.yield
      }) : () -> ()
    } else {
    }
    return
  }
}

#map = affine_map<(d0, d1) -> (0)>
#map1 = affine_map<(d0, d1) -> (0, 0)>
#map2 = affine_map<(d0, d1) -> (0, 0, 0)>
module attributes {stable_mosaic.version = 14 : i64} {
  func.func @body(%arg0: i32, %arg1: i32, %arg2: memref<320000xi32, #tpu.memory_space<hbm>>, %arg3: memref<320000xi32, #tpu.memory_space<hbm>>, %arg4: memref<10000x64xf32, #tpu.memory_space<hbm>>, %arg5: memref<2x10000x64xf32, #tpu.memory_space<hbm>>, %arg6: memref<2x10000x16xf32, #tpu.memory_space<hbm>>, %arg7: memref<10000xi32, #tpu.memory_space<vmem>>, %arg8: memref<10000xi32, #tpu.memory_space<vmem>>, %arg9: memref<128xi32, #tpu.memory_space<vmem>>, %arg10: memref<128xi32, #tpu.memory_space<vmem>>, %arg11: memref<128xi32, #tpu.memory_space<vmem>>, %arg12: memref<128xi32, #tpu.memory_space<vmem>>, %arg13: memref<16xi32, #tpu.memory_space<vmem>>, %arg14: memref<16xi32, #tpu.memory_space<vmem>>, %arg15: memref<128x64xf32, #tpu.memory_space<vmem>>, %arg16: memref<128x64xf32, #tpu.memory_space<vmem>>, %arg17: memref<16x64xf32, #tpu.memory_space<vmem>>, %arg18: memref<156x64xf32, #tpu.memory_space<vmem>>, %arg19: memref<10000x64xf32, #tpu.memory_space<vmem_shared>>, %arg20: memref<!tpu.dma_semaphore, #tpu.memory_space<semaphore_mem>>, %arg21: memref<!tpu.dma_semaphore, #tpu.memory_space<semaphore_mem>>, %arg22: memref<!tpu.dma_semaphore, #tpu.memory_space<semaphore_mem>>, %arg23: memref<!tpu.dma_semaphore, #tpu.memory_space<semaphore_mem>>, %arg24: memref<128x16xf32, #tpu.memory_space<vmem>>, %arg25: memref<10000x16xf32, #tpu.memory_space<vmem_shared>>, %arg26: memref<!tpu.dma_semaphore, #tpu.memory_space<semaphore_mem>>, %arg27: memref<!tpu.dma_semaphore, #tpu.memory_space<semaphore_mem>>) attributes {dimension_semantics = [#tpu.dimension_semantics<core_parallel>, #tpu.dimension_semantics<subcore_parallel>], iteration_bounds = array<i64: 2, 16>, scalar_prefetch = 0 : i64, scratch_operands = 21 : i64, tpu.core_type = #tpu.core_type<sc_vector_subcore>, window_params = [{transform_indices = #map}, {transform_indices = #map}, {transform_indices = #map1}, {transform_indices = #map2}, {transform_indices = #map2}]} {
    %mul3A = arith.constant 2 : i32
    %mul3A_0 = arith.muli %arg1, %mul3A : i32
    %add3A = arith.addi %mul3A_0, %arg0 : i32
    %mul3A_1 = arith.constant 10000 : i32
    %mul3A_2 = arith.muli %add3A, %mul3A_1 : i32
    %multiple_of3A = tpu.assume_multiple %mul3A_2, 8 : i32
    %mul3A_3 = arith.constant 624 : i32
    %mul3A_4 = arith.muli %arg1, %mul3A_3 : i32
    %multiple_of3A_5 = tpu.assume_multiple %mul3A_4, 8 : i32
    %broadcast_in_dim3A = arith.constant 0.000000e+00 : f32
    %broadcast_in_dim3A_6 = vector.broadcast %broadcast_in_dim3A : f32 to vector<16xf32>
    %scan3A = arith.constant 0 : i32
    %scan3A_7 = arith.constant 0 : i32
    %scan3A_8 = arith.constant 156 : i32
    %scan3A_9 = arith.addi %scan3A_7, %scan3A_8 : i32
    %scan3A_10 = arith.constant 1 : i32
    scf.for %scan3A_344 = %scan3A_7 to %scan3A_9 step %scan3A_10  : i32 {
      %swap3A_345 = arith.index_cast %scan3A_344 : i32 to index
      %swap3A_346 = arith.constant 0 : index
      %swap3A_347 = tpu.vector_load %arg18[%swap3A_345, %swap3A_346] {strides = array<i32>} : memref<156x64xf32, #tpu.memory_space<vmem>>, vector<1x16xf32>,
      %swap3A_348 = vector.shape_cast %swap3A_347 : vector<1x16xf32> to vector<16xf32>
      %swap3A_349 = vector.shape_cast %broadcast_in_dim3A_6 : vector<16xf32> to vector<1x16xf32>
      tpu.vector_store %arg18[%swap3A_345, %swap3A_346], %swap3A_349 {strides = array<i32>} : memref<156x64xf32, #tpu.memory_space<vmem>>, vector<1x16xf32>,
      %swap3A_350 = arith.index_cast %scan3A_344 : i32 to index
      %swap3A_351 = arith.constant 16 : index
      %swap3A_352 = tpu.vector_load %arg18[%swap3A_350, %swap3A_351] {strides = array<i32>} : memref<156x64xf32, #tpu.memory_space<vmem>>, vector<1x16xf32>,
      %swap3A_353 = vector.shape_cast %swap3A_352 : vector<1x16xf32> to vector<16xf32>
      %swap3A_354 = vector.shape_cast %broadcast_in_dim3A_6 : vector<16xf32> to vector<1x16xf32>
      tpu.vector_store %arg18[%swap3A_350, %swap3A_351], %swap3A_354 {strides = array<i32>} : memref<156x64xf32, #tpu.memory_space<vmem>>, vector<1x16xf32>,
      %swap3A_355 = arith.index_cast %scan3A_344 : i32 to index
      %swap3A_356 = arith.constant 32 : index
      %swap3A_357 = tpu.vector_load %arg18[%swap3A_355, %swap3A_356] {strides = array<i32>} : memref<156x64xf32, #tpu.memory_space<vmem>>, vector<1x16xf32>,
      %swap3A_358 = vector.shape_cast %swap3A_357 : vector<1x16xf32> to vector<16xf32>
      %swap3A_359 = vector.shape_cast %broadcast_in_dim3A_6 : vector<16xf32> to vector<1x16xf32>
      tpu.vector_store %arg18[%swap3A_355, %swap3A_356], %swap3A_359 {strides = array<i32>} : memref<156x64xf32, #tpu.memory_space<vmem>>, vector<1x16xf32>,
      %swap3A_360 = arith.index_cast %scan3A_344 : i32 to index
      %swap3A_361 = arith.constant 48 : index
      %swap3A_362 = tpu.vector_load %arg18[%swap3A_360, %swap3A_361] {strides = array<i32>} : memref<156x64xf32, #tpu.memory_space<vmem>>, vector<1x16xf32>,
      %swap3A_363 = vector.shape_cast %swap3A_362 : vector<1x16xf32> to vector<16xf32>
      %swap3A_364 = vector.shape_cast %broadcast_in_dim3A_6 : vector<16xf32> to vector<1x16xf32>
      tpu.vector_store %arg18[%swap3A_360, %swap3A_361], %swap3A_364 {strides = array<i32>} : memref<156x64xf32, #tpu.memory_space<vmem>>, vector<1x16xf32>,
    }
    %scan3A_11 = arith.constant 156 : i32
    %add3A_12 = arith.constant 0 : i32
    %add3A_13 = arith.addi %multiple_of3A_5, %add3A_12 : i32
    "tpu.region"() ({
      %run_scoped3A = tpu.sem_alloc : memref<!tpu.dma_semaphore, #tpu.memory_space<semaphore_mem>>
      %dma_start3A_344 = arith.constant 0 : i32
      %dma_start3A_345 = tpu.memref_slice %arg19[%add3A_13, %dma_start3A_344] : memref<10000x64xf32, #tpu.memory_space<vmem_shared>> -> memref<156x64xf32, #tpu.memory_space<vmem_shared>>
      %dma_start3A_346 = arith.constant 0 : i32
      %dma_start3A_347 = tpu.memref_slice %arg19[%add3A_13, %dma_start3A_346] : memref<10000x64xf32, #tpu.memory_space<vmem_shared>> -> memref<156x64xf32, #tpu.memory_space<vmem_shared>>
      tpu.enqueue_dma source(%arg18 : memref<156x64xf32, #tpu.memory_space<vmem>>) target(%dma_start3A_347 : memref<156x64xf32, #tpu.memory_space<vmem_shared>>) target_semaphore(%run_scoped3A : memref<!tpu.dma_semaphore, #tpu.memory_space<semaphore_mem>>)
      %dma_wait3A_348 = arith.constant 0 : i32
      %dma_wait3A_349 = tpu.memref_slice %arg19[%add3A_13, %dma_wait3A_348] : memref<10000x64xf32, #tpu.memory_space<vmem_shared>> -> memref<156x64xf32, #tpu.memory_space<vmem_shared>>
      %dma_wait3A_350 = arith.constant 0 : i32
      %dma_wait3A_351 = tpu.memref_slice %arg19[%add3A_13, %dma_wait3A_350] : memref<10000x64xf32, #tpu.memory_space<vmem_shared>> -> memref<156x64xf32, #tpu.memory_space<vmem_shared>>
      tpu.wait_dma2 semaphore(%run_scoped3A : memref<!tpu.dma_semaphore, #tpu.memory_space<semaphore_mem>>) src(%arg18 : memref<156x64xf32, #tpu.memory_space<vmem>>) dst(%dma_wait3A_351 : memref<156x64xf32, #tpu.memory_space<vmem_shared>>)
      tpu.yield
    }) : () -> ()
    %add3A_14 = arith.constant 0 : i32
    %add3A_15 = arith.addi %multiple_of3A_5, %add3A_14 : i32
    "tpu.region"() ({
      %run_scoped3A = tpu.sem_alloc : memref<!tpu.dma_semaphore, #tpu.memory_space<semaphore_mem>>
      %dma_start3A_344 = arith.constant 0 : i32
      %dma_start3A_345 = arith.constant 0 : i32
      %dma_start3A_346 = tpu.memref_slice %arg18[%dma_start3A_344, %dma_start3A_345] : memref<156x64xf32, #tpu.memory_space<vmem>> -> memref<156x16xf32, #tpu.memory_space<vmem>>
      %dma_start3A_347 = arith.constant 0 : i32
      %dma_start3A_348 = tpu.memref_slice %arg25[%add3A_15, %dma_start3A_347] : memref<10000x16xf32, #tpu.memory_space<vmem_shared>> -> memref<156x16xf32, #tpu.memory_space<vmem_shared>>
      %dma_start3A_349 = arith.constant 0 : i32
      %dma_start3A_350 = tpu.memref_slice %arg25[%add3A_15, %dma_start3A_349] : memref<10000x16xf32, #tpu.memory_space<vmem_shared>> -> memref<156x16xf32, #tpu.memory_space<vmem_shared>>
      %dma_start3A_351 = arith.constant 0 : i32
      %dma_start3A_352 = arith.constant 0 : i32
      %dma_start3A_353 = tpu.memref_slice %arg18[%dma_start3A_351, %dma_start3A_352] : memref<156x64xf32, #tpu.memory_space<vmem>> -> memref<156x16xf32, #tpu.memory_space<vmem>>
      tpu.enqueue_dma source(%dma_start3A_353 : memref<156x16xf32, #tpu.memory_space<vmem>>) target(%dma_start3A_350 : memref<156x16xf32, #tpu.memory_space<vmem_shared>>) target_semaphore(%run_scoped3A : memref<!tpu.dma_semaphore, #tpu.memory_space<semaphore_mem>>)
      %dma_wait3A_354 = arith.constant 0 : i32
      %dma_wait3A_355 = arith.constant 0 : i32
      %dma_wait3A_356 = tpu.memref_slice %arg18[%dma_wait3A_354, %dma_wait3A_355] : memref<156x64xf32, #tpu.memory_space<vmem>> -> memref<156x16xf32, #tpu.memory_space<vmem>>
      %dma_wait3A_357 = arith.constant 0 : i32
      %dma_wait3A_358 = tpu.memref_slice %arg25[%add3A_15, %dma_wait3A_357] : memref<10000x16xf32, #tpu.memory_space<vmem_shared>> -> memref<156x16xf32, #tpu.memory_space<vmem_shared>>
      %dma_wait3A_359 = arith.constant 0 : i32
      %dma_wait3A_360 = tpu.memref_slice %arg25[%add3A_15, %dma_wait3A_359] : memref<10000x16xf32, #tpu.memory_space<vmem_shared>> -> memref<156x16xf32, #tpu.memory_space<vmem_shared>>
      %dma_wait3A_361 = arith.constant 0 : i32
      %dma_wait3A_362 = arith.constant 0 : i32
      %dma_wait3A_363 = tpu.memref_slice %arg18[%dma_wait3A_361, %dma_wait3A_362] : memref<156x64xf32, #tpu.memory_space<vmem>> -> memref<156x16xf32, #tpu.memory_space<vmem>>
      tpu.wait_dma2 semaphore(%run_scoped3A : memref<!tpu.dma_semaphore, #tpu.memory_space<semaphore_mem>>) src(%dma_wait3A_363 : memref<156x16xf32, #tpu.memory_space<vmem>>) dst(%dma_wait3A_360 : memref<156x16xf32, #tpu.memory_space<vmem_shared>>)
      tpu.yield
    }) : () -> ()
    %add3A_16 = arith.constant 156 : i32
    %add3A_17 = arith.addi %multiple_of3A_5, %add3A_16 : i32
    "tpu.region"() ({
      %run_scoped3A = tpu.sem_alloc : memref<!tpu.dma_semaphore, #tpu.memory_space<semaphore_mem>>
      %dma_start3A_344 = arith.constant 0 : i32
      %dma_start3A_345 = tpu.memref_slice %arg19[%add3A_17, %dma_start3A_344] : memref<10000x64xf32, #tpu.memory_space<vmem_shared>> -> memref<156x64xf32, #tpu.memory_space<vmem_shared>>
      %dma_start3A_346 = arith.constant 0 : i32
      %dma_start3A_347 = tpu.memref_slice %arg19[%add3A_17, %dma_start3A_346] : memref<10000x64xf32, #tpu.memory_space<vmem_shared>> -> memref<156x64xf32, #tpu.memory_space<vmem_shared>>
      tpu.enqueue_dma source(%arg18 : memref<156x64xf32, #tpu.memory_space<vmem>>) target(%dma_start3A_347 : memref<156x64xf32, #tpu.memory_space<vmem_shared>>) target_semaphore(%run_scoped3A : memref<!tpu.dma_semaphore, #tpu.memory_space<semaphore_mem>>)
      %dma_wait3A_348 = arith.constant 0 : i32
      %dma_wait3A_349 = tpu.memref_slice %arg19[%add3A_17, %dma_wait3A_348] : memref<10000x64xf32, #tpu.memory_space<vmem_shared>> -> memref<156x64xf32, #tpu.memory_space<vmem_shared>>
      %dma_wait3A_350 = arith.constant 0 : i32
      %dma_wait3A_351 = tpu.memref_slice %arg19[%add3A_17, %dma_wait3A_350] : memref<10000x64xf32, #tpu.memory_space<vmem_shared>> -> memref<156x64xf32, #tpu.memory_space<vmem_shared>>
      tpu.wait_dma2 semaphore(%run_scoped3A : memref<!tpu.dma_semaphore, #tpu.memory_space<semaphore_mem>>) src(%arg18 : memref<156x64xf32, #tpu.memory_space<vmem>>) dst(%dma_wait3A_351 : memref<156x64xf32, #tpu.memory_space<vmem_shared>>)
      tpu.yield
    }) : () -> ()
    %add3A_18 = arith.constant 156 : i32
    %add3A_19 = arith.addi %multiple_of3A_5, %add3A_18 : i32
    "tpu.region"() ({
      %run_scoped3A = tpu.sem_alloc : memref<!tpu.dma_semaphore, #tpu.memory_space<semaphore_mem>>
      %dma_start3A_344 = arith.constant 0 : i32
      %dma_start3A_345 = arith.constant 0 : i32
      %dma_start3A_346 = tpu.memref_slice %arg18[%dma_start3A_344, %dma_start3A_345] : memref<156x64xf32, #tpu.memory_space<vmem>> -> memref<156x16xf32, #tpu.memory_space<vmem>>
      %dma_start3A_347 = arith.constant 0 : i32
      %dma_start3A_348 = tpu.memref_slice %arg25[%add3A_19, %dma_start3A_347] : memref<10000x16xf32, #tpu.memory_space<vmem_shared>> -> memref<156x16xf32, #tpu.memory_space<vmem_shared>>
      %dma_start3A_349 = arith.constant 0 : i32
      %dma_start3A_350 = tpu.memref_slice %arg25[%add3A_19, %dma_start3A_349] : memref<10000x16xf32, #tpu.memory_space<vmem_shared>> -> memref<156x16xf32, #tpu.memory_space<vmem_shared>>
      %dma_start3A_351 = arith.constant 0 : i32
      %dma_start3A_352 = arith.constant 0 : i32
      %dma_start3A_353 = tpu.memref_slice %arg18[%dma_start3A_351, %dma_start3A_352] : memref<156x64xf32, #tpu.memory_space<vmem>> -> memref<156x16xf32, #tpu.memory_space<vmem>>
      tpu.enqueue_dma source(%dma_start3A_353 : memref<156x16xf32, #tpu.memory_space<vmem>>) target(%dma_start3A_350 : memref<156x16xf32, #tpu.memory_space<vmem_shared>>) target_semaphore(%run_scoped3A : memref<!tpu.dma_semaphore, #tpu.memory_space<semaphore_mem>>)
      %dma_wait3A_354 = arith.constant 0 : i32
      %dma_wait3A_355 = arith.constant 0 : i32
      %dma_wait3A_356 = tpu.memref_slice %arg18[%dma_wait3A_354, %dma_wait3A_355] : memref<156x64xf32, #tpu.memory_space<vmem>> -> memref<156x16xf32, #tpu.memory_space<vmem>>
      %dma_wait3A_357 = arith.constant 0 : i32
      %dma_wait3A_358 = tpu.memref_slice %arg25[%add3A_19, %dma_wait3A_357] : memref<10000x16xf32, #tpu.memory_space<vmem_shared>> -> memref<156x16xf32, #tpu.memory_space<vmem_shared>>
      %dma_wait3A_359 = arith.constant 0 : i32
      %dma_wait3A_360 = tpu.memref_slice %arg25[%add3A_19, %dma_wait3A_359] : memref<10000x16xf32, #tpu.memory_space<vmem_shared>> -> memref<156x16xf32, #tpu.memory_space<vmem_shared>>
      %dma_wait3A_361 = arith.constant 0 : i32
      %dma_wait3A_362 = arith.constant 0 : i32
      %dma_wait3A_363 = tpu.memref_slice %arg18[%dma_wait3A_361, %dma_wait3A_362] : memref<156x64xf32, #tpu.memory_space<vmem>> -> memref<156x16xf32, #tpu.memory_space<vmem>>
      tpu.wait_dma2 semaphore(%run_scoped3A : memref<!tpu.dma_semaphore, #tpu.memory_space<semaphore_mem>>) src(%dma_wait3A_363 : memref<156x16xf32, #tpu.memory_space<vmem>>) dst(%dma_wait3A_360 : memref<156x16xf32, #tpu.memory_space<vmem_shared>>)
      tpu.yield
    }) : () -> ()
    %add3A_20 = arith.constant 312 : i32
    %add3A_21 = arith.addi %multiple_of3A_5, %add3A_20 : i32
    "tpu.region"() ({
      %run_scoped3A = tpu.sem_alloc : memref<!tpu.dma_semaphore, #tpu.memory_space<semaphore_mem>>
      %dma_start3A_344 = arith.constant 0 : i32
      %dma_start3A_345 = tpu.memref_slice %arg19[%add3A_21, %dma_start3A_344] : memref<10000x64xf32, #tpu.memory_space<vmem_shared>> -> memref<156x64xf32, #tpu.memory_space<vmem_shared>>
      %dma_start3A_346 = arith.constant 0 : i32
      %dma_start3A_347 = tpu.memref_slice %arg19[%add3A_21, %dma_start3A_346] : memref<10000x64xf32, #tpu.memory_space<vmem_shared>> -> memref<156x64xf32, #tpu.memory_space<vmem_shared>>
      tpu.enqueue_dma source(%arg18 : memref<156x64xf32, #tpu.memory_space<vmem>>) target(%dma_start3A_347 : memref<156x64xf32, #tpu.memory_space<vmem_shared>>) target_semaphore(%run_scoped3A : memref<!tpu.dma_semaphore, #tpu.memory_space<semaphore_mem>>)
      %dma_wait3A_348 = arith.constant 0 : i32
      %dma_wait3A_349 = tpu.memref_slice %arg19[%add3A_21, %dma_wait3A_348] : memref<10000x64xf32, #tpu.memory_space<vmem_shared>> -> memref<156x64xf32, #tpu.memory_space<vmem_shared>>
      %dma_wait3A_350 = arith.constant 0 : i32
      %dma_wait3A_351 = tpu.memref_slice %arg19[%add3A_21, %dma_wait3A_350] : memref<10000x64xf32, #tpu.memory_space<vmem_shared>> -> memref<156x64xf32, #tpu.memory_space<vmem_shared>>
      tpu.wait_dma2 semaphore(%run_scoped3A : memref<!tpu.dma_semaphore, #tpu.memory_space<semaphore_mem>>) src(%arg18 : memref<156x64xf32, #tpu.memory_space<vmem>>) dst(%dma_wait3A_351 : memref<156x64xf32, #tpu.memory_space<vmem_shared>>)
      tpu.yield
    }) : () -> ()
    %add3A_22 = arith.constant 312 : i32
    %add3A_23 = arith.addi %multiple_of3A_5, %add3A_22 : i32
    "tpu.region"() ({
      %run_scoped3A = tpu.sem_alloc : memref<!tpu.dma_semaphore, #tpu.memory_space<semaphore_mem>>
      %dma_start3A_344 = arith.constant 0 : i32
      %dma_start3A_345 = arith.constant 0 : i32
      %dma_start3A_346 = tpu.memref_slice %arg18[%dma_start3A_344, %dma_start3A_345] : memref<156x64xf32, #tpu.memory_space<vmem>> -> memref<156x16xf32, #tpu.memory_space<vmem>>
      %dma_start3A_347 = arith.constant 0 : i32
      %dma_start3A_348 = tpu.memref_slice %arg25[%add3A_23, %dma_start3A_347] : memref<10000x16xf32, #tpu.memory_space<vmem_shared>> -> memref<156x16xf32, #tpu.memory_space<vmem_shared>>
      %dma_start3A_349 = arith.constant 0 : i32
      %dma_start3A_350 = tpu.memref_slice %arg25[%add3A_23, %dma_start3A_349] : memref<10000x16xf32, #tpu.memory_space<vmem_shared>> -> memref<156x16xf32, #tpu.memory_space<vmem_shared>>
      %dma_start3A_351 = arith.constant 0 : i32
      %dma_start3A_352 = arith.constant 0 : i32
      %dma_start3A_353 = tpu.memref_slice %arg18[%dma_start3A_351, %dma_start3A_352] : memref<156x64xf32, #tpu.memory_space<vmem>> -> memref<156x16xf32, #tpu.memory_space<vmem>>
      tpu.enqueue_dma source(%dma_start3A_353 : memref<156x16xf32, #tpu.memory_space<vmem>>) target(%dma_start3A_350 : memref<156x16xf32, #tpu.memory_space<vmem_shared>>) target_semaphore(%run_scoped3A : memref<!tpu.dma_semaphore, #tpu.memory_space<semaphore_mem>>)
      %dma_wait3A_354 = arith.constant 0 : i32
      %dma_wait3A_355 = arith.constant 0 : i32
      %dma_wait3A_356 = tpu.memref_slice %arg18[%dma_wait3A_354, %dma_wait3A_355] : memref<156x64xf32, #tpu.memory_space<vmem>> -> memref<156x16xf32, #tpu.memory_space<vmem>>
      %dma_wait3A_357 = arith.constant 0 : i32
      %dma_wait3A_358 = tpu.memref_slice %arg25[%add3A_23, %dma_wait3A_357] : memref<10000x16xf32, #tpu.memory_space<vmem_shared>> -> memref<156x16xf32, #tpu.memory_space<vmem_shared>>
      %dma_wait3A_359 = arith.constant 0 : i32
      %dma_wait3A_360 = tpu.memref_slice %arg25[%add3A_23, %dma_wait3A_359] : memref<10000x16xf32, #tpu.memory_space<vmem_shared>> -> memref<156x16xf32, #tpu.memory_space<vmem_shared>>
      %dma_wait3A_361 = arith.constant 0 : i32
      %dma_wait3A_362 = arith.constant 0 : i32
      %dma_wait3A_363 = tpu.memref_slice %arg18[%dma_wait3A_361, %dma_wait3A_362] : memref<156x64xf32, #tpu.memory_space<vmem>> -> memref<156x16xf32, #tpu.memory_space<vmem>>
      tpu.wait_dma2 semaphore(%run_scoped3A : memref<!tpu.dma_semaphore, #tpu.memory_space<semaphore_mem>>) src(%dma_wait3A_363 : memref<156x16xf32, #tpu.memory_space<vmem>>) dst(%dma_wait3A_360 : memref<156x16xf32, #tpu.memory_space<vmem_shared>>)
      tpu.yield
    }) : () -> ()
    %add3A_24 = arith.constant 468 : i32
    %add3A_25 = arith.addi %multiple_of3A_5, %add3A_24 : i32
    "tpu.region"() ({
      %run_scoped3A = tpu.sem_alloc : memref<!tpu.dma_semaphore, #tpu.memory_space<semaphore_mem>>
      %dma_start3A_344 = arith.constant 0 : i32
      %dma_start3A_345 = tpu.memref_slice %arg19[%add3A_25, %dma_start3A_344] : memref<10000x64xf32, #tpu.memory_space<vmem_shared>> -> memref<156x64xf32, #tpu.memory_space<vmem_shared>>
      %dma_start3A_346 = arith.constant 0 : i32
      %dma_start3A_347 = tpu.memref_slice %arg19[%add3A_25, %dma_start3A_346] : memref<10000x64xf32, #tpu.memory_space<vmem_shared>> -> memref<156x64xf32, #tpu.memory_space<vmem_shared>>
      tpu.enqueue_dma source(%arg18 : memref<156x64xf32, #tpu.memory_space<vmem>>) target(%dma_start3A_347 : memref<156x64xf32, #tpu.memory_space<vmem_shared>>) target_semaphore(%run_scoped3A : memref<!tpu.dma_semaphore, #tpu.memory_space<semaphore_mem>>)
      %dma_wait3A_348 = arith.constant 0 : i32
      %dma_wait3A_349 = tpu.memref_slice %arg19[%add3A_25, %dma_wait3A_348] : memref<10000x64xf32, #tpu.memory_space<vmem_shared>> -> memref<156x64xf32, #tpu.memory_space<vmem_shared>>
      %dma_wait3A_350 = arith.constant 0 : i32
      %dma_wait3A_351 = tpu.memref_slice %arg19[%add3A_25, %dma_wait3A_350] : memref<10000x64xf32, #tpu.memory_space<vmem_shared>> -> memref<156x64xf32, #tpu.memory_space<vmem_shared>>
      tpu.wait_dma2 semaphore(%run_scoped3A : memref<!tpu.dma_semaphore, #tpu.memory_space<semaphore_mem>>) src(%arg18 : memref<156x64xf32, #tpu.memory_space<vmem>>) dst(%dma_wait3A_351 : memref<156x64xf32, #tpu.memory_space<vmem_shared>>)
      tpu.yield
    }) : () -> ()
    %add3A_26 = arith.constant 468 : i32
    %add3A_27 = arith.addi %multiple_of3A_5, %add3A_26 : i32
    "tpu.region"() ({
      %run_scoped3A = tpu.sem_alloc : memref<!tpu.dma_semaphore, #tpu.memory_space<semaphore_mem>>
      %dma_start3A_344 = arith.constant 0 : i32
      %dma_start3A_345 = arith.constant 0 : i32
      %dma_start3A_346 = tpu.memref_slice %arg18[%dma_start3A_344, %dma_start3A_345] : memref<156x64xf32, #tpu.memory_space<vmem>> -> memref<156x16xf32, #tpu.memory_space<vmem>>
      %dma_start3A_347 = arith.constant 0 : i32
      %dma_start3A_348 = tpu.memref_slice %arg25[%add3A_27, %dma_start3A_347] : memref<10000x16xf32, #tpu.memory_space<vmem_shared>> -> memref<156x16xf32, #tpu.memory_space<vmem_shared>>
      %dma_start3A_349 = arith.constant 0 : i32
      %dma_start3A_350 = tpu.memref_slice %arg25[%add3A_27, %dma_start3A_349] : memref<10000x16xf32, #tpu.memory_space<vmem_shared>> -> memref<156x16xf32, #tpu.memory_space<vmem_shared>>
      %dma_start3A_351 = arith.constant 0 : i32
      %dma_start3A_352 = arith.constant 0 : i32
      %dma_start3A_353 = tpu.memref_slice %arg18[%dma_start3A_351, %dma_start3A_352] : memref<156x64xf32, #tpu.memory_space<vmem>> -> memref<156x16xf32, #tpu.memory_space<vmem>>
      tpu.enqueue_dma source(%dma_start3A_353 : memref<156x16xf32, #tpu.memory_space<vmem>>) target(%dma_start3A_350 : memref<156x16xf32, #tpu.memory_space<vmem_shared>>) target_semaphore(%run_scoped3A : memref<!tpu.dma_semaphore, #tpu.memory_space<semaphore_mem>>)
      %dma_wait3A_354 = arith.constant 0 : i32
      %dma_wait3A_355 = arith.constant 0 : i32
      %dma_wait3A_356 = tpu.memref_slice %arg18[%dma_wait3A_354, %dma_wait3A_355] : memref<156x64xf32, #tpu.memory_space<vmem>> -> memref<156x16xf32, #tpu.memory_space<vmem>>
      %dma_wait3A_357 = arith.constant 0 : i32
      %dma_wait3A_358 = tpu.memref_slice %arg25[%add3A_27, %dma_wait3A_357] : memref<10000x16xf32, #tpu.memory_space<vmem_shared>> -> memref<156x16xf32, #tpu.memory_space<vmem_shared>>
      %dma_wait3A_359 = arith.constant 0 : i32
      %dma_wait3A_360 = tpu.memref_slice %arg25[%add3A_27, %dma_wait3A_359] : memref<10000x16xf32, #tpu.memory_space<vmem_shared>> -> memref<156x16xf32, #tpu.memory_space<vmem_shared>>
      %dma_wait3A_361 = arith.constant 0 : i32
      %dma_wait3A_362 = arith.constant 0 : i32
      %dma_wait3A_363 = tpu.memref_slice %arg18[%dma_wait3A_361, %dma_wait3A_362] : memref<156x64xf32, #tpu.memory_space<vmem>> -> memref<156x16xf32, #tpu.memory_space<vmem>>
      tpu.wait_dma2 semaphore(%run_scoped3A : memref<!tpu.dma_semaphore, #tpu.memory_space<semaphore_mem>>) src(%dma_wait3A_363 : memref<156x16xf32, #tpu.memory_space<vmem>>) dst(%dma_wait3A_360 : memref<156x16xf32, #tpu.memory_space<vmem_shared>>)
      tpu.yield
    }) : () -> ()
    %eq3A = arith.constant 15 : i32
    %eq3A_28 = arith.cmpi eq, %arg1, %eq3A : i32
    %convert_element_type3A = arith.extui %eq3A_28 : i1 to i32
    %cond3A = arith.constant 0 : i32
    %cond3A_29 = arith.cmpi ne, %convert_element_type3A, %cond3A : i32
    scf.if %cond3A_29 {
      "tpu.region"() ({
        %run_scoped3A = tpu.sem_alloc : memref<!tpu.dma_semaphore, #tpu.memory_space<semaphore_mem>>
        %dma_start3A_344 = arith.constant 0 : i32
        %dma_start3A_345 = arith.constant 0 : i32
        %dma_start3A_346 = tpu.memref_slice %arg18[%dma_start3A_344, %dma_start3A_345] : memref<156x64xf32, #tpu.memory_space<vmem>> -> memref<16x64xf32, #tpu.memory_space<vmem>>
        %dma_start3A_347 = arith.constant 9984 : i32
        %dma_start3A_348 = arith.constant 0 : i32
        %dma_start3A_349 = tpu.memref_slice %arg19[%dma_start3A_347, %dma_start3A_348] : memref<10000x64xf32, #tpu.memory_space<vmem_shared>> -> memref<16x64xf32, #tpu.memory_space<vmem_shared>>
        %dma_start3A_350 = arith.constant 9984 : i32
        %dma_start3A_351 = arith.constant 0 : i32
        %dma_start3A_352 = tpu.memref_slice %arg19[%dma_start3A_350, %dma_start3A_351] : memref<10000x64xf32, #tpu.memory_space<vmem_shared>> -> memref<16x64xf32, #tpu.memory_space<vmem_shared>>
        %dma_start3A_353 = arith.constant 0 : i32
        %dma_start3A_354 = arith.constant 0 : i32
        %dma_start3A_355 = tpu.memref_slice %arg18[%dma_start3A_353, %dma_start3A_354] : memref<156x64xf32, #tpu.memory_space<vmem>> -> memref<16x64xf32, #tpu.memory_space<vmem>>
        tpu.enqueue_dma source(%dma_start3A_355 : memref<16x64xf32, #tpu.memory_space<vmem>>) target(%dma_start3A_352 : memref<16x64xf32, #tpu.memory_space<vmem_shared>>) target_semaphore(%run_scoped3A : memref<!tpu.dma_semaphore, #tpu.memory_space<semaphore_mem>>)
        %dma_wait3A_356 = arith.constant 0 : i32
        %dma_wait3A_357 = arith.constant 0 : i32
        %dma_wait3A_358 = tpu.memref_slice %arg18[%dma_wait3A_356, %dma_wait3A_357] : memref<156x64xf32, #tpu.memory_space<vmem>> -> memref<16x64xf32, #tpu.memory_space<vmem>>
        %dma_wait3A_359 = arith.constant 9984 : i32
        %dma_wait3A_360 = arith.constant 0 : i32
        %dma_wait3A_361 = tpu.memref_slice %arg19[%dma_wait3A_359, %dma_wait3A_360] : memref<10000x64xf32, #tpu.memory_space<vmem_shared>> -> memref<16x64xf32, #tpu.memory_space<vmem_shared>>
        %dma_wait3A_362 = arith.constant 9984 : i32
        %dma_wait3A_363 = arith.constant 0 : i32
        %dma_wait3A_364 = tpu.memref_slice %arg19[%dma_wait3A_362, %dma_wait3A_363] : memref<10000x64xf32, #tpu.memory_space<vmem_shared>> -> memref<16x64xf32, #tpu.memory_space<vmem_shared>>
        %dma_wait3A_365 = arith.constant 0 : i32
        %dma_wait3A_366 = arith.constant 0 : i32
        %dma_wait3A_367 = tpu.memref_slice %arg18[%dma_wait3A_365, %dma_wait3A_366] : memref<156x64xf32, #tpu.memory_space<vmem>> -> memref<16x64xf32, #tpu.memory_space<vmem>>
        tpu.wait_dma2 semaphore(%run_scoped3A : memref<!tpu.dma_semaphore, #tpu.memory_space<semaphore_mem>>) src(%dma_wait3A_367 : memref<16x64xf32, #tpu.memory_space<vmem>>) dst(%dma_wait3A_364 : memref<16x64xf32, #tpu.memory_space<vmem_shared>>)
        tpu.yield
      }) : () -> ()
      "tpu.region"() ({
        %run_scoped3A = tpu.sem_alloc : memref<!tpu.dma_semaphore, #tpu.memory_space<semaphore_mem>>
        %dma_start3A_344 = arith.constant 0 : i32
        %dma_start3A_345 = arith.constant 0 : i32
        %dma_start3A_346 = tpu.memref_slice %arg18[%dma_start3A_344, %dma_start3A_345] : memref<156x64xf32, #tpu.memory_space<vmem>> -> memref<16x16xf32, #tpu.memory_space<vmem>>
        %dma_start3A_347 = arith.constant 9984 : i32
        %dma_start3A_348 = arith.constant 0 : i32
        %dma_start3A_349 = tpu.memref_slice %arg25[%dma_start3A_347, %dma_start3A_348] : memref<10000x16xf32, #tpu.memory_space<vmem_shared>> -> memref<16x16xf32, #tpu.memory_space<vmem_shared>>
        %dma_start3A_350 = arith.constant 9984 : i32
        %dma_start3A_351 = arith.constant 0 : i32
        %dma_start3A_352 = tpu.memref_slice %arg25[%dma_start3A_350, %dma_start3A_351] : memref<10000x16xf32, #tpu.memory_space<vmem_shared>> -> memref<16x16xf32, #tpu.memory_space<vmem_shared>>
        %dma_start3A_353 = arith.constant 0 : i32
        %dma_start3A_354 = arith.constant 0 : i32
        %dma_start3A_355 = tpu.memref_slice %arg18[%dma_start3A_353, %dma_start3A_354] : memref<156x64xf32, #tpu.memory_space<vmem>> -> memref<16x16xf32, #tpu.memory_space<vmem>>
        tpu.enqueue_dma source(%dma_start3A_355 : memref<16x16xf32, #tpu.memory_space<vmem>>) target(%dma_start3A_352 : memref<16x16xf32, #tpu.memory_space<vmem_shared>>) target_semaphore(%run_scoped3A : memref<!tpu.dma_semaphore, #tpu.memory_space<semaphore_mem>>)
        %dma_wait3A_356 = arith.constant 0 : i32
        %dma_wait3A_357 = arith.constant 0 : i32
        %dma_wait3A_358 = tpu.memref_slice %arg18[%dma_wait3A_356, %dma_wait3A_357] : memref<156x64xf32, #tpu.memory_space<vmem>> -> memref<16x16xf32, #tpu.memory_space<vmem>>
        %dma_wait3A_359 = arith.constant 9984 : i32
        %dma_wait3A_360 = arith.constant 0 : i32
        %dma_wait3A_361 = tpu.memref_slice %arg25[%dma_wait3A_359, %dma_wait3A_360] : memref<10000x16xf32, #tpu.memory_space<vmem_shared>> -> memref<16x16xf32, #tpu.memory_space<vmem_shared>>
        %dma_wait3A_362 = arith.constant 9984 : i32
        %dma_wait3A_363 = arith.constant 0 : i32
        %dma_wait3A_364 = tpu.memref_slice %arg25[%dma_wait3A_362, %dma_wait3A_363] : memref<10000x16xf32, #tpu.memory_space<vmem_shared>> -> memref<16x16xf32, #tpu.memory_space<vmem_shared>>
        %dma_wait3A_365 = arith.constant 0 : i32
        %dma_wait3A_366 = arith.constant 0 : i32
        %dma_wait3A_367 = tpu.memref_slice %arg18[%dma_wait3A_365, %dma_wait3A_366] : memref<156x64xf32, #tpu.memory_space<vmem>> -> memref<16x16xf32, #tpu.memory_space<vmem>>
        tpu.wait_dma2 semaphore(%run_scoped3A : memref<!tpu.dma_semaphore, #tpu.memory_space<semaphore_mem>>) src(%dma_wait3A_367 : memref<16x16xf32, #tpu.memory_space<vmem>>) dst(%dma_wait3A_364 : memref<16x16xf32, #tpu.memory_space<vmem_shared>>)
        tpu.yield
      }) : () -> ()
    } else {
    }
    %broadcast_in_dim3A_30 = arith.constant 1.000000e+00 : f32
    %broadcast_in_dim3A_31 = vector.broadcast %broadcast_in_dim3A_30 : f32 to vector<16xf32>
    %scan3A_32 = arith.constant 0 : i32
    %scan3A_33 = arith.constant 0 : i32
    %scan3A_34 = arith.constant 128 : i32
    %scan3A_35 = arith.addi %scan3A_33, %scan3A_34 : i32
    %scan3A_36 = arith.constant 1 : i32
    scf.for %scan3A_344 = %scan3A_33 to %scan3A_35 step %scan3A_36  : i32 {
      %swap3A_345 = arith.index_cast %scan3A_344 : i32 to index
      %swap3A_346 = arith.constant 0 : index
      %swap3A_347 = tpu.vector_load %arg24[%swap3A_345, %swap3A_346] {strides = array<i32>} : memref<128x16xf32, #tpu.memory_space<vmem>>, vector<1x16xf32>,
      %swap3A_348 = vector.shape_cast %swap3A_347 : vector<1x16xf32> to vector<16xf32>
      %swap3A_349 = vector.shape_cast %broadcast_in_dim3A_31 : vector<16xf32> to vector<1x16xf32>
      tpu.vector_store %arg24[%swap3A_345, %swap3A_346], %swap3A_349 {strides = array<i32>} : memref<128x16xf32, #tpu.memory_space<vmem>>, vector<1x16xf32>,
    }
    %scan3A_37 = arith.constant 128 : i32
    "tpu.region"() ({
      %run_scoped3A = tpu.sem_alloc : memref<!tpu.dma_semaphore, #tpu.memory_space<semaphore_mem>>
      %dma_start3A_344 = tpu.memref_slice %arg2[%multiple_of3A] : memref<320000xi32, #tpu.memory_space<hbm>> -> memref<10000xi32, #tpu.memory_space<hbm>>
      %dma_start3A_345 = tpu.memref_slice %arg2[%multiple_of3A] : memref<320000xi32, #tpu.memory_space<hbm>> -> memref<10000xi32, #tpu.memory_space<hbm>>
      tpu.enqueue_dma source(%dma_start3A_345 : memref<10000xi32, #tpu.memory_space<hbm>>) target(%arg7 : memref<10000xi32, #tpu.memory_space<vmem>>) target_semaphore(%run_scoped3A : memref<!tpu.dma_semaphore, #tpu.memory_space<semaphore_mem>>)
      %dma_wait3A_346 = tpu.memref_slice %arg2[%multiple_of3A] : memref<320000xi32, #tpu.memory_space<hbm>> -> memref<10000xi32, #tpu.memory_space<hbm>>
      %dma_wait3A_347 = tpu.memref_slice %arg2[%multiple_of3A] : memref<320000xi32, #tpu.memory_space<hbm>> -> memref<10000xi32, #tpu.memory_space<hbm>>
      tpu.wait_dma2 semaphore(%run_scoped3A : memref<!tpu.dma_semaphore, #tpu.memory_space<semaphore_mem>>) src(%dma_wait3A_347 : memref<10000xi32, #tpu.memory_space<hbm>>) dst(%arg7 : memref<10000xi32, #tpu.memory_space<vmem>>)
      tpu.yield
    }) : () -> ()
    "tpu.region"() ({
      %run_scoped3A = tpu.sem_alloc : memref<!tpu.dma_semaphore, #tpu.memory_space<semaphore_mem>>
      %dma_start3A_344 = tpu.memref_slice %arg3[%multiple_of3A] : memref<320000xi32, #tpu.memory_space<hbm>> -> memref<10000xi32, #tpu.memory_space<hbm>>
      %dma_start3A_345 = tpu.memref_slice %arg3[%multiple_of3A] : memref<320000xi32, #tpu.memory_space<hbm>> -> memref<10000xi32, #tpu.memory_space<hbm>>
      tpu.enqueue_dma source(%dma_start3A_345 : memref<10000xi32, #tpu.memory_space<hbm>>) target(%arg8 : memref<10000xi32, #tpu.memory_space<vmem>>) target_semaphore(%run_scoped3A : memref<!tpu.dma_semaphore, #tpu.memory_space<semaphore_mem>>)
      %dma_wait3A_346 = tpu.memref_slice %arg3[%multiple_of3A] : memref<320000xi32, #tpu.memory_space<hbm>> -> memref<10000xi32, #tpu.memory_space<hbm>>
      %dma_wait3A_347 = tpu.memref_slice %arg3[%multiple_of3A] : memref<320000xi32, #tpu.memory_space<hbm>> -> memref<10000xi32, #tpu.memory_space<hbm>>
      tpu.wait_dma2 semaphore(%run_scoped3A : memref<!tpu.dma_semaphore, #tpu.memory_space<semaphore_mem>>) src(%dma_wait3A_347 : memref<10000xi32, #tpu.memory_space<hbm>>) dst(%arg8 : memref<10000xi32, #tpu.memory_space<vmem>>)
      tpu.yield
    }) : () -> ()
    %barrier3A = arith.constant 0 : index
    tpu.barrier barrier_id(%barrier3A)
    %get3A = arith.constant 0 : index
    %get3A_38 = tpu.vector_load %arg7[%get3A] {strides = array<i32>} : memref<10000xi32, #tpu.memory_space<vmem>>, vector<16xi32>,
    %get3A_39 = vector.shape_cast %get3A_38 : vector<16xi32> to vector<16xi32>
    %swap3A = arith.constant 0 : index
    %swap3A_40 = tpu.vector_load %arg9[%swap3A] {strides = array<i32>} : memref<128xi32, #tpu.memory_space<vmem>>, vector<16xi32>,
    %swap3A_41 = vector.shape_cast %swap3A_40 : vector<16xi32> to vector<16xi32>
    %swap3A_42 = vector.shape_cast %get3A_39 : vector<16xi32> to vector<16xi32>
    tpu.vector_store %arg9[%swap3A], %swap3A_42 {strides = array<i32>} : memref<128xi32, #tpu.memory_space<vmem>>, vector<16xi32>,
    %get3A_43 = arith.constant 0 : index
    %get3A_44 = tpu.vector_load %arg8[%get3A_43] {strides = array<i32>} : memref<10000xi32, #tpu.memory_space<vmem>>, vector<16xi32>,
    %get3A_45 = vector.shape_cast %get3A_44 : vector<16xi32> to vector<16xi32>
    %swap3A_46 = arith.constant 0 : index
    %swap3A_47 = tpu.vector_load %arg11[%swap3A_46] {strides = array<i32>} : memref<128xi32, #tpu.memory_space<vmem>>, vector<16xi32>,
    %swap3A_48 = vector.shape_cast %swap3A_47 : vector<16xi32> to vector<16xi32>
    %swap3A_49 = vector.shape_cast %get3A_45 : vector<16xi32> to vector<16xi32>
    tpu.vector_store %arg11[%swap3A_46], %swap3A_49 {strides = array<i32>} : memref<128xi32, #tpu.memory_space<vmem>>, vector<16xi32>,
    %get3A_50 = arith.constant 16 : index
    %get3A_51 = tpu.vector_load %arg7[%get3A_50] {strides = array<i32>} : memref<10000xi32, #tpu.memory_space<vmem>>, vector<16xi32>,
    %get3A_52 = vector.shape_cast %get3A_51 : vector<16xi32> to vector<16xi32>
    %swap3A_53 = arith.constant 16 : index
    %swap3A_54 = tpu.vector_load %arg9[%swap3A_53] {strides = array<i32>} : memref<128xi32, #tpu.memory_space<vmem>>, vector<16xi32>,
    %swap3A_55 = vector.shape_cast %swap3A_54 : vector<16xi32> to vector<16xi32>
    %swap3A_56 = vector.shape_cast %get3A_52 : vector<16xi32> to vector<16xi32>
    tpu.vector_store %arg9[%swap3A_53], %swap3A_56 {strides = array<i32>} : memref<128xi32, #tpu.memory_space<vmem>>, vector<16xi32>,
    %get3A_57 = arith.constant 16 : index
    %get3A_58 = tpu.vector_load %arg8[%get3A_57] {strides = array<i32>} : memref<10000xi32, #tpu.memory_space<vmem>>, vector<16xi32>,
    %get3A_59 = vector.shape_cast %get3A_58 : vector<16xi32> to vector<16xi32>
    %swap3A_60 = arith.constant 16 : index
    %swap3A_61 = tpu.vector_load %arg11[%swap3A_60] {strides = array<i32>} : memref<128xi32, #tpu.memory_space<vmem>>, vector<16xi32>,
    %swap3A_62 = vector.shape_cast %swap3A_61 : vector<16xi32> to vector<16xi32>
    %swap3A_63 = vector.shape_cast %get3A_59 : vector<16xi32> to vector<16xi32>
    tpu.vector_store %arg11[%swap3A_60], %swap3A_63 {strides = array<i32>} : memref<128xi32, #tpu.memory_space<vmem>>, vector<16xi32>,
    %get3A_64 = arith.constant 32 : index
    %get3A_65 = tpu.vector_load %arg7[%get3A_64] {strides = array<i32>} : memref<10000xi32, #tpu.memory_space<vmem>>, vector<16xi32>,
    %get3A_66 = vector.shape_cast %get3A_65 : vector<16xi32> to vector<16xi32>
    %swap3A_67 = arith.constant 32 : index
    %swap3A_68 = tpu.vector_load %arg9[%swap3A_67] {strides = array<i32>} : memref<128xi32, #tpu.memory_space<vmem>>, vector<16xi32>,
    %swap3A_69 = vector.shape_cast %swap3A_68 : vector<16xi32> to vector<16xi32>
    %swap3A_70 = vector.shape_cast %get3A_66 : vector<16xi32> to vector<16xi32>
    tpu.vector_store %arg9[%swap3A_67], %swap3A_70 {strides = array<i32>} : memref<128xi32, #tpu.memory_space<vmem>>, vector<16xi32>,
    %get3A_71 = arith.constant 32 : index
    %get3A_72 = tpu.vector_load %arg8[%get3A_71] {strides = array<i32>} : memref<10000xi32, #tpu.memory_space<vmem>>, vector<16xi32>,
    %get3A_73 = vector.shape_cast %get3A_72 : vector<16xi32> to vector<16xi32>
    %swap3A_74 = arith.constant 32 : index
    %swap3A_75 = tpu.vector_load %arg11[%swap3A_74] {strides = array<i32>} : memref<128xi32, #tpu.memory_space<vmem>>, vector<16xi32>,
    %swap3A_76 = vector.shape_cast %swap3A_75 : vector<16xi32> to vector<16xi32>
    %swap3A_77 = vector.shape_cast %get3A_73 : vector<16xi32> to vector<16xi32>
    tpu.vector_store %arg11[%swap3A_74], %swap3A_77 {strides = array<i32>} : memref<128xi32, #tpu.memory_space<vmem>>, vector<16xi32>,
    %get3A_78 = arith.constant 48 : index
    %get3A_79 = tpu.vector_load %arg7[%get3A_78] {strides = array<i32>} : memref<10000xi32, #tpu.memory_space<vmem>>, vector<16xi32>,
    %get3A_80 = vector.shape_cast %get3A_79 : vector<16xi32> to vector<16xi32>
    %swap3A_81 = arith.constant 48 : index
    %swap3A_82 = tpu.vector_load %arg9[%swap3A_81] {strides = array<i32>} : memref<128xi32, #tpu.memory_space<vmem>>, vector<16xi32>,
    %swap3A_83 = vector.shape_cast %swap3A_82 : vector<16xi32> to vector<16xi32>
    %swap3A_84 = vector.shape_cast %get3A_80 : vector<16xi32> to vector<16xi32>
    tpu.vector_store %arg9[%swap3A_81], %swap3A_84 {strides = array<i32>} : memref<128xi32, #tpu.memory_space<vmem>>, vector<16xi32>,
    %get3A_85 = arith.constant 48 : index
    %get3A_86 = tpu.vector_load %arg8[%get3A_85] {strides = array<i32>} : memref<10000xi32, #tpu.memory_space<vmem>>, vector<16xi32>,
    %get3A_87 = vector.shape_cast %get3A_86 : vector<16xi32> to vector<16xi32>
    %swap3A_88 = arith.constant 48 : index
    %swap3A_89 = tpu.vector_load %arg11[%swap3A_88] {strides = array<i32>} : memref<128xi32, #tpu.memory_space<vmem>>, vector<16xi32>,
    %swap3A_90 = vector.shape_cast %swap3A_89 : vector<16xi32> to vector<16xi32>
    %swap3A_91 = vector.shape_cast %get3A_87 : vector<16xi32> to vector<16xi32>
    tpu.vector_store %arg11[%swap3A_88], %swap3A_91 {strides = array<i32>} : memref<128xi32, #tpu.memory_space<vmem>>, vector<16xi32>,
    %get3A_92 = arith.constant 64 : index
    %get3A_93 = tpu.vector_load %arg7[%get3A_92] {strides = array<i32>} : memref<10000xi32, #tpu.memory_space<vmem>>, vector<16xi32>,
    %get3A_94 = vector.shape_cast %get3A_93 : vector<16xi32> to vector<16xi32>
    %swap3A_95 = arith.constant 64 : index
    %swap3A_96 = tpu.vector_load %arg9[%swap3A_95] {strides = array<i32>} : memref<128xi32, #tpu.memory_space<vmem>>, vector<16xi32>,
    %swap3A_97 = vector.shape_cast %swap3A_96 : vector<16xi32> to vector<16xi32>
    %swap3A_98 = vector.shape_cast %get3A_94 : vector<16xi32> to vector<16xi32>
    tpu.vector_store %arg9[%swap3A_95], %swap3A_98 {strides = array<i32>} : memref<128xi32, #tpu.memory_space<vmem>>, vector<16xi32>,
    %get3A_99 = arith.constant 64 : index
    %get3A_100 = tpu.vector_load %arg8[%get3A_99] {strides = array<i32>} : memref<10000xi32, #tpu.memory_space<vmem>>, vector<16xi32>,
    %get3A_101 = vector.shape_cast %get3A_100 : vector<16xi32> to vector<16xi32>
    %swap3A_102 = arith.constant 64 : index
    %swap3A_103 = tpu.vector_load %arg11[%swap3A_102] {strides = array<i32>} : memref<128xi32, #tpu.memory_space<vmem>>, vector<16xi32>,
    %swap3A_104 = vector.shape_cast %swap3A_103 : vector<16xi32> to vector<16xi32>
    %swap3A_105 = vector.shape_cast %get3A_101 : vector<16xi32> to vector<16xi32>
    tpu.vector_store %arg11[%swap3A_102], %swap3A_105 {strides = array<i32>} : memref<128xi32, #tpu.memory_space<vmem>>, vector<16xi32>,
    %get3A_106 = arith.constant 80 : index
    %get3A_107 = tpu.vector_load %arg7[%get3A_106] {strides = array<i32>} : memref<10000xi32, #tpu.memory_space<vmem>>, vector<16xi32>,
    %get3A_108 = vector.shape_cast %get3A_107 : vector<16xi32> to vector<16xi32>
    %swap3A_109 = arith.constant 80 : index
    %swap3A_110 = tpu.vector_load %arg9[%swap3A_109] {strides = array<i32>} : memref<128xi32, #tpu.memory_space<vmem>>, vector<16xi32>,
    %swap3A_111 = vector.shape_cast %swap3A_110 : vector<16xi32> to vector<16xi32>
    %swap3A_112 = vector.shape_cast %get3A_108 : vector<16xi32> to vector<16xi32>
    tpu.vector_store %arg9[%swap3A_109], %swap3A_112 {strides = array<i32>} : memref<128xi32, #tpu.memory_space<vmem>>, vector<16xi32>,
    %get3A_113 = arith.constant 80 : index
    %get3A_114 = tpu.vector_load %arg8[%get3A_113] {strides = array<i32>} : memref<10000xi32, #tpu.memory_space<vmem>>, vector<16xi32>,
    %get3A_115 = vector.shape_cast %get3A_114 : vector<16xi32> to vector<16xi32>
    %swap3A_116 = arith.constant 80 : index
    %swap3A_117 = tpu.vector_load %arg11[%swap3A_116] {strides = array<i32>} : memref<128xi32, #tpu.memory_space<vmem>>, vector<16xi32>,
    %swap3A_118 = vector.shape_cast %swap3A_117 : vector<16xi32> to vector<16xi32>
    %swap3A_119 = vector.shape_cast %get3A_115 : vector<16xi32> to vector<16xi32>
    tpu.vector_store %arg11[%swap3A_116], %swap3A_119 {strides = array<i32>} : memref<128xi32, #tpu.memory_space<vmem>>, vector<16xi32>,
    %get3A_120 = arith.constant 96 : index
    %get3A_121 = tpu.vector_load %arg7[%get3A_120] {strides = array<i32>} : memref<10000xi32, #tpu.memory_space<vmem>>, vector<16xi32>,
    %get3A_122 = vector.shape_cast %get3A_121 : vector<16xi32> to vector<16xi32>
    %swap3A_123 = arith.constant 96 : index
    %swap3A_124 = tpu.vector_load %arg9[%swap3A_123] {strides = array<i32>} : memref<128xi32, #tpu.memory_space<vmem>>, vector<16xi32>,
    %swap3A_125 = vector.shape_cast %swap3A_124 : vector<16xi32> to vector<16xi32>
    %swap3A_126 = vector.shape_cast %get3A_122 : vector<16xi32> to vector<16xi32>
    tpu.vector_store %arg9[%swap3A_123], %swap3A_126 {strides = array<i32>} : memref<128xi32, #tpu.memory_space<vmem>>, vector<16xi32>,
    %get3A_127 = arith.constant 96 : index
    %get3A_128 = tpu.vector_load %arg8[%get3A_127] {strides = array<i32>} : memref<10000xi32, #tpu.memory_space<vmem>>, vector<16xi32>,
    %get3A_129 = vector.shape_cast %get3A_128 : vector<16xi32> to vector<16xi32>
    %swap3A_130 = arith.constant 96 : index
    %swap3A_131 = tpu.vector_load %arg11[%swap3A_130] {strides = array<i32>} : memref<128xi32, #tpu.memory_space<vmem>>, vector<16xi32>,
    %swap3A_132 = vector.shape_cast %swap3A_131 : vector<16xi32> to vector<16xi32>
    %swap3A_133 = vector.shape_cast %get3A_129 : vector<16xi32> to vector<16xi32>
    tpu.vector_store %arg11[%swap3A_130], %swap3A_133 {strides = array<i32>} : memref<128xi32, #tpu.memory_space<vmem>>, vector<16xi32>,
    %get3A_134 = arith.constant 112 : index
    %get3A_135 = tpu.vector_load %arg7[%get3A_134] {strides = array<i32>} : memref<10000xi32, #tpu.memory_space<vmem>>, vector<16xi32>,
    %get3A_136 = vector.shape_cast %get3A_135 : vector<16xi32> to vector<16xi32>
    %swap3A_137 = arith.constant 112 : index
    %swap3A_138 = tpu.vector_load %arg9[%swap3A_137] {strides = array<i32>} : memref<128xi32, #tpu.memory_space<vmem>>, vector<16xi32>,
    %swap3A_139 = vector.shape_cast %swap3A_138 : vector<16xi32> to vector<16xi32>
    %swap3A_140 = vector.shape_cast %get3A_136 : vector<16xi32> to vector<16xi32>
    tpu.vector_store %arg9[%swap3A_137], %swap3A_140 {strides = array<i32>} : memref<128xi32, #tpu.memory_space<vmem>>, vector<16xi32>,
    %get3A_141 = arith.constant 112 : index
    %get3A_142 = tpu.vector_load %arg8[%get3A_141] {strides = array<i32>} : memref<10000xi32, #tpu.memory_space<vmem>>, vector<16xi32>,
    %get3A_143 = vector.shape_cast %get3A_142 : vector<16xi32> to vector<16xi32>
    %swap3A_144 = arith.constant 112 : index
    %swap3A_145 = tpu.vector_load %arg11[%swap3A_144] {strides = array<i32>} : memref<128xi32, #tpu.memory_space<vmem>>, vector<16xi32>,
    %swap3A_146 = vector.shape_cast %swap3A_145 : vector<16xi32> to vector<16xi32>
    %swap3A_147 = vector.shape_cast %get3A_143 : vector<16xi32> to vector<16xi32>
    tpu.vector_store %arg11[%swap3A_144], %swap3A_147 {strides = array<i32>} : memref<128xi32, #tpu.memory_space<vmem>>, vector<16xi32>,
    %dma_start3A = arith.constant 0 : i32
    %dma_start3A_148 = arith.constant 0 : i32
    %dma_start3A_149 = tpu.memref_slice %arg4[%dma_start3A, %dma_start3A_148] : memref<10000x64xf32, #tpu.memory_space<hbm>> -> memref<10000x64xf32, #tpu.memory_space<hbm>>
    tpu.enqueue_indirect_dma source(%dma_start3A_149 : memref<10000x64xf32, #tpu.memory_space<hbm>>) target(%arg15 : memref<128x64xf32, #tpu.memory_space<vmem>>) offsets(%arg9 : memref<128xi32, #tpu.memory_space<vmem>>) semaphore(%arg20 : memref<!tpu.dma_semaphore, #tpu.memory_space<semaphore_mem>>)
    %get3A_150 = arith.constant 128 : index
    %get3A_151 = tpu.vector_load %arg7[%get3A_150] {strides = array<i32>} : memref<10000xi32, #tpu.memory_space<vmem>>, vector<16xi32>,
    %get3A_152 = vector.shape_cast %get3A_151 : vector<16xi32> to vector<16xi32>
    %swap3A_153 = arith.constant 0 : index
    %swap3A_154 = tpu.vector_load %arg10[%swap3A_153] {strides = array<i32>} : memref<128xi32, #tpu.memory_space<vmem>>, vector<16xi32>,
    %swap3A_155 = vector.shape_cast %swap3A_154 : vector<16xi32> to vector<16xi32>
    %swap3A_156 = vector.shape_cast %get3A_152 : vector<16xi32> to vector<16xi32>
    tpu.vector_store %arg10[%swap3A_153], %swap3A_156 {strides = array<i32>} : memref<128xi32, #tpu.memory_space<vmem>>, vector<16xi32>,
    %get3A_157 = arith.constant 128 : index
    %get3A_158 = tpu.vector_load %arg8[%get3A_157] {strides = array<i32>} : memref<10000xi32, #tpu.memory_space<vmem>>, vector<16xi32>,
    %get3A_159 = vector.shape_cast %get3A_158 : vector<16xi32> to vector<16xi32>
    %swap3A_160 = arith.constant 0 : index
    %swap3A_161 = tpu.vector_load %arg12[%swap3A_160] {strides = array<i32>} : memref<128xi32, #tpu.memory_space<vmem>>, vector<16xi32>,
    %swap3A_162 = vector.shape_cast %swap3A_161 : vector<16xi32> to vector<16xi32>
    %swap3A_163 = vector.shape_cast %get3A_159 : vector<16xi32> to vector<16xi32>
    tpu.vector_store %arg12[%swap3A_160], %swap3A_163 {strides = array<i32>} : memref<128xi32, #tpu.memory_space<vmem>>, vector<16xi32>,
    %get3A_164 = arith.constant 144 : index
    %get3A_165 = tpu.vector_load %arg7[%get3A_164] {strides = array<i32>} : memref<10000xi32, #tpu.memory_space<vmem>>, vector<16xi32>,
    %get3A_166 = vector.shape_cast %get3A_165 : vector<16xi32> to vector<16xi32>
    %swap3A_167 = arith.constant 16 : index
    %swap3A_168 = tpu.vector_load %arg10[%swap3A_167] {strides = array<i32>} : memref<128xi32, #tpu.memory_space<vmem>>, vector<16xi32>,
    %swap3A_169 = vector.shape_cast %swap3A_168 : vector<16xi32> to vector<16xi32>
    %swap3A_170 = vector.shape_cast %get3A_166 : vector<16xi32> to vector<16xi32>
    tpu.vector_store %arg10[%swap3A_167], %swap3A_170 {strides = array<i32>} : memref<128xi32, #tpu.memory_space<vmem>>, vector<16xi32>,
    %get3A_171 = arith.constant 144 : index
    %get3A_172 = tpu.vector_load %arg8[%get3A_171] {strides = array<i32>} : memref<10000xi32, #tpu.memory_space<vmem>>, vector<16xi32>,
    %get3A_173 = vector.shape_cast %get3A_172 : vector<16xi32> to vector<16xi32>
    %swap3A_174 = arith.constant 16 : index
    %swap3A_175 = tpu.vector_load %arg12[%swap3A_174] {strides = array<i32>} : memref<128xi32, #tpu.memory_space<vmem>>, vector<16xi32>,
    %swap3A_176 = vector.shape_cast %swap3A_175 : vector<16xi32> to vector<16xi32>
    %swap3A_177 = vector.shape_cast %get3A_173 : vector<16xi32> to vector<16xi32>
    tpu.vector_store %arg12[%swap3A_174], %swap3A_177 {strides = array<i32>} : memref<128xi32, #tpu.memory_space<vmem>>, vector<16xi32>,
    %get3A_178 = arith.constant 160 : index
    %get3A_179 = tpu.vector_load %arg7[%get3A_178] {strides = array<i32>} : memref<10000xi32, #tpu.memory_space<vmem>>, vector<16xi32>,
    %get3A_180 = vector.shape_cast %get3A_179 : vector<16xi32> to vector<16xi32>
    %swap3A_181 = arith.constant 32 : index
    %swap3A_182 = tpu.vector_load %arg10[%swap3A_181] {strides = array<i32>} : memref<128xi32, #tpu.memory_space<vmem>>, vector<16xi32>,
    %swap3A_183 = vector.shape_cast %swap3A_182 : vector<16xi32> to vector<16xi32>
    %swap3A_184 = vector.shape_cast %get3A_180 : vector<16xi32> to vector<16xi32>
    tpu.vector_store %arg10[%swap3A_181], %swap3A_184 {strides = array<i32>} : memref<128xi32, #tpu.memory_space<vmem>>, vector<16xi32>,
    %get3A_185 = arith.constant 160 : index
    %get3A_186 = tpu.vector_load %arg8[%get3A_185] {strides = array<i32>} : memref<10000xi32, #tpu.memory_space<vmem>>, vector<16xi32>,
    %get3A_187 = vector.shape_cast %get3A_186 : vector<16xi32> to vector<16xi32>
    %swap3A_188 = arith.constant 32 : index
    %swap3A_189 = tpu.vector_load %arg12[%swap3A_188] {strides = array<i32>} : memref<128xi32, #tpu.memory_space<vmem>>, vector<16xi32>,
    %swap3A_190 = vector.shape_cast %swap3A_189 : vector<16xi32> to vector<16xi32>
    %swap3A_191 = vector.shape_cast %get3A_187 : vector<16xi32> to vector<16xi32>
    tpu.vector_store %arg12[%swap3A_188], %swap3A_191 {strides = array<i32>} : memref<128xi32, #tpu.memory_space<vmem>>, vector<16xi32>,
    %get3A_192 = arith.constant 176 : index
    %get3A_193 = tpu.vector_load %arg7[%get3A_192] {strides = array<i32>} : memref<10000xi32, #tpu.memory_space<vmem>>, vector<16xi32>,
    %get3A_194 = vector.shape_cast %get3A_193 : vector<16xi32> to vector<16xi32>
    %swap3A_195 = arith.constant 48 : index
    %swap3A_196 = tpu.vector_load %arg10[%swap3A_195] {strides = array<i32>} : memref<128xi32, #tpu.memory_space<vmem>>, vector<16xi32>,
    %swap3A_197 = vector.shape_cast %swap3A_196 : vector<16xi32> to vector<16xi32>
    %swap3A_198 = vector.shape_cast %get3A_194 : vector<16xi32> to vector<16xi32>
    tpu.vector_store %arg10[%swap3A_195], %swap3A_198 {strides = array<i32>} : memref<128xi32, #tpu.memory_space<vmem>>, vector<16xi32>,
    %get3A_199 = arith.constant 176 : index
    %get3A_200 = tpu.vector_load %arg8[%get3A_199] {strides = array<i32>} : memref<10000xi32, #tpu.memory_space<vmem>>, vector<16xi32>,
    %get3A_201 = vector.shape_cast %get3A_200 : vector<16xi32> to vector<16xi32>
    %swap3A_202 = arith.constant 48 : index
    %swap3A_203 = tpu.vector_load %arg12[%swap3A_202] {strides = array<i32>} : memref<128xi32, #tpu.memory_space<vmem>>, vector<16xi32>,
    %swap3A_204 = vector.shape_cast %swap3A_203 : vector<16xi32> to vector<16xi32>
    %swap3A_205 = vector.shape_cast %get3A_201 : vector<16xi32> to vector<16xi32>
    tpu.vector_store %arg12[%swap3A_202], %swap3A_205 {strides = array<i32>} : memref<128xi32, #tpu.memory_space<vmem>>, vector<16xi32>,
    %get3A_206 = arith.constant 192 : index
    %get3A_207 = tpu.vector_load %arg7[%get3A_206] {strides = array<i32>} : memref<10000xi32, #tpu.memory_space<vmem>>, vector<16xi32>,
    %get3A_208 = vector.shape_cast %get3A_207 : vector<16xi32> to vector<16xi32>
    %swap3A_209 = arith.constant 64 : index
    %swap3A_210 = tpu.vector_load %arg10[%swap3A_209] {strides = array<i32>} : memref<128xi32, #tpu.memory_space<vmem>>, vector<16xi32>,
    %swap3A_211 = vector.shape_cast %swap3A_210 : vector<16xi32> to vector<16xi32>
    %swap3A_212 = vector.shape_cast %get3A_208 : vector<16xi32> to vector<16xi32>
    tpu.vector_store %arg10[%swap3A_209], %swap3A_212 {strides = array<i32>} : memref<128xi32, #tpu.memory_space<vmem>>, vector<16xi32>,
    %get3A_213 = arith.constant 192 : index
    %get3A_214 = tpu.vector_load %arg8[%get3A_213] {strides = array<i32>} : memref<10000xi32, #tpu.memory_space<vmem>>, vector<16xi32>,
    %get3A_215 = vector.shape_cast %get3A_214 : vector<16xi32> to vector<16xi32>
    %swap3A_216 = arith.constant 64 : index
    %swap3A_217 = tpu.vector_load %arg12[%swap3A_216] {strides = array<i32>} : memref<128xi32, #tpu.memory_space<vmem>>, vector<16xi32>,
    %swap3A_218 = vector.shape_cast %swap3A_217 : vector<16xi32> to vector<16xi32>
    %swap3A_219 = vector.shape_cast %get3A_215 : vector<16xi32> to vector<16xi32>
    tpu.vector_store %arg12[%swap3A_216], %swap3A_219 {strides = array<i32>} : memref<128xi32, #tpu.memory_space<vmem>>, vector<16xi32>,
    %get3A_220 = arith.constant 208 : index
    %get3A_221 = tpu.vector_load %arg7[%get3A_220] {strides = array<i32>} : memref<10000xi32, #tpu.memory_space<vmem>>, vector<16xi32>,
    %get3A_222 = vector.shape_cast %get3A_221 : vector<16xi32> to vector<16xi32>
    %swap3A_223 = arith.constant 80 : index
    %swap3A_224 = tpu.vector_load %arg10[%swap3A_223] {strides = array<i32>} : memref<128xi32, #tpu.memory_space<vmem>>, vector<16xi32>,
    %swap3A_225 = vector.shape_cast %swap3A_224 : vector<16xi32> to vector<16xi32>
    %swap3A_226 = vector.shape_cast %get3A_222 : vector<16xi32> to vector<16xi32>
    tpu.vector_store %arg10[%swap3A_223], %swap3A_226 {strides = array<i32>} : memref<128xi32, #tpu.memory_space<vmem>>, vector<16xi32>,
    %get3A_227 = arith.constant 208 : index
    %get3A_228 = tpu.vector_load %arg8[%get3A_227] {strides = array<i32>} : memref<10000xi32, #tpu.memory_space<vmem>>, vector<16xi32>,
    %get3A_229 = vector.shape_cast %get3A_228 : vector<16xi32> to vector<16xi32>
    %swap3A_230 = arith.constant 80 : index
    %swap3A_231 = tpu.vector_load %arg12[%swap3A_230] {strides = array<i32>} : memref<128xi32, #tpu.memory_space<vmem>>, vector<16xi32>,
    %swap3A_232 = vector.shape_cast %swap3A_231 : vector<16xi32> to vector<16xi32>
    %swap3A_233 = vector.shape_cast %get3A_229 : vector<16xi32> to vector<16xi32>
    tpu.vector_store %arg12[%swap3A_230], %swap3A_233 {strides = array<i32>} : memref<128xi32, #tpu.memory_space<vmem>>, vector<16xi32>,
    %get3A_234 = arith.constant 224 : index
    %get3A_235 = tpu.vector_load %arg7[%get3A_234] {strides = array<i32>} : memref<10000xi32, #tpu.memory_space<vmem>>, vector<16xi32>,
    %get3A_236 = vector.shape_cast %get3A_235 : vector<16xi32> to vector<16xi32>
    %swap3A_237 = arith.constant 96 : index
    %swap3A_238 = tpu.vector_load %arg10[%swap3A_237] {strides = array<i32>} : memref<128xi32, #tpu.memory_space<vmem>>, vector<16xi32>,
    %swap3A_239 = vector.shape_cast %swap3A_238 : vector<16xi32> to vector<16xi32>
    %swap3A_240 = vector.shape_cast %get3A_236 : vector<16xi32> to vector<16xi32>
    tpu.vector_store %arg10[%swap3A_237], %swap3A_240 {strides = array<i32>} : memref<128xi32, #tpu.memory_space<vmem>>, vector<16xi32>,
    %get3A_241 = arith.constant 224 : index
    %get3A_242 = tpu.vector_load %arg8[%get3A_241] {strides = array<i32>} : memref<10000xi32, #tpu.memory_space<vmem>>, vector<16xi32>,
    %get3A_243 = vector.shape_cast %get3A_242 : vector<16xi32> to vector<16xi32>
    %swap3A_244 = arith.constant 96 : index
    %swap3A_245 = tpu.vector_load %arg12[%swap3A_244] {strides = array<i32>} : memref<128xi32, #tpu.memory_space<vmem>>, vector<16xi32>,
    %swap3A_246 = vector.shape_cast %swap3A_245 : vector<16xi32> to vector<16xi32>
    %swap3A_247 = vector.shape_cast %get3A_243 : vector<16xi32> to vector<16xi32>
    tpu.vector_store %arg12[%swap3A_244], %swap3A_247 {strides = array<i32>} : memref<128xi32, #tpu.memory_space<vmem>>, vector<16xi32>,
    %get3A_248 = arith.constant 240 : index
    %get3A_249 = tpu.vector_load %arg7[%get3A_248] {strides = array<i32>} : memref<10000xi32, #tpu.memory_space<vmem>>, vector<16xi32>,
    %get3A_250 = vector.shape_cast %get3A_249 : vector<16xi32> to vector<16xi32>
    %swap3A_251 = arith.constant 112 : index
    %swap3A_252 = tpu.vector_load %arg10[%swap3A_251] {strides = array<i32>} : memref<128xi32, #tpu.memory_space<vmem>>, vector<16xi32>,
    %swap3A_253 = vector.shape_cast %swap3A_252 : vector<16xi32> to vector<16xi32>
    %swap3A_254 = vector.shape_cast %get3A_250 : vector<16xi32> to vector<16xi32>
    tpu.vector_store %arg10[%swap3A_251], %swap3A_254 {strides = array<i32>} : memref<128xi32, #tpu.memory_space<vmem>>, vector<16xi32>,
    %get3A_255 = arith.constant 240 : index
    %get3A_256 = tpu.vector_load %arg8[%get3A_255] {strides = array<i32>} : memref<10000xi32, #tpu.memory_space<vmem>>, vector<16xi32>,
    %get3A_257 = vector.shape_cast %get3A_256 : vector<16xi32> to vector<16xi32>
    %swap3A_258 = arith.constant 112 : index
    %swap3A_259 = tpu.vector_load %arg12[%swap3A_258] {strides = array<i32>} : memref<128xi32, #tpu.memory_space<vmem>>, vector<16xi32>,
    %swap3A_260 = vector.shape_cast %swap3A_259 : vector<16xi32> to vector<16xi32>
    %swap3A_261 = vector.shape_cast %get3A_257 : vector<16xi32> to vector<16xi32>
    tpu.vector_store %arg12[%swap3A_258], %swap3A_261 {strides = array<i32>} : memref<128xi32, #tpu.memory_space<vmem>>, vector<16xi32>,
    %dma_start3A_262 = arith.constant 0 : i32
    %dma_start3A_263 = arith.constant 0 : i32
    %dma_start3A_264 = tpu.memref_slice %arg4[%dma_start3A_262, %dma_start3A_263] : memref<10000x64xf32, #tpu.memory_space<hbm>> -> memref<10000x64xf32, #tpu.memory_space<hbm>>
    tpu.enqueue_indirect_dma source(%dma_start3A_264 : memref<10000x64xf32, #tpu.memory_space<hbm>>) target(%arg16 : memref<128x64xf32, #tpu.memory_space<vmem>>) offsets(%arg10 : memref<128xi32, #tpu.memory_space<vmem>>) semaphore(%arg21 : memref<!tpu.dma_semaphore, #tpu.memory_space<semaphore_mem>>)
    %dma_wait3A = arith.constant 0 : i32
    %dma_wait3A_265 = arith.constant 0 : i32
    %dma_wait3A_266 = tpu.memref_slice %arg4[%dma_wait3A, %dma_wait3A_265] : memref<10000x64xf32, #tpu.memory_space<hbm>> -> memref<10000x64xf32, #tpu.memory_space<hbm>>
    tpu.wait_indirect_dma semaphore(%arg20 : memref<!tpu.dma_semaphore, #tpu.memory_space<semaphore_mem>>) src(%dma_wait3A_266 : memref<10000x64xf32, #tpu.memory_space<hbm>>) dst(%arg15 : memref<128x64xf32, #tpu.memory_space<vmem>>)
    %dma_start3A_267 = arith.constant 0 : i32
    %dma_start3A_268 = arith.constant 0 : i32
    %dma_start3A_269 = tpu.memref_slice %arg19[%dma_start3A_267, %dma_start3A_268] : memref<10000x64xf32, #tpu.memory_space<vmem_shared>> -> memref<10000x64xf32, #tpu.memory_space<vmem_shared>>
    tpu.enqueue_indirect_dma source(%arg15 : memref<128x64xf32, #tpu.memory_space<vmem>>) target(%dma_start3A_269 : memref<10000x64xf32, #tpu.memory_space<vmem_shared>>) offsets(%arg11 : memref<128xi32, #tpu.memory_space<vmem>>) semaphore(%arg22 : memref<!tpu.dma_semaphore, #tpu.memory_space<semaphore_mem>>) {add = true}
    %dma_start3A_270 = arith.constant 0 : i32
    %dma_start3A_271 = arith.constant 0 : i32
    %dma_start3A_272 = tpu.memref_slice %arg25[%dma_start3A_270, %dma_start3A_271] : memref<10000x16xf32, #tpu.memory_space<vmem_shared>> -> memref<10000x16xf32, #tpu.memory_space<vmem_shared>>
    tpu.enqueue_indirect_dma source(%arg24 : memref<128x16xf32, #tpu.memory_space<vmem>>) target(%dma_start3A_272 : memref<10000x16xf32, #tpu.memory_space<vmem_shared>>) offsets(%arg11 : memref<128xi32, #tpu.memory_space<vmem>>) semaphore(%arg26 : memref<!tpu.dma_semaphore, #tpu.memory_space<semaphore_mem>>) {add = true}
    %scan3A_273 = arith.constant 0 : i32
    %scan3A_274 = arith.constant 0 : i32
    %scan3A_275 = arith.constant 38 : i32
    %scan3A_276 = arith.addi %scan3A_274, %scan3A_275 : i32
    %scan3A_277 = arith.constant 1 : i32
    scf.for %scan3A_344 = %scan3A_274 to %scan3A_276 step %scan3A_277  : i32 {
      %mul3A_345 = arith.constant 2 : i32
      %mul3A_346 = arith.muli %mul3A_345, %scan3A_344 : i32
      %add3A_347 = arith.constant 2 : i32
      %add3A_348 = arith.addi %mul3A_346, %add3A_347 : i32
      %dma_wait3A_349 = arith.constant 0 : i32
      %dma_wait3A_350 = arith.constant 0 : i32
      %dma_wait3A_351 = tpu.memref_slice %arg19[%dma_wait3A_349, %dma_wait3A_350] : memref<10000x64xf32, #tpu.memory_space<vmem_shared>> -> memref<10000x64xf32, #tpu.memory_space<vmem_shared>>
      tpu.wait_indirect_dma semaphore(%arg22 : memref<!tpu.dma_semaphore, #tpu.memory_space<semaphore_mem>>) src(%arg15 : memref<128x64xf32, #tpu.memory_space<vmem>>) dst(%dma_wait3A_351 : memref<10000x64xf32, #tpu.memory_space<vmem_shared>>)
      %dma_wait3A_352 = arith.constant 0 : i32
      %dma_wait3A_353 = arith.constant 0 : i32
      %dma_wait3A_354 = tpu.memref_slice %arg25[%dma_wait3A_352, %dma_wait3A_353] : memref<10000x16xf32, #tpu.memory_space<vmem_shared>> -> memref<10000x16xf32, #tpu.memory_space<vmem_shared>>
      tpu.wait_indirect_dma semaphore(%arg26 : memref<!tpu.dma_semaphore, #tpu.memory_space<semaphore_mem>>) src(%arg24 : memref<128x16xf32, #tpu.memory_space<vmem>>) dst(%dma_wait3A_354 : memref<10000x16xf32, #tpu.memory_space<vmem_shared>>)
      %mul3A_355 = arith.constant 128 : i32
      %mul3A_356 = arith.muli %add3A_348, %mul3A_355 : i32
      %add3A_357 = arith.constant 0 : i32
      %add3A_358 = arith.addi %mul3A_356, %add3A_357 : i32
      %get3A_359 = arith.index_cast %add3A_358 : i32 to index
      %get3A_360 = tpu.vector_load %arg7[%get3A_359] {strides = array<i32>} : memref<10000xi32, #tpu.memory_space<vmem>>, vector<16xi32>,
      %get3A_361 = vector.shape_cast %get3A_360 : vector<16xi32> to vector<16xi32>
      %swap3A_362 = arith.constant 0 : index
      %swap3A_363 = tpu.vector_load %arg9[%swap3A_362] {strides = array<i32>} : memref<128xi32, #tpu.memory_space<vmem>>, vector<16xi32>,
      %swap3A_364 = vector.shape_cast %swap3A_363 : vector<16xi32> to vector<16xi32>
      %swap3A_365 = vector.shape_cast %get3A_361 : vector<16xi32> to vector<16xi32>
      tpu.vector_store %arg9[%swap3A_362], %swap3A_365 {strides = array<i32>} : memref<128xi32, #tpu.memory_space<vmem>>, vector<16xi32>,
      %add3A_366 = arith.constant 0 : i32
      %add3A_367 = arith.addi %mul3A_356, %add3A_366 : i32
      %get3A_368 = arith.index_cast %add3A_367 : i32 to index
      %get3A_369 = tpu.vector_load %arg8[%get3A_368] {strides = array<i32>} : memref<10000xi32, #tpu.memory_space<vmem>>, vector<16xi32>,
      %get3A_370 = vector.shape_cast %get3A_369 : vector<16xi32> to vector<16xi32>
      %swap3A_371 = arith.constant 0 : index
      %swap3A_372 = tpu.vector_load %arg11[%swap3A_371] {strides = array<i32>} : memref<128xi32, #tpu.memory_space<vmem>>, vector<16xi32>,
      %swap3A_373 = vector.shape_cast %swap3A_372 : vector<16xi32> to vector<16xi32>
      %swap3A_374 = vector.shape_cast %get3A_370 : vector<16xi32> to vector<16xi32>
      tpu.vector_store %arg11[%swap3A_371], %swap3A_374 {strides = array<i32>} : memref<128xi32, #tpu.memory_space<vmem>>, vector<16xi32>,
      %add3A_375 = arith.constant 16 : i32
      %add3A_376 = arith.addi %mul3A_356, %add3A_375 : i32
      %get3A_377 = arith.index_cast %add3A_376 : i32 to index
      %get3A_378 = tpu.vector_load %arg7[%get3A_377] {strides = array<i32>} : memref<10000xi32, #tpu.memory_space<vmem>>, vector<16xi32>,
      %get3A_379 = vector.shape_cast %get3A_378 : vector<16xi32> to vector<16xi32>
      %swap3A_380 = arith.constant 16 : index
      %swap3A_381 = tpu.vector_load %arg9[%swap3A_380] {strides = array<i32>} : memref<128xi32, #tpu.memory_space<vmem>>, vector<16xi32>,
      %swap3A_382 = vector.shape_cast %swap3A_381 : vector<16xi32> to vector<16xi32>
      %swap3A_383 = vector.shape_cast %get3A_379 : vector<16xi32> to vector<16xi32>
      tpu.vector_store %arg9[%swap3A_380], %swap3A_383 {strides = array<i32>} : memref<128xi32, #tpu.memory_space<vmem>>, vector<16xi32>,
      %add3A_384 = arith.constant 16 : i32
      %add3A_385 = arith.addi %mul3A_356, %add3A_384 : i32
      %get3A_386 = arith.index_cast %add3A_385 : i32 to index
      %get3A_387 = tpu.vector_load %arg8[%get3A_386] {strides = array<i32>} : memref<10000xi32, #tpu.memory_space<vmem>>, vector<16xi32>,
      %get3A_388 = vector.shape_cast %get3A_387 : vector<16xi32> to vector<16xi32>
      %swap3A_389 = arith.constant 16 : index
      %swap3A_390 = tpu.vector_load %arg11[%swap3A_389] {strides = array<i32>} : memref<128xi32, #tpu.memory_space<vmem>>, vector<16xi32>,
      %swap3A_391 = vector.shape_cast %swap3A_390 : vector<16xi32> to vector<16xi32>
      %swap3A_392 = vector.shape_cast %get3A_388 : vector<16xi32> to vector<16xi32>
      tpu.vector_store %arg11[%swap3A_389], %swap3A_392 {strides = array<i32>} : memref<128xi32, #tpu.memory_space<vmem>>, vector<16xi32>,
      %add3A_393 = arith.constant 32 : i32
      %add3A_394 = arith.addi %mul3A_356, %add3A_393 : i32
      %get3A_395 = arith.index_cast %add3A_394 : i32 to index
      %get3A_396 = tpu.vector_load %arg7[%get3A_395] {strides = array<i32>} : memref<10000xi32, #tpu.memory_space<vmem>>, vector<16xi32>,
      %get3A_397 = vector.shape_cast %get3A_396 : vector<16xi32> to vector<16xi32>
      %swap3A_398 = arith.constant 32 : index
      %swap3A_399 = tpu.vector_load %arg9[%swap3A_398] {strides = array<i32>} : memref<128xi32, #tpu.memory_space<vmem>>, vector<16xi32>,
      %swap3A_400 = vector.shape_cast %swap3A_399 : vector<16xi32> to vector<16xi32>
      %swap3A_401 = vector.shape_cast %get3A_397 : vector<16xi32> to vector<16xi32>
      tpu.vector_store %arg9[%swap3A_398], %swap3A_401 {strides = array<i32>} : memref<128xi32, #tpu.memory_space<vmem>>, vector<16xi32>,
      %add3A_402 = arith.constant 32 : i32
      %add3A_403 = arith.addi %mul3A_356, %add3A_402 : i32
      %get3A_404 = arith.index_cast %add3A_403 : i32 to index
      %get3A_405 = tpu.vector_load %arg8[%get3A_404] {strides = array<i32>} : memref<10000xi32, #tpu.memory_space<vmem>>, vector<16xi32>,
      %get3A_406 = vector.shape_cast %get3A_405 : vector<16xi32> to vector<16xi32>
      %swap3A_407 = arith.constant 32 : index
      %swap3A_408 = tpu.vector_load %arg11[%swap3A_407] {strides = array<i32>} : memref<128xi32, #tpu.memory_space<vmem>>, vector<16xi32>,
      %swap3A_409 = vector.shape_cast %swap3A_408 : vector<16xi32> to vector<16xi32>
      %swap3A_410 = vector.shape_cast %get3A_406 : vector<16xi32> to vector<16xi32>
      tpu.vector_store %arg11[%swap3A_407], %swap3A_410 {strides = array<i32>} : memref<128xi32, #tpu.memory_space<vmem>>, vector<16xi32>,
      %add3A_411 = arith.constant 48 : i32
      %add3A_412 = arith.addi %mul3A_356, %add3A_411 : i32
      %get3A_413 = arith.index_cast %add3A_412 : i32 to index
      %get3A_414 = tpu.vector_load %arg7[%get3A_413] {strides = array<i32>} : memref<10000xi32, #tpu.memory_space<vmem>>, vector<16xi32>,
      %get3A_415 = vector.shape_cast %get3A_414 : vector<16xi32> to vector<16xi32>
      %swap3A_416 = arith.constant 48 : index
      %swap3A_417 = tpu.vector_load %arg9[%swap3A_416] {strides = array<i32>} : memref<128xi32, #tpu.memory_space<vmem>>, vector<16xi32>,
      %swap3A_418 = vector.shape_cast %swap3A_417 : vector<16xi32> to vector<16xi32>
      %swap3A_419 = vector.shape_cast %get3A_415 : vector<16xi32> to vector<16xi32>
      tpu.vector_store %arg9[%swap3A_416], %swap3A_419 {strides = array<i32>} : memref<128xi32, #tpu.memory_space<vmem>>, vector<16xi32>,
      %add3A_420 = arith.constant 48 : i32
      %add3A_421 = arith.addi %mul3A_356, %add3A_420 : i32
      %get3A_422 = arith.index_cast %add3A_421 : i32 to index
      %get3A_423 = tpu.vector_load %arg8[%get3A_422] {strides = array<i32>} : memref<10000xi32, #tpu.memory_space<vmem>>, vector<16xi32>,
      %get3A_424 = vector.shape_cast %get3A_423 : vector<16xi32> to vector<16xi32>
      %swap3A_425 = arith.constant 48 : index
      %swap3A_426 = tpu.vector_load %arg11[%swap3A_425] {strides = array<i32>} : memref<128xi32, #tpu.memory_space<vmem>>, vector<16xi32>,
      %swap3A_427 = vector.shape_cast %swap3A_426 : vector<16xi32> to vector<16xi32>
      %swap3A_428 = vector.shape_cast %get3A_424 : vector<16xi32> to vector<16xi32>
      tpu.vector_store %arg11[%swap3A_425], %swap3A_428 {strides = array<i32>} : memref<128xi32, #tpu.memory_space<vmem>>, vector<16xi32>,
      %add3A_429 = arith.constant 64 : i32
      %add3A_430 = arith.addi %mul3A_356, %add3A_429 : i32
      %get3A_431 = arith.index_cast %add3A_430 : i32 to index
      %get3A_432 = tpu.vector_load %arg7[%get3A_431] {strides = array<i32>} : memref<10000xi32, #tpu.memory_space<vmem>>, vector<16xi32>,
      %get3A_433 = vector.shape_cast %get3A_432 : vector<16xi32> to vector<16xi32>
      %swap3A_434 = arith.constant 64 : index
      %swap3A_435 = tpu.vector_load %arg9[%swap3A_434] {strides = array<i32>} : memref<128xi32, #tpu.memory_space<vmem>>, vector<16xi32>,
      %swap3A_436 = vector.shape_cast %swap3A_435 : vector<16xi32> to vector<16xi32>
      %swap3A_437 = vector.shape_cast %get3A_433 : vector<16xi32> to vector<16xi32>
      tpu.vector_store %arg9[%swap3A_434], %swap3A_437 {strides = array<i32>} : memref<128xi32, #tpu.memory_space<vmem>>, vector<16xi32>,
      %add3A_438 = arith.constant 64 : i32
      %add3A_439 = arith.addi %mul3A_356, %add3A_438 : i32
      %get3A_440 = arith.index_cast %add3A_439 : i32 to index
      %get3A_441 = tpu.vector_load %arg8[%get3A_440] {strides = array<i32>} : memref<10000xi32, #tpu.memory_space<vmem>>, vector<16xi32>,
      %get3A_442 = vector.shape_cast %get3A_441 : vector<16xi32> to vector<16xi32>
      %swap3A_443 = arith.constant 64 : index
      %swap3A_444 = tpu.vector_load %arg11[%swap3A_443] {strides = array<i32>} : memref<128xi32, #tpu.memory_space<vmem>>, vector<16xi32>,
      %swap3A_445 = vector.shape_cast %swap3A_444 : vector<16xi32> to vector<16xi32>
      %swap3A_446 = vector.shape_cast %get3A_442 : vector<16xi32> to vector<16xi32>
      tpu.vector_store %arg11[%swap3A_443], %swap3A_446 {strides = array<i32>} : memref<128xi32, #tpu.memory_space<vmem>>, vector<16xi32>,
      %add3A_447 = arith.constant 80 : i32
      %add3A_448 = arith.addi %mul3A_356, %add3A_447 : i32
      %get3A_449 = arith.index_cast %add3A_448 : i32 to index
      %get3A_450 = tpu.vector_load %arg7[%get3A_449] {strides = array<i32>} : memref<10000xi32, #tpu.memory_space<vmem>>, vector<16xi32>,
      %get3A_451 = vector.shape_cast %get3A_450 : vector<16xi32> to vector<16xi32>
      %swap3A_452 = arith.constant 80 : index
      %swap3A_453 = tpu.vector_load %arg9[%swap3A_452] {strides = array<i32>} : memref<128xi32, #tpu.memory_space<vmem>>, vector<16xi32>,
      %swap3A_454 = vector.shape_cast %swap3A_453 : vector<16xi32> to vector<16xi32>
      %swap3A_455 = vector.shape_cast %get3A_451 : vector<16xi32> to vector<16xi32>
      tpu.vector_store %arg9[%swap3A_452], %swap3A_455 {strides = array<i32>} : memref<128xi32, #tpu.memory_space<vmem>>, vector<16xi32>,
      %add3A_456 = arith.constant 80 : i32
      %add3A_457 = arith.addi %mul3A_356, %add3A_456 : i32
      %get3A_458 = arith.index_cast %add3A_457 : i32 to index
      %get3A_459 = tpu.vector_load %arg8[%get3A_458] {strides = array<i32>} : memref<10000xi32, #tpu.memory_space<vmem>>, vector<16xi32>,
      %get3A_460 = vector.shape_cast %get3A_459 : vector<16xi32> to vector<16xi32>
      %swap3A_461 = arith.constant 80 : index
      %swap3A_462 = tpu.vector_load %arg11[%swap3A_461] {strides = array<i32>} : memref<128xi32, #tpu.memory_space<vmem>>, vector<16xi32>,
      %swap3A_463 = vector.shape_cast %swap3A_462 : vector<16xi32> to vector<16xi32>
      %swap3A_464 = vector.shape_cast %get3A_460 : vector<16xi32> to vector<16xi32>
      tpu.vector_store %arg11[%swap3A_461], %swap3A_464 {strides = array<i32>} : memref<128xi32, #tpu.memory_space<vmem>>, vector<16xi32>,
      %add3A_465 = arith.constant 96 : i32
      %add3A_466 = arith.addi %mul3A_356, %add3A_465 : i32
      %get3A_467 = arith.index_cast %add3A_466 : i32 to index
      %get3A_468 = tpu.vector_load %arg7[%get3A_467] {strides = array<i32>} : memref<10000xi32, #tpu.memory_space<vmem>>, vector<16xi32>,
      %get3A_469 = vector.shape_cast %get3A_468 : vector<16xi32> to vector<16xi32>
      %swap3A_470 = arith.constant 96 : index
      %swap3A_471 = tpu.vector_load %arg9[%swap3A_470] {strides = array<i32>} : memref<128xi32, #tpu.memory_space<vmem>>, vector<16xi32>,
      %swap3A_472 = vector.shape_cast %swap3A_471 : vector<16xi32> to vector<16xi32>
      %swap3A_473 = vector.shape_cast %get3A_469 : vector<16xi32> to vector<16xi32>
      tpu.vector_store %arg9[%swap3A_470], %swap3A_473 {strides = array<i32>} : memref<128xi32, #tpu.memory_space<vmem>>, vector<16xi32>,
      %add3A_474 = arith.constant 96 : i32
      %add3A_475 = arith.addi %mul3A_356, %add3A_474 : i32
      %get3A_476 = arith.index_cast %add3A_475 : i32 to index
      %get3A_477 = tpu.vector_load %arg8[%get3A_476] {strides = array<i32>} : memref<10000xi32, #tpu.memory_space<vmem>>, vector<16xi32>,
      %get3A_478 = vector.shape_cast %get3A_477 : vector<16xi32> to vector<16xi32>
      %swap3A_479 = arith.constant 96 : index
      %swap3A_480 = tpu.vector_load %arg11[%swap3A_479] {strides = array<i32>} : memref<128xi32, #tpu.memory_space<vmem>>, vector<16xi32>,
      %swap3A_481 = vector.shape_cast %swap3A_480 : vector<16xi32> to vector<16xi32>
      %swap3A_482 = vector.shape_cast %get3A_478 : vector<16xi32> to vector<16xi32>
      tpu.vector_store %arg11[%swap3A_479], %swap3A_482 {strides = array<i32>} : memref<128xi32, #tpu.memory_space<vmem>>, vector<16xi32>,
      %add3A_483 = arith.constant 112 : i32
      %add3A_484 = arith.addi %mul3A_356, %add3A_483 : i32
      %get3A_485 = arith.index_cast %add3A_484 : i32 to index
      %get3A_486 = tpu.vector_load %arg7[%get3A_485] {strides = array<i32>} : memref<10000xi32, #tpu.memory_space<vmem>>, vector<16xi32>,
      %get3A_487 = vector.shape_cast %get3A_486 : vector<16xi32> to vector<16xi32>
      %swap3A_488 = arith.constant 112 : index
      %swap3A_489 = tpu.vector_load %arg9[%swap3A_488] {strides = array<i32>} : memref<128xi32, #tpu.memory_space<vmem>>, vector<16xi32>,
      %swap3A_490 = vector.shape_cast %swap3A_489 : vector<16xi32> to vector<16xi32>
      %swap3A_491 = vector.shape_cast %get3A_487 : vector<16xi32> to vector<16xi32>
      tpu.vector_store %arg9[%swap3A_488], %swap3A_491 {strides = array<i32>} : memref<128xi32, #tpu.memory_space<vmem>>, vector<16xi32>,
      %add3A_492 = arith.constant 112 : i32
      %add3A_493 = arith.addi %mul3A_356, %add3A_492 : i32
      %get3A_494 = arith.index_cast %add3A_493 : i32 to index
      %get3A_495 = tpu.vector_load %arg8[%get3A_494] {strides = array<i32>} : memref<10000xi32, #tpu.memory_space<vmem>>, vector<16xi32>,
      %get3A_496 = vector.shape_cast %get3A_495 : vector<16xi32> to vector<16xi32>
      %swap3A_497 = arith.constant 112 : index
      %swap3A_498 = tpu.vector_load %arg11[%swap3A_497] {strides = array<i32>} : memref<128xi32, #tpu.memory_space<vmem>>, vector<16xi32>,
      %swap3A_499 = vector.shape_cast %swap3A_498 : vector<16xi32> to vector<16xi32>
      %swap3A_500 = vector.shape_cast %get3A_496 : vector<16xi32> to vector<16xi32>
      tpu.vector_store %arg11[%swap3A_497], %swap3A_500 {strides = array<i32>} : memref<128xi32, #tpu.memory_space<vmem>>, vector<16xi32>,
      %dma_start3A_501 = arith.constant 0 : i32
      %dma_start3A_502 = arith.constant 0 : i32
      %dma_start3A_503 = tpu.memref_slice %arg4[%dma_start3A_501, %dma_start3A_502] : memref<10000x64xf32, #tpu.memory_space<hbm>> -> memref<10000x64xf32, #tpu.memory_space<hbm>>
      tpu.enqueue_indirect_dma source(%dma_start3A_503 : memref<10000x64xf32, #tpu.memory_space<hbm>>) target(%arg15 : memref<128x64xf32, #tpu.memory_space<vmem>>) offsets(%arg9 : memref<128xi32, #tpu.memory_space<vmem>>) semaphore(%arg20 : memref<!tpu.dma_semaphore, #tpu.memory_space<semaphore_mem>>)
      %dma_wait3A_504 = arith.constant 0 : i32
      %dma_wait3A_505 = arith.constant 0 : i32
      %dma_wait3A_506 = tpu.memref_slice %arg4[%dma_wait3A_504, %dma_wait3A_505] : memref<10000x64xf32, #tpu.memory_space<hbm>> -> memref<10000x64xf32, #tpu.memory_space<hbm>>
      tpu.wait_indirect_dma semaphore(%arg21 : memref<!tpu.dma_semaphore, #tpu.memory_space<semaphore_mem>>) src(%dma_wait3A_506 : memref<10000x64xf32, #tpu.memory_space<hbm>>) dst(%arg16 : memref<128x64xf32, #tpu.memory_space<vmem>>)
      %dma_start3A_507 = arith.constant 0 : i32
      %dma_start3A_508 = arith.constant 0 : i32
      %dma_start3A_509 = tpu.memref_slice %arg19[%dma_start3A_507, %dma_start3A_508] : memref<10000x64xf32, #tpu.memory_space<vmem_shared>> -> memref<10000x64xf32, #tpu.memory_space<vmem_shared>>
      tpu.enqueue_indirect_dma source(%arg16 : memref<128x64xf32, #tpu.memory_space<vmem>>) target(%dma_start3A_509 : memref<10000x64xf32, #tpu.memory_space<vmem_shared>>) offsets(%arg12 : memref<128xi32, #tpu.memory_space<vmem>>) semaphore(%arg23 : memref<!tpu.dma_semaphore, #tpu.memory_space<semaphore_mem>>) {add = true}
      %dma_start3A_510 = arith.constant 0 : i32
      %dma_start3A_511 = arith.constant 0 : i32
      %dma_start3A_512 = tpu.memref_slice %arg25[%dma_start3A_510, %dma_start3A_511] : memref<10000x16xf32, #tpu.memory_space<vmem_shared>> -> memref<10000x16xf32, #tpu.memory_space<vmem_shared>>
      tpu.enqueue_indirect_dma source(%arg24 : memref<128x16xf32, #tpu.memory_space<vmem>>) target(%dma_start3A_512 : memref<10000x16xf32, #tpu.memory_space<vmem_shared>>) offsets(%arg12 : memref<128xi32, #tpu.memory_space<vmem>>) semaphore(%arg27 : memref<!tpu.dma_semaphore, #tpu.memory_space<semaphore_mem>>) {add = true}
      %dma_wait3A_513 = arith.constant 0 : i32
      %dma_wait3A_514 = arith.constant 0 : i32
      %dma_wait3A_515 = tpu.memref_slice %arg19[%dma_wait3A_513, %dma_wait3A_514] : memref<10000x64xf32, #tpu.memory_space<vmem_shared>> -> memref<10000x64xf32, #tpu.memory_space<vmem_shared>>
      tpu.wait_indirect_dma semaphore(%arg23 : memref<!tpu.dma_semaphore, #tpu.memory_space<semaphore_mem>>) src(%arg16 : memref<128x64xf32, #tpu.memory_space<vmem>>) dst(%dma_wait3A_515 : memref<10000x64xf32, #tpu.memory_space<vmem_shared>>)
      %dma_wait3A_516 = arith.constant 0 : i32
      %dma_wait3A_517 = arith.constant 0 : i32
      %dma_wait3A_518 = tpu.memref_slice %arg25[%dma_wait3A_516, %dma_wait3A_517] : memref<10000x16xf32, #tpu.memory_space<vmem_shared>> -> memref<10000x16xf32, #tpu.memory_space<vmem_shared>>
      tpu.wait_indirect_dma semaphore(%arg27 : memref<!tpu.dma_semaphore, #tpu.memory_space<semaphore_mem>>) src(%arg24 : memref<128x16xf32, #tpu.memory_space<vmem>>) dst(%dma_wait3A_518 : memref<10000x16xf32, #tpu.memory_space<vmem_shared>>)
      %add3A_519 = arith.constant 1 : i32
      %add3A_520 = arith.addi %add3A_348, %add3A_519 : i32
      %mul3A_521 = arith.constant 128 : i32
      %mul3A_522 = arith.muli %add3A_520, %mul3A_521 : i32
      %add3A_523 = arith.constant 0 : i32
      %add3A_524 = arith.addi %mul3A_522, %add3A_523 : i32
      %get3A_525 = arith.index_cast %add3A_524 : i32 to index
      %get3A_526 = tpu.vector_load %arg7[%get3A_525] {strides = array<i32>} : memref<10000xi32, #tpu.memory_space<vmem>>, vector<16xi32>,
      %get3A_527 = vector.shape_cast %get3A_526 : vector<16xi32> to vector<16xi32>
      %swap3A_528 = arith.constant 0 : index
      %swap3A_529 = tpu.vector_load %arg10[%swap3A_528] {strides = array<i32>} : memref<128xi32, #tpu.memory_space<vmem>>, vector<16xi32>,
      %swap3A_530 = vector.shape_cast %swap3A_529 : vector<16xi32> to vector<16xi32>
      %swap3A_531 = vector.shape_cast %get3A_527 : vector<16xi32> to vector<16xi32>
      tpu.vector_store %arg10[%swap3A_528], %swap3A_531 {strides = array<i32>} : memref<128xi32, #tpu.memory_space<vmem>>, vector<16xi32>,
      %add3A_532 = arith.constant 0 : i32
      %add3A_533 = arith.addi %mul3A_522, %add3A_532 : i32
      %get3A_534 = arith.index_cast %add3A_533 : i32 to index
      %get3A_535 = tpu.vector_load %arg8[%get3A_534] {strides = array<i32>} : memref<10000xi32, #tpu.memory_space<vmem>>, vector<16xi32>,
      %get3A_536 = vector.shape_cast %get3A_535 : vector<16xi32> to vector<16xi32>
      %swap3A_537 = arith.constant 0 : index
      %swap3A_538 = tpu.vector_load %arg12[%swap3A_537] {strides = array<i32>} : memref<128xi32, #tpu.memory_space<vmem>>, vector<16xi32>,
      %swap3A_539 = vector.shape_cast %swap3A_538 : vector<16xi32> to vector<16xi32>
      %swap3A_540 = vector.shape_cast %get3A_536 : vector<16xi32> to vector<16xi32>
      tpu.vector_store %arg12[%swap3A_537], %swap3A_540 {strides = array<i32>} : memref<128xi32, #tpu.memory_space<vmem>>, vector<16xi32>,
      %add3A_541 = arith.constant 16 : i32
      %add3A_542 = arith.addi %mul3A_522, %add3A_541 : i32
      %get3A_543 = arith.index_cast %add3A_542 : i32 to index
      %get3A_544 = tpu.vector_load %arg7[%get3A_543] {strides = array<i32>} : memref<10000xi32, #tpu.memory_space<vmem>>, vector<16xi32>,
      %get3A_545 = vector.shape_cast %get3A_544 : vector<16xi32> to vector<16xi32>
      %swap3A_546 = arith.constant 16 : index
      %swap3A_547 = tpu.vector_load %arg10[%swap3A_546] {strides = array<i32>} : memref<128xi32, #tpu.memory_space<vmem>>, vector<16xi32>,
      %swap3A_548 = vector.shape_cast %swap3A_547 : vector<16xi32> to vector<16xi32>
      %swap3A_549 = vector.shape_cast %get3A_545 : vector<16xi32> to vector<16xi32>
      tpu.vector_store %arg10[%swap3A_546], %swap3A_549 {strides = array<i32>} : memref<128xi32, #tpu.memory_space<vmem>>, vector<16xi32>,
      %add3A_550 = arith.constant 16 : i32
      %add3A_551 = arith.addi %mul3A_522, %add3A_550 : i32
      %get3A_552 = arith.index_cast %add3A_551 : i32 to index
      %get3A_553 = tpu.vector_load %arg8[%get3A_552] {strides = array<i32>} : memref<10000xi32, #tpu.memory_space<vmem>>, vector<16xi32>,
      %get3A_554 = vector.shape_cast %get3A_553 : vector<16xi32> to vector<16xi32>
      %swap3A_555 = arith.constant 16 : index
      %swap3A_556 = tpu.vector_load %arg12[%swap3A_555] {strides = array<i32>} : memref<128xi32, #tpu.memory_space<vmem>>, vector<16xi32>,
      %swap3A_557 = vector.shape_cast %swap3A_556 : vector<16xi32> to vector<16xi32>
      %swap3A_558 = vector.shape_cast %get3A_554 : vector<16xi32> to vector<16xi32>
      tpu.vector_store %arg12[%swap3A_555], %swap3A_558 {strides = array<i32>} : memref<128xi32, #tpu.memory_space<vmem>>, vector<16xi32>,
      %add3A_559 = arith.constant 32 : i32
      %add3A_560 = arith.addi %mul3A_522, %add3A_559 : i32
      %get3A_561 = arith.index_cast %add3A_560 : i32 to index
      %get3A_562 = tpu.vector_load %arg7[%get3A_561] {strides = array<i32>} : memref<10000xi32, #tpu.memory_space<vmem>>, vector<16xi32>,
      %get3A_563 = vector.shape_cast %get3A_562 : vector<16xi32> to vector<16xi32>
      %swap3A_564 = arith.constant 32 : index
      %swap3A_565 = tpu.vector_load %arg10[%swap3A_564] {strides = array<i32>} : memref<128xi32, #tpu.memory_space<vmem>>, vector<16xi32>,
      %swap3A_566 = vector.shape_cast %swap3A_565 : vector<16xi32> to vector<16xi32>
      %swap3A_567 = vector.shape_cast %get3A_563 : vector<16xi32> to vector<16xi32>
      tpu.vector_store %arg10[%swap3A_564], %swap3A_567 {strides = array<i32>} : memref<128xi32, #tpu.memory_space<vmem>>, vector<16xi32>,
      %add3A_568 = arith.constant 32 : i32
      %add3A_569 = arith.addi %mul3A_522, %add3A_568 : i32
      %get3A_570 = arith.index_cast %add3A_569 : i32 to index
      %get3A_571 = tpu.vector_load %arg8[%get3A_570] {strides = array<i32>} : memref<10000xi32, #tpu.memory_space<vmem>>, vector<16xi32>,
      %get3A_572 = vector.shape_cast %get3A_571 : vector<16xi32> to vector<16xi32>
      %swap3A_573 = arith.constant 32 : index
      %swap3A_574 = tpu.vector_load %arg12[%swap3A_573] {strides = array<i32>} : memref<128xi32, #tpu.memory_space<vmem>>, vector<16xi32>,
      %swap3A_575 = vector.shape_cast %swap3A_574 : vector<16xi32> to vector<16xi32>
      %swap3A_576 = vector.shape_cast %get3A_572 : vector<16xi32> to vector<16xi32>
      tpu.vector_store %arg12[%swap3A_573], %swap3A_576 {strides = array<i32>} : memref<128xi32, #tpu.memory_space<vmem>>, vector<16xi32>,
      %add3A_577 = arith.constant 48 : i32
      %add3A_578 = arith.addi %mul3A_522, %add3A_577 : i32
      %get3A_579 = arith.index_cast %add3A_578 : i32 to index
      %get3A_580 = tpu.vector_load %arg7[%get3A_579] {strides = array<i32>} : memref<10000xi32, #tpu.memory_space<vmem>>, vector<16xi32>,
      %get3A_581 = vector.shape_cast %get3A_580 : vector<16xi32> to vector<16xi32>
      %swap3A_582 = arith.constant 48 : index
      %swap3A_583 = tpu.vector_load %arg10[%swap3A_582] {strides = array<i32>} : memref<128xi32, #tpu.memory_space<vmem>>, vector<16xi32>,
      %swap3A_584 = vector.shape_cast %swap3A_583 : vector<16xi32> to vector<16xi32>
      %swap3A_585 = vector.shape_cast %get3A_581 : vector<16xi32> to vector<16xi32>
      tpu.vector_store %arg10[%swap3A_582], %swap3A_585 {strides = array<i32>} : memref<128xi32, #tpu.memory_space<vmem>>, vector<16xi32>,
      %add3A_586 = arith.constant 48 : i32
      %add3A_587 = arith.addi %mul3A_522, %add3A_586 : i32
      %get3A_588 = arith.index_cast %add3A_587 : i32 to index
      %get3A_589 = tpu.vector_load %arg8[%get3A_588] {strides = array<i32>} : memref<10000xi32, #tpu.memory_space<vmem>>, vector<16xi32>,
      %get3A_590 = vector.shape_cast %get3A_589 : vector<16xi32> to vector<16xi32>
      %swap3A_591 = arith.constant 48 : index
      %swap3A_592 = tpu.vector_load %arg12[%swap3A_591] {strides = array<i32>} : memref<128xi32, #tpu.memory_space<vmem>>, vector<16xi32>,
      %swap3A_593 = vector.shape_cast %swap3A_592 : vector<16xi32> to vector<16xi32>
      %swap3A_594 = vector.shape_cast %get3A_590 : vector<16xi32> to vector<16xi32>
      tpu.vector_store %arg12[%swap3A_591], %swap3A_594 {strides = array<i32>} : memref<128xi32, #tpu.memory_space<vmem>>, vector<16xi32>,
      %add3A_595 = arith.constant 64 : i32
      %add3A_596 = arith.addi %mul3A_522, %add3A_595 : i32
      %get3A_597 = arith.index_cast %add3A_596 : i32 to index
      %get3A_598 = tpu.vector_load %arg7[%get3A_597] {strides = array<i32>} : memref<10000xi32, #tpu.memory_space<vmem>>, vector<16xi32>,
      %get3A_599 = vector.shape_cast %get3A_598 : vector<16xi32> to vector<16xi32>
      %swap3A_600 = arith.constant 64 : index
      %swap3A_601 = tpu.vector_load %arg10[%swap3A_600] {strides = array<i32>} : memref<128xi32, #tpu.memory_space<vmem>>, vector<16xi32>,
      %swap3A_602 = vector.shape_cast %swap3A_601 : vector<16xi32> to vector<16xi32>
      %swap3A_603 = vector.shape_cast %get3A_599 : vector<16xi32> to vector<16xi32>
      tpu.vector_store %arg10[%swap3A_600], %swap3A_603 {strides = array<i32>} : memref<128xi32, #tpu.memory_space<vmem>>, vector<16xi32>,
      %add3A_604 = arith.constant 64 : i32
      %add3A_605 = arith.addi %mul3A_522, %add3A_604 : i32
      %get3A_606 = arith.index_cast %add3A_605 : i32 to index
      %get3A_607 = tpu.vector_load %arg8[%get3A_606] {strides = array<i32>} : memref<10000xi32, #tpu.memory_space<vmem>>, vector<16xi32>,
      %get3A_608 = vector.shape_cast %get3A_607 : vector<16xi32> to vector<16xi32>
      %swap3A_609 = arith.constant 64 : index
      %swap3A_610 = tpu.vector_load %arg12[%swap3A_609] {strides = array<i32>} : memref<128xi32, #tpu.memory_space<vmem>>, vector<16xi32>,
      %swap3A_611 = vector.shape_cast %swap3A_610 : vector<16xi32> to vector<16xi32>
      %swap3A_612 = vector.shape_cast %get3A_608 : vector<16xi32> to vector<16xi32>
      tpu.vector_store %arg12[%swap3A_609], %swap3A_612 {strides = array<i32>} : memref<128xi32, #tpu.memory_space<vmem>>, vector<16xi32>,
      %add3A_613 = arith.constant 80 : i32
      %add3A_614 = arith.addi %mul3A_522, %add3A_613 : i32
      %get3A_615 = arith.index_cast %add3A_614 : i32 to index
      %get3A_616 = tpu.vector_load %arg7[%get3A_615] {strides = array<i32>} : memref<10000xi32, #tpu.memory_space<vmem>>, vector<16xi32>,
      %get3A_617 = vector.shape_cast %get3A_616 : vector<16xi32> to vector<16xi32>
      %swap3A_618 = arith.constant 80 : index
      %swap3A_619 = tpu.vector_load %arg10[%swap3A_618] {strides = array<i32>} : memref<128xi32, #tpu.memory_space<vmem>>, vector<16xi32>,
      %swap3A_620 = vector.shape_cast %swap3A_619 : vector<16xi32> to vector<16xi32>
      %swap3A_621 = vector.shape_cast %get3A_617 : vector<16xi32> to vector<16xi32>
      tpu.vector_store %arg10[%swap3A_618], %swap3A_621 {strides = array<i32>} : memref<128xi32, #tpu.memory_space<vmem>>, vector<16xi32>,
      %add3A_622 = arith.constant 80 : i32
      %add3A_623 = arith.addi %mul3A_522, %add3A_622 : i32
      %get3A_624 = arith.index_cast %add3A_623 : i32 to index
      %get3A_625 = tpu.vector_load %arg8[%get3A_624] {strides = array<i32>} : memref<10000xi32, #tpu.memory_space<vmem>>, vector<16xi32>,
      %get3A_626 = vector.shape_cast %get3A_625 : vector<16xi32> to vector<16xi32>
      %swap3A_627 = arith.constant 80 : index
      %swap3A_628 = tpu.vector_load %arg12[%swap3A_627] {strides = array<i32>} : memref<128xi32, #tpu.memory_space<vmem>>, vector<16xi32>,
      %swap3A_629 = vector.shape_cast %swap3A_628 : vector<16xi32> to vector<16xi32>
      %swap3A_630 = vector.shape_cast %get3A_626 : vector<16xi32> to vector<16xi32>
      tpu.vector_store %arg12[%swap3A_627], %swap3A_630 {strides = array<i32>} : memref<128xi32, #tpu.memory_space<vmem>>, vector<16xi32>,
      %add3A_631 = arith.constant 96 : i32
      %add3A_632 = arith.addi %mul3A_522, %add3A_631 : i32
      %get3A_633 = arith.index_cast %add3A_632 : i32 to index
      %get3A_634 = tpu.vector_load %arg7[%get3A_633] {strides = array<i32>} : memref<10000xi32, #tpu.memory_space<vmem>>, vector<16xi32>,
      %get3A_635 = vector.shape_cast %get3A_634 : vector<16xi32> to vector<16xi32>
      %swap3A_636 = arith.constant 96 : index
      %swap3A_637 = tpu.vector_load %arg10[%swap3A_636] {strides = array<i32>} : memref<128xi32, #tpu.memory_space<vmem>>, vector<16xi32>,
      %swap3A_638 = vector.shape_cast %swap3A_637 : vector<16xi32> to vector<16xi32>
      %swap3A_639 = vector.shape_cast %get3A_635 : vector<16xi32> to vector<16xi32>
      tpu.vector_store %arg10[%swap3A_636], %swap3A_639 {strides = array<i32>} : memref<128xi32, #tpu.memory_space<vmem>>, vector<16xi32>,
      %add3A_640 = arith.constant 96 : i32
      %add3A_641 = arith.addi %mul3A_522, %add3A_640 : i32
      %get3A_642 = arith.index_cast %add3A_641 : i32 to index
      %get3A_643 = tpu.vector_load %arg8[%get3A_642] {strides = array<i32>} : memref<10000xi32, #tpu.memory_space<vmem>>, vector<16xi32>,
      %get3A_644 = vector.shape_cast %get3A_643 : vector<16xi32> to vector<16xi32>
      %swap3A_645 = arith.constant 96 : index
      %swap3A_646 = tpu.vector_load %arg12[%swap3A_645] {strides = array<i32>} : memref<128xi32, #tpu.memory_space<vmem>>, vector<16xi32>,
      %swap3A_647 = vector.shape_cast %swap3A_646 : vector<16xi32> to vector<16xi32>
      %swap3A_648 = vector.shape_cast %get3A_644 : vector<16xi32> to vector<16xi32>
      tpu.vector_store %arg12[%swap3A_645], %swap3A_648 {strides = array<i32>} : memref<128xi32, #tpu.memory_space<vmem>>, vector<16xi32>,
      %add3A_649 = arith.constant 112 : i32
      %add3A_650 = arith.addi %mul3A_522, %add3A_649 : i32
      %get3A_651 = arith.index_cast %add3A_650 : i32 to index
      %get3A_652 = tpu.vector_load %arg7[%get3A_651] {strides = array<i32>} : memref<10000xi32, #tpu.memory_space<vmem>>, vector<16xi32>,
      %get3A_653 = vector.shape_cast %get3A_652 : vector<16xi32> to vector<16xi32>
      %swap3A_654 = arith.constant 112 : index
      %swap3A_655 = tpu.vector_load %arg10[%swap3A_654] {strides = array<i32>} : memref<128xi32, #tpu.memory_space<vmem>>, vector<16xi32>,
      %swap3A_656 = vector.shape_cast %swap3A_655 : vector<16xi32> to vector<16xi32>
      %swap3A_657 = vector.shape_cast %get3A_653 : vector<16xi32> to vector<16xi32>
      tpu.vector_store %arg10[%swap3A_654], %swap3A_657 {strides = array<i32>} : memref<128xi32, #tpu.memory_space<vmem>>, vector<16xi32>,
      %add3A_658 = arith.constant 112 : i32
      %add3A_659 = arith.addi %mul3A_522, %add3A_658 : i32
      %get3A_660 = arith.index_cast %add3A_659 : i32 to index
      %get3A_661 = tpu.vector_load %arg8[%get3A_660] {strides = array<i32>} : memref<10000xi32, #tpu.memory_space<vmem>>, vector<16xi32>,
      %get3A_662 = vector.shape_cast %get3A_661 : vector<16xi32> to vector<16xi32>
      %swap3A_663 = arith.constant 112 : index
      %swap3A_664 = tpu.vector_load %arg12[%swap3A_663] {strides = array<i32>} : memref<128xi32, #tpu.memory_space<vmem>>, vector<16xi32>,
      %swap3A_665 = vector.shape_cast %swap3A_664 : vector<16xi32> to vector<16xi32>
      %swap3A_666 = vector.shape_cast %get3A_662 : vector<16xi32> to vector<16xi32>
      tpu.vector_store %arg12[%swap3A_663], %swap3A_666 {strides = array<i32>} : memref<128xi32, #tpu.memory_space<vmem>>, vector<16xi32>,
      %dma_start3A_667 = arith.constant 0 : i32
      %dma_start3A_668 = arith.constant 0 : i32
      %dma_start3A_669 = tpu.memref_slice %arg4[%dma_start3A_667, %dma_start3A_668] : memref<10000x64xf32, #tpu.memory_space<hbm>> -> memref<10000x64xf32, #tpu.memory_space<hbm>>
      tpu.enqueue_indirect_dma source(%dma_start3A_669 : memref<10000x64xf32, #tpu.memory_space<hbm>>) target(%arg16 : memref<128x64xf32, #tpu.memory_space<vmem>>) offsets(%arg10 : memref<128xi32, #tpu.memory_space<vmem>>) semaphore(%arg21 : memref<!tpu.dma_semaphore, #tpu.memory_space<semaphore_mem>>)
      %dma_wait3A_670 = arith.constant 0 : i32
      %dma_wait3A_671 = arith.constant 0 : i32
      %dma_wait3A_672 = tpu.memref_slice %arg4[%dma_wait3A_670, %dma_wait3A_671] : memref<10000x64xf32, #tpu.memory_space<hbm>> -> memref<10000x64xf32, #tpu.memory_space<hbm>>
      tpu.wait_indirect_dma semaphore(%arg20 : memref<!tpu.dma_semaphore, #tpu.memory_space<semaphore_mem>>) src(%dma_wait3A_672 : memref<10000x64xf32, #tpu.memory_space<hbm>>) dst(%arg15 : memref<128x64xf32, #tpu.memory_space<vmem>>)
      %dma_start3A_673 = arith.constant 0 : i32
      %dma_start3A_674 = arith.constant 0 : i32
      %dma_start3A_675 = tpu.memref_slice %arg19[%dma_start3A_673, %dma_start3A_674] : memref<10000x64xf32, #tpu.memory_space<vmem_shared>> -> memref<10000x64xf32, #tpu.memory_space<vmem_shared>>
      tpu.enqueue_indirect_dma source(%arg15 : memref<128x64xf32, #tpu.memory_space<vmem>>) target(%dma_start3A_675 : memref<10000x64xf32, #tpu.memory_space<vmem_shared>>) offsets(%arg11 : memref<128xi32, #tpu.memory_space<vmem>>) semaphore(%arg22 : memref<!tpu.dma_semaphore, #tpu.memory_space<semaphore_mem>>) {add = true}
      %dma_start3A_676 = arith.constant 0 : i32
      %dma_start3A_677 = arith.constant 0 : i32
      %dma_start3A_678 = tpu.memref_slice %arg25[%dma_start3A_676, %dma_start3A_677] : memref<10000x16xf32, #tpu.memory_space<vmem_shared>> -> memref<10000x16xf32, #tpu.memory_space<vmem_shared>>
      tpu.enqueue_indirect_dma source(%arg24 : memref<128x16xf32, #tpu.memory_space<vmem>>) target(%dma_start3A_678 : memref<10000x16xf32, #tpu.memory_space<vmem_shared>>) offsets(%arg11 : memref<128xi32, #tpu.memory_space<vmem>>) semaphore(%arg26 : memref<!tpu.dma_semaphore, #tpu.memory_space<semaphore_mem>>) {add = true}
    }
    %scan3A_278 = arith.constant 38 : i32
    %dma_wait3A_279 = arith.constant 0 : i32
    %dma_wait3A_280 = arith.constant 0 : i32
    %dma_wait3A_281 = tpu.memref_slice %arg4[%dma_wait3A_279, %dma_wait3A_280] : memref<10000x64xf32, #tpu.memory_space<hbm>> -> memref<10000x64xf32, #tpu.memory_space<hbm>>
    tpu.wait_indirect_dma semaphore(%arg21 : memref<!tpu.dma_semaphore, #tpu.memory_space<semaphore_mem>>) src(%dma_wait3A_281 : memref<10000x64xf32, #tpu.memory_space<hbm>>) dst(%arg16 : memref<128x64xf32, #tpu.memory_space<vmem>>)
    %dma_start3A_282 = arith.constant 0 : i32
    %dma_start3A_283 = arith.constant 0 : i32
    %dma_start3A_284 = tpu.memref_slice %arg19[%dma_start3A_282, %dma_start3A_283] : memref<10000x64xf32, #tpu.memory_space<vmem_shared>> -> memref<10000x64xf32, #tpu.memory_space<vmem_shared>>
    tpu.enqueue_indirect_dma source(%arg16 : memref<128x64xf32, #tpu.memory_space<vmem>>) target(%dma_start3A_284 : memref<10000x64xf32, #tpu.memory_space<vmem_shared>>) offsets(%arg12 : memref<128xi32, #tpu.memory_space<vmem>>) semaphore(%arg23 : memref<!tpu.dma_semaphore, #tpu.memory_space<semaphore_mem>>) {add = true}
    %dma_start3A_285 = arith.constant 0 : i32
    %dma_start3A_286 = arith.constant 0 : i32
    %dma_start3A_287 = tpu.memref_slice %arg25[%dma_start3A_285, %dma_start3A_286] : memref<10000x16xf32, #tpu.memory_space<vmem_shared>> -> memref<10000x16xf32, #tpu.memory_space<vmem_shared>>
    tpu.enqueue_indirect_dma source(%arg24 : memref<128x16xf32, #tpu.memory_space<vmem>>) target(%dma_start3A_287 : memref<10000x16xf32, #tpu.memory_space<vmem_shared>>) offsets(%arg12 : memref<128xi32, #tpu.memory_space<vmem>>) semaphore(%arg27 : memref<!tpu.dma_semaphore, #tpu.memory_space<semaphore_mem>>) {add = true}
    %get3A_288 = arith.constant 9984 : index
    %get3A_289 = tpu.vector_load %arg7[%get3A_288] {strides = array<i32>} : memref<10000xi32, #tpu.memory_space<vmem>>, vector<16xi32>,
    %get3A_290 = vector.shape_cast %get3A_289 : vector<16xi32> to vector<16xi32>
    %swap3A_291 = arith.constant 0 : index
    %swap3A_292 = tpu.vector_load %arg13[%swap3A_291] {strides = array<i32>} : memref<16xi32, #tpu.memory_space<vmem>>, vector<16xi32>,
    %swap3A_293 = vector.shape_cast %swap3A_292 : vector<16xi32> to vector<16xi32>
    %swap3A_294 = vector.shape_cast %get3A_290 : vector<16xi32> to vector<16xi32>
    tpu.vector_store %arg13[%swap3A_291], %swap3A_294 {strides = array<i32>} : memref<16xi32, #tpu.memory_space<vmem>>, vector<16xi32>,
    %get3A_295 = arith.constant 9984 : index
    %get3A_296 = tpu.vector_load %arg8[%get3A_295] {strides = array<i32>} : memref<10000xi32, #tpu.memory_space<vmem>>, vector<16xi32>,
    %get3A_297 = vector.shape_cast %get3A_296 : vector<16xi32> to vector<16xi32>
    %swap3A_298 = arith.constant 0 : index
    %swap3A_299 = tpu.vector_load %arg14[%swap3A_298] {strides = array<i32>} : memref<16xi32, #tpu.memory_space<vmem>>, vector<16xi32>,
    %swap3A_300 = vector.shape_cast %swap3A_299 : vector<16xi32> to vector<16xi32>
    %swap3A_301 = vector.shape_cast %get3A_297 : vector<16xi32> to vector<16xi32>
    tpu.vector_store %arg14[%swap3A_298], %swap3A_301 {strides = array<i32>} : memref<16xi32, #tpu.memory_space<vmem>>, vector<16xi32>,
    %dma_start3A_302 = arith.constant 0 : i32
    %dma_start3A_303 = arith.constant 0 : i32
    %dma_start3A_304 = tpu.memref_slice %arg4[%dma_start3A_302, %dma_start3A_303] : memref<10000x64xf32, #tpu.memory_space<hbm>> -> memref<10000x64xf32, #tpu.memory_space<hbm>>
    tpu.enqueue_indirect_dma source(%dma_start3A_304 : memref<10000x64xf32, #tpu.memory_space<hbm>>) target(%arg17 : memref<16x64xf32, #tpu.memory_space<vmem>>) offsets(%arg13 : memref<16xi32, #tpu.memory_space<vmem>>) semaphore(%arg20 : memref<!tpu.dma_semaphore, #tpu.memory_space<semaphore_mem>>)
    %dma_wait3A_305 = arith.constant 0 : i32
    %dma_wait3A_306 = arith.constant 0 : i32
    %dma_wait3A_307 = tpu.memref_slice %arg4[%dma_wait3A_305, %dma_wait3A_306] : memref<10000x64xf32, #tpu.memory_space<hbm>> -> memref<10000x64xf32, #tpu.memory_space<hbm>>
    tpu.wait_indirect_dma semaphore(%arg20 : memref<!tpu.dma_semaphore, #tpu.memory_space<semaphore_mem>>) src(%dma_wait3A_307 : memref<10000x64xf32, #tpu.memory_space<hbm>>) dst(%arg17 : memref<16x64xf32, #tpu.memory_space<vmem>>)
    %dma_wait3A_308 = arith.constant 0 : i32
    %dma_wait3A_309 = arith.constant 0 : i32
    %dma_wait3A_310 = tpu.memref_slice %arg19[%dma_wait3A_308, %dma_wait3A_309] : memref<10000x64xf32, #tpu.memory_space<vmem_shared>> -> memref<10000x64xf32, #tpu.memory_space<vmem_shared>>
    tpu.wait_indirect_dma semaphore(%arg22 : memref<!tpu.dma_semaphore, #tpu.memory_space<semaphore_mem>>) src(%arg15 : memref<128x64xf32, #tpu.memory_space<vmem>>) dst(%dma_wait3A_310 : memref<10000x64xf32, #tpu.memory_space<vmem_shared>>)
    %dma_wait3A_311 = arith.constant 0 : i32
    %dma_wait3A_312 = arith.constant 0 : i32
    %dma_wait3A_313 = tpu.memref_slice %arg25[%dma_wait3A_311, %dma_wait3A_312] : memref<10000x16xf32, #tpu.memory_space<vmem_shared>> -> memref<10000x16xf32, #tpu.memory_space<vmem_shared>>
    tpu.wait_indirect_dma semaphore(%arg26 : memref<!tpu.dma_semaphore, #tpu.memory_space<semaphore_mem>>) src(%arg24 : memref<128x16xf32, #tpu.memory_space<vmem>>) dst(%dma_wait3A_313 : memref<10000x16xf32, #tpu.memory_space<vmem_shared>>)
    %dma_wait3A_314 = arith.constant 0 : i32
    %dma_wait3A_315 = arith.constant 0 : i32
    %dma_wait3A_316 = tpu.memref_slice %arg19[%dma_wait3A_314, %dma_wait3A_315] : memref<10000x64xf32, #tpu.memory_space<vmem_shared>> -> memref<10000x64xf32, #tpu.memory_space<vmem_shared>>
    tpu.wait_indirect_dma semaphore(%arg23 : memref<!tpu.dma_semaphore, #tpu.memory_space<semaphore_mem>>) src(%arg16 : memref<128x64xf32, #tpu.memory_space<vmem>>) dst(%dma_wait3A_316 : memref<10000x64xf32, #tpu.memory_space<vmem_shared>>)
    %dma_wait3A_317 = arith.constant 0 : i32
    %dma_wait3A_318 = arith.constant 0 : i32
    %dma_wait3A_319 = tpu.memref_slice %arg25[%dma_wait3A_317, %dma_wait3A_318] : memref<10000x16xf32, #tpu.memory_space<vmem_shared>> -> memref<10000x16xf32, #tpu.memory_space<vmem_shared>>
    tpu.wait_indirect_dma semaphore(%arg27 : memref<!tpu.dma_semaphore, #tpu.memory_space<semaphore_mem>>) src(%arg24 : memref<128x16xf32, #tpu.memory_space<vmem>>) dst(%dma_wait3A_319 : memref<10000x16xf32, #tpu.memory_space<vmem_shared>>)
    %dma_start3A_320 = arith.constant 0 : i32
    %dma_start3A_321 = arith.constant 0 : i32
    %dma_start3A_322 = tpu.memref_slice %arg19[%dma_start3A_320, %dma_start3A_321] : memref<10000x64xf32, #tpu.memory_space<vmem_shared>> -> memref<10000x64xf32, #tpu.memory_space<vmem_shared>>
    tpu.enqueue_indirect_dma source(%arg17 : memref<16x64xf32, #tpu.memory_space<vmem>>) target(%dma_start3A_322 : memref<10000x64xf32, #tpu.memory_space<vmem_shared>>) offsets(%arg14 : memref<16xi32, #tpu.memory_space<vmem>>) semaphore(%arg22 : memref<!tpu.dma_semaphore, #tpu.memory_space<semaphore_mem>>) {add = true}
    %dma_wait3A_323 = arith.constant 0 : i32
    %dma_wait3A_324 = arith.constant 0 : i32
    %dma_wait3A_325 = tpu.memref_slice %arg19[%dma_wait3A_323, %dma_wait3A_324] : memref<10000x64xf32, #tpu.memory_space<vmem_shared>> -> memref<10000x64xf32, #tpu.memory_space<vmem_shared>>
    tpu.wait_indirect_dma semaphore(%arg22 : memref<!tpu.dma_semaphore, #tpu.memory_space<semaphore_mem>>) src(%arg17 : memref<16x64xf32, #tpu.memory_space<vmem>>) dst(%dma_wait3A_325 : memref<10000x64xf32, #tpu.memory_space<vmem_shared>>)
    %dma_start3A_326 = arith.constant 0 : i32
    %dma_start3A_327 = arith.constant 0 : i32
    %dma_start3A_328 = tpu.memref_slice %arg24[%dma_start3A_326, %dma_start3A_327] : memref<128x16xf32, #tpu.memory_space<vmem>> -> memref<16x16xf32, #tpu.memory_space<vmem>>
    %dma_start3A_329 = arith.constant 0 : i32
    %dma_start3A_330 = arith.constant 0 : i32
    %dma_start3A_331 = tpu.memref_slice %arg25[%dma_start3A_329, %dma_start3A_330] : memref<10000x16xf32, #tpu.memory_space<vmem_shared>> -> memref<10000x16xf32, #tpu.memory_space<vmem_shared>>
    tpu.enqueue_indirect_dma source(%dma_start3A_328 : memref<16x16xf32, #tpu.memory_space<vmem>>) target(%dma_start3A_331 : memref<10000x16xf32, #tpu.memory_space<vmem_shared>>) offsets(%arg14 : memref<16xi32, #tpu.memory_space<vmem>>) semaphore(%arg26 : memref<!tpu.dma_semaphore, #tpu.memory_space<semaphore_mem>>) {add = true}
    %dma_wait3A_332 = arith.constant 0 : i32
    %dma_wait3A_333 = arith.constant 0 : i32
    %dma_wait3A_334 = tpu.memref_slice %arg24[%dma_wait3A_332, %dma_wait3A_333] : memref<128x16xf32, #tpu.memory_space<vmem>> -> memref<16x16xf32, #tpu.memory_space<vmem>>
    %dma_wait3A_335 = arith.constant 0 : i32
    %dma_wait3A_336 = arith.constant 0 : i32
    %dma_wait3A_337 = tpu.memref_slice %arg25[%dma_wait3A_335, %dma_wait3A_336] : memref<10000x16xf32, #tpu.memory_space<vmem_shared>> -> memref<10000x16xf32, #tpu.memory_space<vmem_shared>>
    tpu.wait_indirect_dma semaphore(%arg26 : memref<!tpu.dma_semaphore, #tpu.memory_space<semaphore_mem>>) src(%dma_wait3A_334 : memref<16x16xf32, #tpu.memory_space<vmem>>) dst(%dma_wait3A_337 : memref<10000x16xf32, #tpu.memory_space<vmem_shared>>)
    %barrier3A_338 = arith.constant 0 : index
    tpu.barrier barrier_id(%barrier3A_338)
    "tpu.region"() ({
      %run_scoped3A = tpu.sem_alloc : memref<!tpu.dma_semaphore, #tpu.memory_space<semaphore_mem>>
      %dma_start3A_344 = arith.constant 0 : i32
      %dma_start3A_345 = tpu.memref_slice %arg5[%arg0, %multiple_of3A_5, %dma_start3A_344] : memref<2x10000x64xf32, #tpu.memory_space<hbm>> -> memref<1x624x64xf32, #tpu.memory_space<hbm>>
      %dma_start3A_346 = tpu.memref_squeeze %dma_start3A_345 : memref<1x624x64xf32, #tpu.memory_space<hbm>> -> memref<624x64xf32, #tpu.memory_space<hbm>>
      %dma_start3A_347 = arith.constant 0 : i32
      %dma_start3A_348 = tpu.memref_slice %arg19[%multiple_of3A_5, %dma_start3A_347] : memref<10000x64xf32, #tpu.memory_space<vmem_shared>> -> memref<624x64xf32, #tpu.memory_space<vmem_shared>>
      tpu.enqueue_dma source(%dma_start3A_348 : memref<624x64xf32, #tpu.memory_space<vmem_shared>>) target(%dma_start3A_346 : memref<624x64xf32, #tpu.memory_space<hbm>>) target_semaphore(%run_scoped3A : memref<!tpu.dma_semaphore, #tpu.memory_space<semaphore_mem>>)
      %dma_wait3A_349 = arith.constant 0 : i32
      %dma_wait3A_350 = tpu.memref_slice %arg5[%arg0, %multiple_of3A_5, %dma_wait3A_349] : memref<2x10000x64xf32, #tpu.memory_space<hbm>> -> memref<1x624x64xf32, #tpu.memory_space<hbm>>
      %dma_wait3A_351 = tpu.memref_squeeze %dma_wait3A_350 : memref<1x624x64xf32, #tpu.memory_space<hbm>> -> memref<624x64xf32, #tpu.memory_space<hbm>>
      %dma_wait3A_352 = arith.constant 0 : i32
      %dma_wait3A_353 = tpu.memref_slice %arg19[%multiple_of3A_5, %dma_wait3A_352] : memref<10000x64xf32, #tpu.memory_space<vmem_shared>> -> memref<624x64xf32, #tpu.memory_space<vmem_shared>>
      tpu.wait_dma2 semaphore(%run_scoped3A : memref<!tpu.dma_semaphore, #tpu.memory_space<semaphore_mem>>) src(%dma_wait3A_353 : memref<624x64xf32, #tpu.memory_space<vmem_shared>>) dst(%dma_wait3A_351 : memref<624x64xf32, #tpu.memory_space<hbm>>)
      tpu.yield
    }) : () -> ()
    "tpu.region"() ({
      %run_scoped3A = tpu.sem_alloc : memref<!tpu.dma_semaphore, #tpu.memory_space<semaphore_mem>>
      %dma_start3A_344 = arith.constant 0 : i32
      %dma_start3A_345 = tpu.memref_slice %arg6[%arg0, %multiple_of3A_5, %dma_start3A_344] : memref<2x10000x16xf32, #tpu.memory_space<hbm>> -> memref<1x624x16xf32, #tpu.memory_space<hbm>>
      %dma_start3A_346 = tpu.memref_squeeze %dma_start3A_345 : memref<1x624x16xf32, #tpu.memory_space<hbm>> -> memref<624x16xf32, #tpu.memory_space<hbm>>
      %dma_start3A_347 = arith.constant 0 : i32
      %dma_start3A_348 = tpu.memref_slice %arg25[%multiple_of3A_5, %dma_start3A_347] : memref<10000x16xf32, #tpu.memory_space<vmem_shared>> -> memref<624x16xf32, #tpu.memory_space<vmem_shared>>
      tpu.enqueue_dma source(%dma_start3A_348 : memref<624x16xf32, #tpu.memory_space<vmem_shared>>) target(%dma_start3A_346 : memref<624x16xf32, #tpu.memory_space<hbm>>) target_semaphore(%run_scoped3A : memref<!tpu.dma_semaphore, #tpu.memory_space<semaphore_mem>>)
      %dma_wait3A_349 = arith.constant 0 : i32
      %dma_wait3A_350 = tpu.memref_slice %arg6[%arg0, %multiple_of3A_5, %dma_wait3A_349] : memref<2x10000x16xf32, #tpu.memory_space<hbm>> -> memref<1x624x16xf32, #tpu.memory_space<hbm>>
      %dma_wait3A_351 = tpu.memref_squeeze %dma_wait3A_350 : memref<1x624x16xf32, #tpu.memory_space<hbm>> -> memref<624x16xf32, #tpu.memory_space<hbm>>
      %dma_wait3A_352 = arith.constant 0 : i32
      %dma_wait3A_353 = tpu.memref_slice %arg25[%multiple_of3A_5, %dma_wait3A_352] : memref<10000x16xf32, #tpu.memory_space<vmem_shared>> -> memref<624x16xf32, #tpu.memory_space<vmem_shared>>
      tpu.wait_dma2 semaphore(%run_scoped3A : memref<!tpu.dma_semaphore, #tpu.memory_space<semaphore_mem>>) src(%dma_wait3A_353 : memref<624x16xf32, #tpu.memory_space<vmem_shared>>) dst(%dma_wait3A_351 : memref<624x16xf32, #tpu.memory_space<hbm>>)
      tpu.yield
    }) : () -> ()
    %eq3A_339 = arith.constant 15 : i32
    %eq3A_340 = arith.cmpi eq, %arg1, %eq3A_339 : i32
    %convert_element_type3A_341 = arith.extui %eq3A_340 : i1 to i32
    %cond3A_342 = arith.constant 0 : i32
    %cond3A_343 = arith.cmpi ne, %convert_element_type3A_341, %cond3A_342 : i32
    scf.if %cond3A_343 {
      "tpu.region"() ({
        %run_scoped3A = tpu.sem_alloc : memref<!tpu.dma_semaphore, #tpu.memory_space<semaphore_mem>>
        %dma_start3A_344 = arith.constant 9984 : i32
        %dma_start3A_345 = arith.constant 0 : i32
        %dma_start3A_346 = tpu.memref_slice %arg5[%arg0, %dma_start3A_344, %dma_start3A_345] : memref<2x10000x64xf32, #tpu.memory_space<hbm>> -> memref<1x16x64xf32, #tpu.memory_space<hbm>>
        %dma_start3A_347 = tpu.memref_squeeze %dma_start3A_346 : memref<1x16x64xf32, #tpu.memory_space<hbm>> -> memref<16x64xf32, #tpu.memory_space<hbm>>
        %dma_start3A_348 = arith.constant 9984 : i32
        %dma_start3A_349 = arith.constant 0 : i32
        %dma_start3A_350 = tpu.memref_slice %arg19[%dma_start3A_348, %dma_start3A_349] : memref<10000x64xf32, #tpu.memory_space<vmem_shared>> -> memref<16x64xf32, #tpu.memory_space<vmem_shared>>
        tpu.enqueue_dma source(%dma_start3A_350 : memref<16x64xf32, #tpu.memory_space<vmem_shared>>) target(%dma_start3A_347 : memref<16x64xf32, #tpu.memory_space<hbm>>) target_semaphore(%run_scoped3A : memref<!tpu.dma_semaphore, #tpu.memory_space<semaphore_mem>>)
        %dma_wait3A_351 = arith.constant 9984 : i32
        %dma_wait3A_352 = arith.constant 0 : i32
        %dma_wait3A_353 = tpu.memref_slice %arg5[%arg0, %dma_wait3A_351, %dma_wait3A_352] : memref<2x10000x64xf32, #tpu.memory_space<hbm>> -> memref<1x16x64xf32, #tpu.memory_space<hbm>>
        %dma_wait3A_354 = tpu.memref_squeeze %dma_wait3A_353 : memref<1x16x64xf32, #tpu.memory_space<hbm>> -> memref<16x64xf32, #tpu.memory_space<hbm>>
        %dma_wait3A_355 = arith.constant 9984 : i32
        %dma_wait3A_356 = arith.constant 0 : i32
        %dma_wait3A_357 = tpu.memref_slice %arg19[%dma_wait3A_355, %dma_wait3A_356] : memref<10000x64xf32, #tpu.memory_space<vmem_shared>> -> memref<16x64xf32, #tpu.memory_space<vmem_shared>>
        tpu.wait_dma2 semaphore(%run_scoped3A : memref<!tpu.dma_semaphore, #tpu.memory_space<semaphore_mem>>) src(%dma_wait3A_357 : memref<16x64xf32, #tpu.memory_space<vmem_shared>>) dst(%dma_wait3A_354 : memref<16x64xf32, #tpu.memory_space<hbm>>)
        tpu.yield
      }) : () -> ()
      "tpu.region"() ({
        %run_scoped3A = tpu.sem_alloc : memref<!tpu.dma_semaphore, #tpu.memory_space<semaphore_mem>>
        %dma_start3A_344 = arith.constant 9984 : i32
        %dma_start3A_345 = arith.constant 0 : i32
        %dma_start3A_346 = tpu.memref_slice %arg6[%arg0, %dma_start3A_344, %dma_start3A_345] : memref<2x10000x16xf32, #tpu.memory_space<hbm>> -> memref<1x16x16xf32, #tpu.memory_space<hbm>>
        %dma_start3A_347 = tpu.memref_squeeze %dma_start3A_346 : memref<1x16x16xf32, #tpu.memory_space<hbm>> -> memref<16x16xf32, #tpu.memory_space<hbm>>
        %dma_start3A_348 = arith.constant 9984 : i32
        %dma_start3A_349 = arith.constant 0 : i32
        %dma_start3A_350 = tpu.memref_slice %arg25[%dma_start3A_348, %dma_start3A_349] : memref<10000x16xf32, #tpu.memory_space<vmem_shared>> -> memref<16x16xf32, #tpu.memory_space<vmem_shared>>
        tpu.enqueue_dma source(%dma_start3A_350 : memref<16x16xf32, #tpu.memory_space<vmem_shared>>) target(%dma_start3A_347 : memref<16x16xf32, #tpu.memory_space<hbm>>) target_semaphore(%run_scoped3A : memref<!tpu.dma_semaphore, #tpu.memory_space<semaphore_mem>>)
        %dma_wait3A_351 = arith.constant 9984 : i32
        %dma_wait3A_352 = arith.constant 0 : i32
        %dma_wait3A_353 = tpu.memref_slice %arg6[%arg0, %dma_wait3A_351, %dma_wait3A_352] : memref<2x10000x16xf32, #tpu.memory_space<hbm>> -> memref<1x16x16xf32, #tpu.memory_space<hbm>>
        %dma_wait3A_354 = tpu.memref_squeeze %dma_wait3A_353 : memref<1x16x16xf32, #tpu.memory_space<hbm>> -> memref<16x16xf32, #tpu.memory_space<hbm>>
        %dma_wait3A_355 = arith.constant 9984 : i32
        %dma_wait3A_356 = arith.constant 0 : i32
        %dma_wait3A_357 = tpu.memref_slice %arg25[%dma_wait3A_355, %dma_wait3A_356] : memref<10000x16xf32, #tpu.memory_space<vmem_shared>> -> memref<16x16xf32, #tpu.memory_space<vmem_shared>>
        tpu.wait_dma2 semaphore(%run_scoped3A : memref<!tpu.dma_semaphore, #tpu.memory_space<semaphore_mem>>) src(%dma_wait3A_357 : memref<16x16xf32, #tpu.memory_space<vmem_shared>>) dst(%dma_wait3A_354 : memref<16x16xf32, #tpu.memory_space<hbm>>)
        tpu.yield
      }) : () -> ()
    } else {
    }
    return
  }
}

module attributes {stable_mosaic.version = 14 : i64} {
  func.func @_tc1_body(%arg0: i32, %arg1: memref<2000x128xf32, #tpu.memory_space<vmem>>, %arg2: memref<128x64xf32, #tpu.memory_space<vmem>>, %arg3: memref<128x64xf32, #tpu.memory_space<vmem>>, %arg4: memref<1x64xf32, #tpu.memory_space<vmem>>, %arg5: memref<2000x64xf32, #tpu.memory_space<vmem>>, %arg6: memref<2000x64xf32, #tpu.memory_space<vmem>>) attributes {dimension_semantics = [#tpu.dimension_semantics<arbitrary>], iteration_bounds = array<i64: 5>, scalar_prefetch = 0 : i64, scratch_operands = 0 : i64, tpu.core_type = #tpu.core_type<tc>, window_params = [{transform_indices = @transform_0, window_bounds = array<i64: 2000, 128>}, {pipeline_mode = #tpu.pipeline_mode<synchronous>, transform_indices = @transform_1, window_bounds = array<i64: 128, 64>}, {pipeline_mode = #tpu.pipeline_mode<synchronous>, transform_indices = @transform_2, window_bounds = array<i64: 128, 64>}, {pipeline_mode = #tpu.pipeline_mode<synchronous>, transform_indices = @transform_3, window_bounds = array<i64: 1, 64>}, {transform_indices = @transform_4, window_bounds = array<i64: 2000, 64>}, {transform_indices = @transform_5, window_bounds = array<i64: 2000, 64>}]} {
    %get3A = arith.constant 0 : index
    %get3A_0 = arith.constant 0 : index
    %get3A_1 = vector.load %arg1[%get3A, %get3A_0] : memref<2000x128xf32, #tpu.memory_space<vmem>>, vector<2000x128xf32>
    %get3A_2 = arith.constant 0 : index
    %get3A_3 = arith.constant 0 : index
    %get3A_4 = vector.load %arg2[%get3A_2, %get3A_3] : memref<128x64xf32, #tpu.memory_space<vmem>>, vector<128x64xf32>
    %dot_general3A = arith.constant dense<0.000000e+00> : vector<2000x64xf32>
    %dot_general3A_5 = tpu.matmul %get3A_1, %get3A_4, %dot_general3A {dimension_numbers = #tpu.dot_dimension_numbers<[1], [0], [0], [1], [0, 0, 1, 1], [], []>, transpose_lhs_hint = false} : vector<2000x128xf32>, vector<128x64xf32>, vector<2000x64xf32> -> vector<2000x64xf32>
    %swap3A = arith.constant 0 : index
    %swap3A_6 = arith.constant 0 : index
    %swap3A_7 = vector.load %arg5[%swap3A, %swap3A_6] : memref<2000x64xf32, #tpu.memory_space<vmem>>, vector<2000x64xf32>
    tpu.vector_store %arg5[%swap3A, %swap3A_6], %dot_general3A_5 {strides = array<i32>} : memref<2000x64xf32, #tpu.memory_space<vmem>>, vector<2000x64xf32>,
    %get3A_8 = arith.constant 0 : index
    %get3A_9 = arith.constant 0 : index
    %get3A_10 = vector.load %arg3[%get3A_8, %get3A_9] : memref<128x64xf32, #tpu.memory_space<vmem>>, vector<128x64xf32>
    %dot_general3A_11 = arith.constant dense<0.000000e+00> : vector<2000x64xf32>
    %dot_general3A_12 = tpu.matmul %get3A_1, %get3A_10, %dot_general3A_11 {dimension_numbers = #tpu.dot_dimension_numbers<[1], [0], [0], [1], [0, 0, 1, 1], [], []>, transpose_lhs_hint = false} : vector<2000x128xf32>, vector<128x64xf32>, vector<2000x64xf32> -> vector<2000x64xf32>
    %get3A_13 = arith.constant 0 : index
    %get3A_14 = arith.constant 0 : index
    %get3A_15 = vector.load %arg4[%get3A_13, %get3A_14] : memref<1x64xf32, #tpu.memory_space<vmem>>, vector<1x64xf32>
    %add3A = vector.broadcast %get3A_15 : vector<1x64xf32> to vector<2000x64xf32>
    %add3A_16 = arith.addf %dot_general3A_12, %add3A : vector<2000x64xf32>
    %swap3A_17 = arith.constant 0 : index
    %swap3A_18 = arith.constant 0 : index
    %swap3A_19 = vector.load %arg6[%swap3A_17, %swap3A_18] : memref<2000x64xf32, #tpu.memory_space<vmem>>, vector<2000x64xf32>
    tpu.vector_store %arg6[%swap3A_17, %swap3A_18], %add3A_16 {strides = array<i32>} : memref<2000x64xf32, #tpu.memory_space<vmem>>, vector<2000x64xf32>,
    return
  }
  func.func @transform_0(%arg0: i32) -> (i32, i32) {
    %c0_i32 = arith.constant 0 : i32
    %c0_i32_0 = arith.constant 0 : i32
    return %arg0, %c0_i32 : i32, i32
  }
  func.func @transform_1(%arg0: i32) -> (i32, i32) {
    %c0_i32 = arith.constant 0 : i32
    %c0_i32_0 = arith.constant 0 : i32
    %c0_i32_1 = arith.constant 0 : i32
    return %c0_i32, %c0_i32_0 : i32, i32
  }
  func.func @transform_2(%arg0: i32) -> (i32, i32) {
    %c0_i32 = arith.constant 0 : i32
    %c0_i32_0 = arith.constant 0 : i32
    %c0_i32_1 = arith.constant 0 : i32
    return %c0_i32, %c0_i32_0 : i32, i32
  }
  func.func @transform_3(%arg0: i32) -> (i32, i32) {
    %c0_i32 = arith.constant 0 : i32
    %c0_i32_0 = arith.constant 0 : i32
    %c0_i32_1 = arith.constant 0 : i32
    return %c0_i32, %c0_i32_0 : i32, i32
  }
  func.func @transform_4(%arg0: i32) -> (i32, i32) {
    %c0_i32 = arith.constant 0 : i32
    %c0_i32_0 = arith.constant 0 : i32
    return %arg0, %c0_i32 : i32, i32
  }
  func.func @transform_5(%arg0: i32) -> (i32, i32) {
    %c0_i32 = arith.constant 0 : i32
    %c0_i32_0 = arith.constant 0 : i32
    return %arg0, %c0_i32 : i32, i32
  }
}

module attributes {stable_mosaic.version = 14 : i64} {
  func.func @_tc2_body(%arg0: i32, %arg1: memref<2x2000x64xf32, #tpu.memory_space<vmem>>, %arg2: memref<2x2000x16xf32, #tpu.memory_space<vmem>>, %arg3: memref<2000x64xf32, #tpu.memory_space<vmem>>, %arg4: memref<64x128xf32, #tpu.memory_space<vmem>>, %arg5: memref<1x128xf32, #tpu.memory_space<vmem>>, %arg6: memref<2000x64xf32, #tpu.memory_space<vmem>>, %arg7: memref<2000x128xf32, #tpu.memory_space<vmem>>, %arg8: memref<2000x1xf32, #tpu.memory_space<vmem>>) attributes {dimension_semantics = [#tpu.dimension_semantics<arbitrary>], iteration_bounds = array<i64: 5>, scalar_prefetch = 0 : i64, scratch_operands = 0 : i64, tpu.core_type = #tpu.core_type<tc>, window_params = [{transform_indices = @transform_0, window_bounds = array<i64: 2, 2000, 64>}, {transform_indices = @transform_1, window_bounds = array<i64: 2, 2000, 16>}, {transform_indices = @transform_2, window_bounds = array<i64: 2000, 64>}, {pipeline_mode = #tpu.pipeline_mode<synchronous>, transform_indices = @transform_3, window_bounds = array<i64: 64, 128>}, {pipeline_mode = #tpu.pipeline_mode<synchronous>, transform_indices = @transform_4, window_bounds = array<i64: 1, 128>}, {transform_indices = @transform_5, window_bounds = array<i64: 2000, 64>}, {transform_indices = @transform_6, window_bounds = array<i64: 2000, 128>}, {transform_indices = @transform_7, window_bounds = array<i64: 2000, 1>}]} {
    %get3A = arith.constant 0 : index
    %get3A_0 = arith.constant 0 : index
    %get3A_1 = arith.constant 0 : index
    %get3A_2 = vector.load %arg2[%get3A, %get3A_0, %get3A_1] : memref<2x2000x16xf32, #tpu.memory_space<vmem>>, vector<1x2000x1xf32>
    %get3A_3 = vector.shape_cast %get3A_2 : vector<1x2000x1xf32> to vector<2000x1xf32>
    %get3A_4 = arith.constant 1 : index
    %get3A_5 = arith.constant 0 : index
    %get3A_6 = arith.constant 0 : index
    %get3A_7 = vector.load %arg2[%get3A_4, %get3A_5, %get3A_6] : memref<2x2000x16xf32, #tpu.memory_space<vmem>>, vector<1x2000x1xf32>
    %get3A_8 = vector.shape_cast %get3A_7 : vector<1x2000x1xf32> to vector<2000x1xf32>
    %add3A = arith.addf %get3A_3, %get3A_8 : vector<2000x1xf32>
    %max3A = arith.constant 1.000000e+00 : f32
    %max3A_9 = vector.broadcast %max3A : f32 to vector<2000x1xf32>
    %max3A_10 = arith.maximumf %add3A, %max3A_9 : vector<2000x1xf32>
    %div3A = arith.constant 1.000000e+00 : f32
    %div3A_11 = vector.broadcast %div3A : f32 to vector<2000x1xf32>
    %div3A_12 = arith.divf %div3A_11, %max3A_10 : vector<2000x1xf32>
    %get3A_13 = arith.constant 0 : index
    %get3A_14 = arith.constant 0 : index
    %get3A_15 = arith.constant 0 : index
    %get3A_16 = vector.load %arg1[%get3A_13, %get3A_14, %get3A_15] : memref<2x2000x64xf32, #tpu.memory_space<vmem>>, vector<1x2000x64xf32>
    %get3A_17 = vector.shape_cast %get3A_16 : vector<1x2000x64xf32> to vector<2000x64xf32>
    %get3A_18 = arith.constant 1 : index
    %get3A_19 = arith.constant 0 : index
    %get3A_20 = arith.constant 0 : index
    %get3A_21 = vector.load %arg1[%get3A_18, %get3A_19, %get3A_20] : memref<2x2000x64xf32, #tpu.memory_space<vmem>>, vector<1x2000x64xf32>
    %get3A_22 = vector.shape_cast %get3A_21 : vector<1x2000x64xf32> to vector<2000x64xf32>
    %add3A_23 = arith.addf %get3A_17, %get3A_22 : vector<2000x64xf32>
    %mul3A = vector.broadcast %div3A_12 : vector<2000x1xf32> to vector<2000x64xf32>
    %mul3A_24 = arith.mulf %add3A_23, %mul3A : vector<2000x64xf32>
    %get3A_25 = arith.constant 0 : index
    %get3A_26 = arith.constant 0 : index
    %get3A_27 = vector.load %arg3[%get3A_25, %get3A_26] : memref<2000x64xf32, #tpu.memory_space<vmem>>, vector<2000x64xf32>
    %add3A_28 = arith.addf %mul3A_24, %get3A_27 : vector<2000x64xf32>
    %max3A_29 = arith.constant 0.000000e+00 : f32
    %max3A_30 = vector.broadcast %max3A_29 : f32 to vector<2000x64xf32>
    %max3A_31 = arith.maximumf %add3A_28, %max3A_30 : vector<2000x64xf32>
    %swap3A = arith.constant 0 : index
    %swap3A_32 = arith.constant 0 : index
    %swap3A_33 = vector.load %arg8[%swap3A, %swap3A_32] : memref<2000x1xf32, #tpu.memory_space<vmem>>, vector<2000x1xf32>
    tpu.vector_store %arg8[%swap3A, %swap3A_32], %div3A_12 {strides = array<i32>} : memref<2000x1xf32, #tpu.memory_space<vmem>>, vector<2000x1xf32>,
    %swap3A_34 = arith.constant 0 : index
    %swap3A_35 = arith.constant 0 : index
    %swap3A_36 = vector.load %arg6[%swap3A_34, %swap3A_35] : memref<2000x64xf32, #tpu.memory_space<vmem>>, vector<2000x64xf32>
    tpu.vector_store %arg6[%swap3A_34, %swap3A_35], %max3A_31 {strides = array<i32>} : memref<2000x64xf32, #tpu.memory_space<vmem>>, vector<2000x64xf32>,
    %get3A_37 = arith.constant 0 : index
    %get3A_38 = arith.constant 0 : index
    %get3A_39 = vector.load %arg4[%get3A_37, %get3A_38] : memref<64x128xf32, #tpu.memory_space<vmem>>, vector<64x128xf32>
    %dot_general3A = arith.constant dense<0.000000e+00> : vector<2000x128xf32>
    %dot_general3A_40 = tpu.matmul %max3A_31, %get3A_39, %dot_general3A {dimension_numbers = #tpu.dot_dimension_numbers<[1], [0], [0], [1], [0, 0, 1, 1], [], []>, transpose_lhs_hint = false} : vector<2000x64xf32>, vector<64x128xf32>, vector<2000x128xf32> -> vector<2000x128xf32>
    %get3A_41 = arith.constant 0 : index
    %get3A_42 = arith.constant 0 : index
    %get3A_43 = vector.load %arg5[%get3A_41, %get3A_42] : memref<1x128xf32, #tpu.memory_space<vmem>>, vector<1x128xf32>
    %add3A_44 = vector.broadcast %get3A_43 : vector<1x128xf32> to vector<2000x128xf32>
    %add3A_45 = arith.addf %dot_general3A_40, %add3A_44 : vector<2000x128xf32>
    %swap3A_46 = arith.constant 0 : index
    %swap3A_47 = arith.constant 0 : index
    %swap3A_48 = vector.load %arg7[%swap3A_46, %swap3A_47] : memref<2000x128xf32, #tpu.memory_space<vmem>>, vector<2000x128xf32>
    tpu.vector_store %arg7[%swap3A_46, %swap3A_47], %add3A_45 {strides = array<i32>} : memref<2000x128xf32, #tpu.memory_space<vmem>>, vector<2000x128xf32>,
    return
  }
  func.func @transform_0(%arg0: i32) -> (i32, i32, i32) {
    %c0_i32 = arith.constant 0 : i32
    %c0_i32_0 = arith.constant 0 : i32
    %c0_i32_1 = arith.constant 0 : i32
    return %c0_i32, %arg0, %c0_i32_0 : i32, i32, i32
  }
  func.func @transform_1(%arg0: i32) -> (i32, i32, i32) {
    %c0_i32 = arith.constant 0 : i32
    %c0_i32_0 = arith.constant 0 : i32
    %c0_i32_1 = arith.constant 0 : i32
    return %c0_i32, %arg0, %c0_i32_0 : i32, i32, i32
  }
  func.func @transform_2(%arg0: i32) -> (i32, i32) {
    %c0_i32 = arith.constant 0 : i32
    %c0_i32_0 = arith.constant 0 : i32
    return %arg0, %c0_i32 : i32, i32
  }
  func.func @transform_3(%arg0: i32) -> (i32, i32) {
    %c0_i32 = arith.constant 0 : i32
    %c0_i32_0 = arith.constant 0 : i32
    %c0_i32_1 = arith.constant 0 : i32
    return %c0_i32, %c0_i32_0 : i32, i32
  }
  func.func @transform_4(%arg0: i32) -> (i32, i32) {
    %c0_i32 = arith.constant 0 : i32
    %c0_i32_0 = arith.constant 0 : i32
    %c0_i32_1 = arith.constant 0 : i32
    return %c0_i32, %c0_i32_0 : i32, i32
  }
  func.func @transform_5(%arg0: i32) -> (i32, i32) {
    %c0_i32 = arith.constant 0 : i32
    %c0_i32_0 = arith.constant 0 : i32
    return %arg0, %c0_i32 : i32, i32
  }
  func.func @transform_6(%arg0: i32) -> (i32, i32) {
    %c0_i32 = arith.constant 0 : i32
    %c0_i32_0 = arith.constant 0 : i32
    return %arg0, %c0_i32 : i32, i32
  }
  func.func @transform_7(%arg0: i32) -> (i32, i32) {
    %c0_i32 = arith.constant 0 : i32
    %c0_i32_0 = arith.constant 0 : i32
    return %arg0, %c0_i32 : i32, i32
  }
}

module attributes {stable_mosaic.version = 14 : i64} {
  func.func @_tc3_body(%arg0: i32, %arg1: memref<2x2000x64xf32, #tpu.memory_space<vmem>>, %arg2: memref<2000x1xf32, #tpu.memory_space<vmem>>, %arg3: memref<2000x128xf32, #tpu.memory_space<vmem>>, %arg4: memref<64x128xf32, #tpu.memory_space<vmem>>, %arg5: memref<2000x128xf32, #tpu.memory_space<vmem>>) attributes {dimension_semantics = [#tpu.dimension_semantics<arbitrary>], iteration_bounds = array<i64: 5>, scalar_prefetch = 0 : i64, scratch_operands = 0 : i64, tpu.core_type = #tpu.core_type<tc>, window_params = [{transform_indices = @transform_0, window_bounds = array<i64: 2, 2000, 64>}, {transform_indices = @transform_1, window_bounds = array<i64: 2000, 1>}, {transform_indices = @transform_2, window_bounds = array<i64: 2000, 128>}, {pipeline_mode = #tpu.pipeline_mode<synchronous>, transform_indices = @transform_3, window_bounds = array<i64: 64, 128>}, {transform_indices = @transform_4, window_bounds = array<i64: 2000, 128>}]} {
    %get3A = arith.constant 0 : index
    %get3A_0 = arith.constant 0 : index
    %get3A_1 = arith.constant 0 : index
    %get3A_2 = vector.load %arg1[%get3A, %get3A_0, %get3A_1] : memref<2x2000x64xf32, #tpu.memory_space<vmem>>, vector<1x2000x64xf32>
    %get3A_3 = vector.shape_cast %get3A_2 : vector<1x2000x64xf32> to vector<2000x64xf32>
    %get3A_4 = arith.constant 1 : index
    %get3A_5 = arith.constant 0 : index
    %get3A_6 = arith.constant 0 : index
    %get3A_7 = vector.load %arg1[%get3A_4, %get3A_5, %get3A_6] : memref<2x2000x64xf32, #tpu.memory_space<vmem>>, vector<1x2000x64xf32>
    %get3A_8 = vector.shape_cast %get3A_7 : vector<1x2000x64xf32> to vector<2000x64xf32>
    %add3A = arith.addf %get3A_3, %get3A_8 : vector<2000x64xf32>
    %get3A_9 = arith.constant 0 : index
    %get3A_10 = arith.constant 0 : index
    %get3A_11 = vector.load %arg2[%get3A_9, %get3A_10] : memref<2000x1xf32, #tpu.memory_space<vmem>>, vector<2000x1xf32>
    %mul3A = vector.broadcast %get3A_11 : vector<2000x1xf32> to vector<2000x64xf32>
    %mul3A_12 = arith.mulf %add3A, %mul3A : vector<2000x64xf32>
    %get3A_13 = arith.constant 0 : index
    %get3A_14 = arith.constant 0 : index
    %get3A_15 = vector.load %arg4[%get3A_13, %get3A_14] : memref<64x128xf32, #tpu.memory_space<vmem>>, vector<64x128xf32>
    %dot_general3A = arith.constant dense<0.000000e+00> : vector<2000x128xf32>
    %dot_general3A_16 = tpu.matmul %mul3A_12, %get3A_15, %dot_general3A {dimension_numbers = #tpu.dot_dimension_numbers<[1], [0], [0], [1], [0, 0, 1, 1], [], []>, transpose_lhs_hint = false} : vector<2000x64xf32>, vector<64x128xf32>, vector<2000x128xf32> -> vector<2000x128xf32>
    %get3A_17 = arith.constant 0 : index
    %get3A_18 = arith.constant 0 : index
    %get3A_19 = vector.load %arg3[%get3A_17, %get3A_18] : memref<2000x128xf32, #tpu.memory_space<vmem>>, vector<2000x128xf32>
    %add3A_20 = arith.addf %dot_general3A_16, %get3A_19 : vector<2000x128xf32>
    %swap3A = arith.constant 0 : index
    %swap3A_21 = arith.constant 0 : index
    %swap3A_22 = vector.load %arg5[%swap3A, %swap3A_21] : memref<2000x128xf32, #tpu.memory_space<vmem>>, vector<2000x128xf32>
    tpu.vector_store %arg5[%swap3A, %swap3A_21], %add3A_20 {strides = array<i32>} : memref<2000x128xf32, #tpu.memory_space<vmem>>, vector<2000x128xf32>,
    return
  }
  func.func @transform_0(%arg0: i32) -> (i32, i32, i32) {
    %c0_i32 = arith.constant 0 : i32
    %c0_i32_0 = arith.constant 0 : i32
    %c0_i32_1 = arith.constant 0 : i32
    return %c0_i32, %arg0, %c0_i32_0 : i32, i32, i32
  }
  func.func @transform_1(%arg0: i32) -> (i32, i32) {
    %c0_i32 = arith.constant 0 : i32
    %c0_i32_0 = arith.constant 0 : i32
    return %arg0, %c0_i32 : i32, i32
  }
  func.func @transform_2(%arg0: i32) -> (i32, i32) {
    %c0_i32 = arith.constant 0 : i32
    %c0_i32_0 = arith.constant 0 : i32
    return %arg0, %c0_i32 : i32, i32
  }
  func.func @transform_3(%arg0: i32) -> (i32, i32) {
    %c0_i32 = arith.constant 0 : i32
    %c0_i32_0 = arith.constant 0 : i32
    %c0_i32_1 = arith.constant 0 : i32
    return %c0_i32, %c0_i32_0 : i32, i32
  }
  func.func @transform_4(%arg0: i32) -> (i32, i32) {
    %c0_i32 = arith.constant 0 : i32
    %c0_i32_0 = arith.constant 0 : i32
    return %arg0, %c0_i32 : i32, i32
  }
}

</mosaic_0001>

<sc_bundles>
// kernel: kernel.10.cloned.1.call-start
scs
__scs_entry_jumppad:
0x0: {  	(pc) =	sbr.rel $0x88, $3  }
0x1: {  	(tag) =	ssettag $0x0;
	lr =	simm.s32 $0x1  }
0x2: {  	[smem:$0x3F99] =	sst lr;
	_ =	strace $0xD0000000  }
0x3: {  	_ = 	snop  }
0x4: {  	_ = 	snop  }
0x5: {  	_ = 	snop  }
0x6: {  	_ = 	snop  }
0x7: {  	_ = 	snop  }
__scs_overlays_trampoline_lowered:
0x8: {  	[smem:$0x3FA8] =	sst s0  }
0x9: {  	[smem:$0x3FA9] =	sst s1  }
0xa: {  	[smem:$0x3FAA] =	sst s2  }
0xb: {  	[smem:$0x3FAB] =	sst s3  }
0xc: {  	[smem:$0x3FAC] =	sst s4  }
0xd: {  	[smem:$0x3FAD] =	sst s5  }
0xe: {  	[smem:$0x3FAE] =	sst s6  }
0xf: {  	[smem:$0x3FAF] =	sst s7  }
0x10: {  	[smem:$0x3FB0] =	sst s8  }
0x11: {  	[smem:$0x3FB1] =	sst s9;
	s0 =	simm.s32 @!p0 $0x0  }
0x12: {  	s1 =	sld [smem:$0x3F97];
	s0 =	simm.s32 @p0 $0x1  }
0x13: {  	[smem:$0x3FB2] =	sst s0;
	s0 =	simm.s32 @!p1 $0x0  }
0x14: {  	s2 =	sld [smem:$0x3F96];
	s0 =	simm.s32 @p1 $0x1  }
0x15: {  	[smem:$0x3FB3] =	sst s0;
	s0 =	simm.s32 @!p2 $0x0  }
0x16: {  	s3 =	sld [smem:$0x3FDB];
	s0 =	simm.s32 @p2 $0x1  }
0x17: {  	s4 =	simm.s32 $0x1BF5;
	[smem:$0x3FB5] =	sst s0  }
0x18: {  	s0 =	sld [smem:$0x3F98];
	_ =	swait.ge [sflag:s4], $0x0  }
0x19: {  	s7 =	sld [smem:$0x3F99]  }
0x1a: {  	s8 =	sadd.s32 $0xFFFFE003, lr  }
0x1b: {  	s9 =	sadd.s32 $0xFFFFFEF7, lr;
	s5 =	simm.s32 $0xFFFFFFFF;
	p2 =	slt.u32 s8, $0xFFFFF086  }
0x1c: {  	p1 =	slt.u32 s9, $0xF7A;
	s5 =	simm.s32 @!p2 $0x0  }
0x1d: {  	s5 =	simm.s32 @p1 $0x1;
	p0 =	seq.s32 s7, s2  }
0x1e: {  	s7 =	smul.u32 @!p0 $0xF7A, s2;
	p2 =	seq.s32 @!p0 s5, $0x0  }
0x1f: {  	s9 =	smul.u32 $0xF7A, s1;
	s8 =	simm.s32 @!p0 $0x1BF5;
	p2 =	por !p2, p0  }
0x20: {  	[sflag:s8] =	ssyncset.s32 @!p0 $0xFFFFF086;
	s6 =	sadd.s32 @!p0 s3, s7;
	s7 =	simm.s32 @!p0 $0x108  }
0x21: {  	s3 =	sadd.s32 s3, s9;
	s6 =	sadd.s32 @!p0 $0x88, s6;
	s7 =	simm.s32 @p2 $0x1082  }
0x22: {  	[simem:s7], [sflag:s8] =	dma.local @!p0 [hbm:s6], $0xF7A  }
0x23: {  	s9 =	sor.u32 $0xD0000000, s2;
	s6 =	simm.s32 $0x108;
	_ =	swait.ge @!p0 [sflag:s8], $0x0  }
0x24: {  	s3 =	sadd.s32 $0x88, s3;
	s6 =	simm.s32 @!p1 $0x1082;
	[sflag:s4] =	ssyncset.s32 $0xFFFFF086  }
0x25: {  	[simem:s6], [sflag:s4] =	dma.local [hbm:s3], $0xF7A  }
0x26: {  	[smem:$0x3F99] =	sst s1;
	(tag) =	ssettag s2;
	_ =	strace s9  }
0x27: {  	s1 =	sld [smem:$0x3FA9]  }
0x28: {  	s2 =	sld [smem:$0x3FAA]  }
0x29: {  	s4 =	sld [smem:$0x3FAC]  }
0x2a: {  	p0 =	seq.s32 s5, $0x0;
	s5 =	sld [smem:$0x3FAD]  }
0x2b: {  	s6 =	sld [smem:$0x3FAE]  }
0x2c: {  	s7 =	sld [smem:$0x3FAF]  }
0x2d: {  	s3 =	simm.s32 $0x108;
	s8 =	sld [smem:$0x3FB0]  }
0x2e: {  	s3 =	simm.s32 @!p0 $0x1082;
	s9 =	sld [smem:$0x3FB1]  }
0x2f: {  	lr =	sadd.s32 s0, s3;
	s0 =	sld [smem:$0x3FA8]  }
0x30: {  	s3 =	sld [smem:$0x3FAB]  }
0x31: {  	[smem:$0x3FB4] =	sst s10  }
0x32: {  	s10 =	sld [smem:$0x3FB2];
	_ =	sdelay $0x3  }
0x33: {  	p0 =	seq.s32 s10, $0x1;
	s10 =	sld [smem:$0x3FB4];
	_ =	sdelay $0x3  }
0x34: {  	[smem:$0x3FB4] =	sst s10  }
0x35: {  	s10 =	sld [smem:$0x3FB3];
	_ =	sdelay $0x3  }
0x36: {  	p1 =	seq.s32 s10, $0x1;
	s10 =	sld [smem:$0x3FB4];
	_ =	sdelay $0x3  }
0x37: {  	[smem:$0x3FB4] =	sst s10  }
0x38: {  	s10 =	sld [smem:$0x3FB5]  }
0x39: {  	_ = 	snop;
	(pc) =	sbr.ind lr, $3  }
0x3a: {  	_ = 	snop  }
0x3b: {  	_ = 	snop  }
0x3c: {  	p2 =	seq.s32 s10, $0x1;
	s10 =	sld [smem:$0x3FB4]  }
0x3d: {  	_ =	shalt  }
0x3e: {  	_ =	shalt  }
0x3f: {  	_ =	shalt  }
0x40: {  	_ =	shalt  }
0x41: {  	_ =	shalt  }
0x42: {  	_ =	shalt  }
0x43: {  	_ =	shalt  }
0x44: {  	_ =	shalt  }
0x45: {  	_ =	shalt  }
0x46: {  	_ =	shalt  }
0x47: {  	_ =	shalt  }
0x48: {  	_ =	shalt  }
0x49: {  	_ =	shalt  }
0x4a: {  	_ =	shalt  }
0x4b: {  	_ =	shalt  }
0x4c: {  	_ =	shalt  }
0x4d: {  	_ =	shalt  }
0x4e: {  	_ =	shalt  }
0x4f: {  	_ =	shalt  }
0x50: {  	_ =	shalt  }
0x51: {  	_ =	shalt  }
0x52: {  	_ =	shalt  }
0x53: {  	_ =	shalt  }
0x54: {  	_ =	shalt  }
0x55: {  	_ =	shalt  }
0x56: {  	_ =	shalt  }
0x57: {  	_ =	shalt  }
0x58: {  	_ =	shalt  }
0x59: {  	_ =	shalt  }
0x5a: {  	_ =	shalt  }
0x5b: {  	_ =	shalt  }
0x5c: {  	_ =	shalt  }
0x5d: {  	_ =	shalt  }
0x5e: {  	_ =	shalt  }
0x5f: {  	_ =	shalt  }
0x60: {  	_ =	shalt  }
0x61: {  	_ =	shalt  }
0x62: {  	_ =	shalt  }
0x63: {  	_ =	shalt  }
0x64: {  	_ =	shalt  }
0x65: {  	_ =	shalt  }
0x66: {  	_ =	shalt  }
0x67: {  	_ =	shalt  }
0x68: {  	_ =	shalt  }
0x69: {  	_ =	shalt  }
0x6a: {  	_ =	shalt  }
0x6b: {  	_ =	shalt  }
0x6c: {  	_ =	shalt  }
0x6d: {  	_ =	shalt  }
0x6e: {  	_ =	shalt  }
0x6f: {  	_ =	shalt  }
0x70: {  	_ =	shalt  }
0x71: {  	_ =	shalt  }
0x72: {  	_ =	shalt  }
0x73: {  	_ =	shalt  }
0x74: {  	_ =	shalt  }
0x75: {  	_ =	shalt  }
0x76: {  	_ =	shalt  }
0x77: {  	_ =	shalt  }
0x78: {  	_ =	shalt  }
0x79: {  	_ =	shalt  }
0x7a: {  	_ =	shalt  }
0x7b: {  	_ =	shalt  }
0x7c: {  	_ =	shalt  }
0x7d: {  	_ =	shalt  }
0x7e: {  	_ =	shalt  }
0x7f: {  	_ =	shalt  }
0x80: {  	_ =	shalt  }
0x81: {  	_ =	shalt  }
0x82: {  	_ =	shalt  }
0x83: {  	_ =	shalt  }
0x84: {  	_ =	shalt  }
0x85: {  	_ =	shalt  }
0x86: {  	_ =	shalt  }
0x87: {  	_ =	shalt  }
.Lfunc_end0:
.L_simem_size_0:
called_computation.1_lowered:
.L_overlay_start_0:
0x88: {  	s2 =	sld [smem:$0x3FD9]  }
0x89: {  	s3 =	sld [smem:$0x3FFE];
	_ =	sdelay $0x1  }
0x8a: {  	s1 =	srdreg.scid  }
0x8b: {  	s0 =	sand.u32 $0x1, s1  }
0x8c: {  	s17 =	sshll.u32 s0, $0xA;
	s2 =	sadd.s32 s3, s2  }
0x8d: {  	s2 =	sadd.s32 s2, s17  }
0x8e: {  	[smem:$0x3FC0] =	sst s2  }
0x8f: {  	_ = 	snop  }
0x90: {  	s2 =	sld [smem:$0x3FD0];
	(tm) =	ssettm $0x1  }
0x91: {  	s18 =	sld [smem:$0x3FFB];
	_ =	sdelay $0x3  }
0x92: {  	_ =	strace s18  }
0x93: {  	s3 =	sld [smem:$0x3FFC];
	_ =	sdelay $0x3  }
0x94: {  	_ =	strace s3  }
0x95: {  	s3 =	sld [smem:$0x3FFD];
	_ =	sdelay $0x3  }
0x96: {  	_ =	strace s3  }
0x97: {  	_ =	strace $0x8FFFFFFF  }
0x98: {  	s19 =	sld [smem:$0x3FDB];
	_ =	sdelay $0x1  }
0x99: {  	s4 =	simm.s32 $_scs_section_size  }
0x9a: {  	s5 =	simm.s32 $_size__tile_overlayer_lowered;
	s6 =	simm.s32 $_tile_overlayer_lowered  }
0x9b: {  	s22 =	simm.s32 $0x1BFF;
	s21 =	sshll.u32 s6, $0x1;
	s3 =	sadd.s32 s4, s19  }
0x9c: {  	s7 =	simm.s32 $0x0;
	s20 =	sshll.u32 s5, $0x1;
	s5 =	sadd.s32 s21, s3  }
0x9d: {  	[timem:s7], [sflag:s22] =	dma.local [hbm:s5], s20  }
0x9e: {  	_ =	swait.ge [sflag:s22], s20  }
0x9f: {  	s4 =	ssub.s32 $0x0, s20;
	[sflag:s22] =	ssyncset.done $0x0  }
0xa0: {  	[sflag:s22] =	ssyncadd.s32 s4;
	_ =	sdelay $0x1  }
0xa1: {  	s23 =	simm.s32 $0x1B8B  }
0xa2: {  	_ =	swait.ge [sflag:s23], $0x1  }
0xa3: {  	[sflag:s23] =	ssyncset.done $0x0  }
0xa4: {  	s25 =	simm.s32 $0x1B8E;
	s24 =	sld [smem:$0x3FFE];
	[sflag:s23] =	ssyncadd.s32 $0xFFFFFFFF  }
0xa5: {  	s26 =	simm.s32 $execute0_lowered;
	[smem:$0x3FD2] =	sst s25  }
0xa6: {  	s5 =	sshll.u32 s26, $0x1;
	_ =	strace $0x80000049;
	[dreg:$0x1] =	wrdreg $0xFFFFFFFF  }
0xa7: {  	s28 =	simm.s32 $_size_execute0_lowered;
	s3 =	sadd.s32 s3, s5;
	[dreg:$0x0] =	wrdreg $0x0  }
0xa8: {  	s5 =	sshll.u32 s28, $0x1;
	[dreg:$0x2] =	wrdreg s3  }
0xa9: {  	[dreg:$0x3] =	wrdreg s5  }
0xaa: {  	[dreg:$0x4] =	wrdreg $0xC0  }
0xab: {  	_ =	task [dreg:s7], $0x5FFFF  }
0xac: {  	[dreg:$0x1] =	wrdreg $0xFFFFFFFF  }
0xad: {  	[dreg:$0x0] =	wrdreg $0x60  }
0xae: {  	[dreg:$0x2] =	wrdreg s24  }
0xaf: {  	[dreg:$0x3] =	wrdreg s2  }
0xb0: {  	[dreg:$0x4] =	wrdreg $0xBB400  }
0xb1: {  	[dreg:$0x5] =	wrdreg $0x9  }
0xb2: {  	_ =	task.clear_ibuf [dreg:s7], $0x6FFFF;
	_ =	strace $0x90000049  }
0xb3: {  	s29 =	simm.s32 $0x9;
	_ =	strace $0x8000004B  }
0xb4: {  	_ =	swait.ge [sflag:s29], $0x1  }
0xb5: {  	[sflag:s29] =	ssyncadd.s32 $0xFFFFFFFF  }
0xb6: {  	_ =	strace $0x9000004B  }
0xb7: {  	_ =	sfence  }
0xb8: {  	s30 =	sld [smem:$0x0];
	_ =	sdelay $0x2  }
0xb9: {  	s31 =	sshll.u32 s1, $0xD;
	s1 =	sshrl.u32 s1, $0x2  }
0xba: {  	s3 =	sand.u32 $0x4000, s31;
	s1 =	sadd.s32 s1, s30  }
0xbb: {  	s0 =	sor.u32 s3, s0;
	s1 =	sshll.u32 s1, $0x11  }
0xbc: {  	s0 =	sor.u32 s1, s0  }
0xbd: {  	s0 =	sadd.s32 $0x8F2B, s0  }
0xbe: {  	[sflag:s0] =	ssyncadd.remote.s32 $0x1  }
0xbf: {  	_ =	sfence.sel $0xFFFF  }
0xc0: {  	[dreg:$0x0] =	wrdreg $0xFFFFFFFF;
	(pc) =	sbr.abs _section_cstart, $3  }
0xc1: {  	[dreg:$0x1] =	wrdreg $0xFFFFFFFF  }
0xc2: {  	_ =	task.clear_ibuf [dreg:s7], $0x2FFFF;
	_ =	strace $0x9FFFFFFF  }
0xc3: {  	(tm) =	ssettm $0x7FFFFFFF  }
tec
execute0_lowered:
.L_overlay_start_1:
0x0: {  	(tag) =	ssettag $0x1  }
0x1: {  	s1 =	rddreg [dreg:$0x0]  }
0x2: {  	s13 =	rddreg [dreg:$0x1]  }
0x3: {  	s3 =	srdreg.scid;
	s0 =	stileid.u32  }
0x4: {  	s2 =	rddreg [dreg:$0x2];
	s16 =	simm.s32 $0x5;
	s18 =	simm.s32 $0x80  }
0x5: {  	s19 =	simm.s32 $0x4E20;
	s20 =	simm.s32 $0x5040;
	s21 =	simm.s32 $0x4EA0  }
0x6: {  	s22 =	simm.s32 $0x7040;
	s23 =	simm.s32 $0x1;
	s24 =	simm.s32 $0x4F20  }
0x7: {  	s25 =	simm.s32 $0x3;
	s26 =	simm.s32 $0x2;
	s28 =	simm.s32 $0x4FA0  }
0x8: {  	s29 =	simm.s32 $0x4;
	s30 =	simm.s32 $0x10;
	s5 =	sand.u32 $0x1, s3  }
0x9: {  	s4 =	sshll.u32 s0, $0x1;
	s3 =	simm.s32 $0x0;
	s6 =	smul.u32 $0x27000, s0  }
0xa: {  	s10 =	smul.u32 $0x9C00, s0;
	s9 =	sadd.s32 $0x9C000, s2;
	p0 =	sne.s32 s0, $0xF  }
0xb: {  	s4 =	sor.u32 s5, s4;
	[smem:$0x7FF] =	sst s3;
	s12 =	smul.u32 $0x9C400, s5  }
0xc: {  	s31 =	ssub.s32 $0x2, s5;
	s4 =	smul.u32 $0x4E2, s4;
	_ =	strace $0x8000004A  }
0xd: {  	s7 =	sshrl.u32 s31, $0x1;
	s6 =	sshrl.u32 s6, $0x2;
	s5 =	sadd.s32 s10, s2  }
0xe: {  	s8 =	sadd.s32 s6, s2;
	s14 =	sadd.s32 s10, s12;
	s15 =	sshrl.u32 s12, $0x3  }
0xf: {  	s11 =	sadd.s32 s4, s1;
	s4 =	sadd.s32 $0x15000, s1;
	s1 =	ssub.s32 s31, s7  }
0x10: {  	s6 =	sadd.s32 $0x2700, s8;
	s7 =	sadd.s32 $0x4E00, s8;
	s8 =	sadd.s32 $0x7500, s8  }
0x11: {  	s14 =	sshrl.u32 s14, $0x3;
	s10 =	sadd.s32 $0xB200, s11;
	s11 =	sadd.s32 $0x1400, s11  }
0x12: {  	s12 =	sadd.s32 s13, s14;
	s13 =	sadd.s32 s13, s15;
	s14 =	smax.u32 s1, $0x1  }
0x13: {  	v0 =	vimm.f32 $0.0e+00;
	s15 =	simm.s32 $0x9440;
	s1 =	simm.s32 $0x9040;
	s13 =	sadd.s32 $0x13800, s13  }
.LBB2_1:
0x14: {  	s31 =	simm.s32 $0x100;
	s17 =	simm.s32 $0x0  }
.LBB2_2:
0x15: {  	p1 =	sne.s32 s31, $0x9B00;
	[tilespmem:s17+$0x9470] =	vst v0;
	s0 =	smov.u32 s31;
	s31 =	sadd.s32 $0x100, s31  }
.Ltmp0:
0x16: {  	[tilespmem:s17+$0x9460] =	vst v0;
	(pc) =	sbr.rel @p1 .LBB2_2-.Ltmp0, $3  }
0x17: {  	[tilespmem:s17+$0x9440] =	vst v0  }
0x18: {  	[tilespmem:s17+$0x9450] =	vst v0;
	_ =	sdelay $0x1  }
0x19: {  	s17 =	sshra.s32 s0, $0x2  }
0x1a: {  	[tilespmem:s17+$0x9470] =	vst v0  }
0x1b: {  	[tilespmem:s17+$0x9460] =	vst v0  }
0x1c: {  	[tilespmem:s17+$0x9440] =	vst v0  }
0x1d: {  	[tilespmem:s17+$0x9450] =	vst v0  }
0x1e: {  	[spmem:s5] =	stream.linear.scatter [tilespmem:s15], [sflag:$0x5], $0x2700, $0x38;
	[tilespmem:$0x15780] =	vst v63  }
0x1f: {  	_ =	swait.ge [sflag:s16], $0x2700  }
0x20: {  	[sflag:s16] =	ssyncset.done $0x0  }
0x21: {  	[sflag:s16] =	ssyncadd.s32 $0xFFFFD900  }
0x22: {  	[spmem:s6] =	stream.linear.scatter [tilespmem:s15], [sflag:$0x5], $0x2700, $0x38;
	[tilespmem:$0x15780] =	vst v63  }
0x23: {  	_ =	swait.ge [sflag:s16], $0x2700  }
0x24: {  	[sflag:s16] =	ssyncset.done $0x0  }
0x25: {  	[sflag:s16] =	ssyncadd.s32 $0xFFFFD900  }
0x26: {  	[spmem:s7] =	stream.linear.scatter [tilespmem:s15], [sflag:$0x5], $0x2700, $0x38;
	[tilespmem:$0x15780] =	vst v63  }
0x27: {  	_ =	swait.ge [sflag:s16], $0x2700  }
0x28: {  	[sflag:s16] =	ssyncset.done $0x0  }
0x29: {  	[sflag:s16] =	ssyncadd.s32 $0xFFFFD900  }
0x2a: {  	[spmem:s8] =	stream.linear.scatter [tilespmem:s15], [sflag:$0x5], $0x2700, $0x38;
	[tilespmem:$0x15780] =	vst v63  }
0x2b: {  	_ =	swait.ge [sflag:s16], $0x2700  }
0x2c: {  	[sflag:s16] =	ssyncset.done $0x0  }
0x2d: {  	s0 =	simm.s32 @!p0 $0x9440;
	[sflag:s16] =	ssyncadd.s32 $0xFFFFD900  }
0x2e: {  	[spmem:s9] =	stream.linear.scatter @!p0 [tilespmem:s0], [sflag:$0x5], $0x400, $0x38;
	[tilespmem:$0x15780] =	vst v63  }
0x2f: {  	s0 =	simm.s32 @!p0 $0x5  }
0x30: {  	_ =	swait.ge @!p0 [sflag:s0], $0x400  }
0x31: {  	[sflag:s0] =	ssyncset.done @!p0 $0x0  }
0x32: {  	[sflag:s0] =	ssyncadd.s32 @!p0 $0xFFFFFC00;
	s0 =	simm.s32 $0x0  }
0x33: {  	[tilespmem:s0], [sflag:$0x5] =	stream.linear.gather [hbm4b:s10+s0], $0x2710, $0x38;
	[tilespmem:$0x15780] =	vst v63  }
0x34: {  	_ =	swait.ge [sflag:s16], $0x2710  }
0x35: {  	[sflag:s16] =	ssyncset.done $0x0  }
0x36: {  	s17 =	simm.s32 $0x2710;
	[sflag:s16] =	ssyncadd.s32 $0xFFFFD8F0  }
0x37: {  	[tilespmem:s17], [sflag:$0x5] =	stream.linear.gather [hbm4b:s11+s0], $0x2710, $0x38;
	[tilespmem:$0x15780] =	vst v63  }
0x38: {  	_ =	swait.ge [sflag:s16], $0x2710  }
0x39: {  	[sflag:s16] =	ssyncset.done $0x0  }
0x3a: {  	[sflag:s16] =	ssyncadd.s32 $0xFFFFD8F0  }
0x3b: {  	[bflag:$0x0] =	sbarrier.arrive $0xFFFF  }
0x3c: {  	v1 =	vld [tilespmem:$0x0]  }
0x3d: {  	v2 =	vld [tilespmem:$0x2710]  }
0x3e: {  	v3 =	vld [tilespmem:$0x10]  }
0x3f: {  	v4 =	vld [tilespmem:$0x2720]  }
0x40: {  	v5 =	vld [tilespmem:$0x20]  }
0x41: {  	[tilespmem:$0x4E20] =	vst v1;
	v1 =	vld [tilespmem:$0x2730]  }
0x42: {  	v54 =	vld [tilespmem:$0x40];
	[tilespmem:$0x4F20] =	vst v2  }
0x43: {  	v55 =	vld [tilespmem:$0x2750];
	[tilespmem:$0x4E30] =	vst v3  }
0x44: {  	v2 =	vld [tilespmem:$0x30];
	[tilespmem:$0x4F30] =	vst v4  }
0x45: {  	v3 =	vld [tilespmem:$0x2740];
	[tilespmem:$0x4E40] =	vst v5  }
0x46: {  	[tilespmem:$0x4F40] =	vst v1;
	v1 =	vld [tilespmem:$0x50]  }
0x47: {  	v56 =	vld [tilespmem:$0x2770];
	[tilespmem:$0x4E60] =	vst v54  }
0x48: {  	v57 =	vld [tilespmem:$0x70];
	[tilespmem:$0x4F60] =	vst v55  }
0x49: {  	[tilespmem:$0x4E50] =	vst v2;
	v2 =	vld [tilespmem:$0x2760]  }
0x4a: {  	[tilespmem:$0x4F50] =	vst v3;
	v3 =	vld [tilespmem:$0x60]  }
0x4b: {  	[tilespmem:$0x4E70] =	vst v1;
	v1 =	vld [tilespmem:$0x2780]  }
0x4c: {  	[tilespmem:$0x4F80] =	vst v56  }
0x4d: {  	[tilespmem:$0x4E90] =	vst v57  }
0x4e: {  	[tilespmem:$0x4F70] =	vst v2  }
0x4f: {  	[tilespmem:$0x4E80] =	vst v3  }
0x50: {  	[tilespmem:$0x4F90] =	vst v1  }
0x51: {  	[tilespmem:s20], [sflag:$0x1] =	stream.indirect.gather [hbm4b:s4+s18], $0x40, s19, s18, $0xb8;
	[tilespmem:$0x15780] =	vst v63  }
0x52: {  	v1 =	vld [tilespmem:$0x80]  }
0x53: {  	v2 =	vld [tilespmem:$0x2790]  }
0x54: {  	v3 =	vld [tilespmem:$0x90]  }
0x55: {  	v58 =	vld [tilespmem:$0x27A0]  }
0x56: {  	v59 =	vld [tilespmem:$0xA0]  }
0x57: {  	[tilespmem:$0x4EA0] =	vst v1;
	v1 =	vld [tilespmem:$0x27B0]  }
0x58: {  	v60 =	vld [tilespmem:$0xC0];
	[tilespmem:$0x4FA0] =	vst v2  }
0x59: {  	v61 =	vld [tilespmem:$0x27D0];
	[tilespmem:$0x4EB0] =	vst v3  }
0x5a: {  	v2 =	vld [tilespmem:$0xB0];
	[tilespmem:$0x4FB0] =	vst v58  }
0x5b: {  	v3 =	vld [tilespmem:$0x27C0];
	[tilespmem:$0x4EC0] =	vst v59  }
0x5c: {  	[tilespmem:$0x4FC0] =	vst v1;
	v1 =	vld [tilespmem:$0xD0]  }
0x5d: {  	v62 =	vld [tilespmem:$0x27F0];
	[tilespmem:$0x4EE0] =	vst v60  }
0x5e: {  	v63 =	vld [tilespmem:$0xF0];
	[tilespmem:$0x4FE0] =	vst v61  }
0x5f: {  	[tilespmem:$0x4ED0] =	vst v2;
	v2 =	vld [tilespmem:$0x27E0]  }
0x60: {  	[tilespmem:$0x4FD0] =	vst v3;
	v3 =	vld [tilespmem:$0xE0]  }
0x61: {  	[tilespmem:$0x4EF0] =	vst v1;
	v1 =	vld [tilespmem:$0x2800]  }
0x62: {  	[tilespmem:$0x5000] =	vst v62  }
0x63: {  	[tilespmem:$0x4F10] =	vst v63  }
0x64: {  	[tilespmem:$0x4FF0] =	vst v2  }
0x65: {  	[tilespmem:$0x4F00] =	vst v3  }
0x66: {  	[tilespmem:$0x5010] =	vst v1  }
0x67: {  	[tilespmem:s22], [sflag:$0x2] =	stream.indirect.gather [hbm4b:s4+s18], $0x40, s21, s18, $0xb8;
	[tilespmem:$0x15780] =	vst v63  }
0x68: {  	_ =	swait.ge [sflag:s23], $0x2000  }
0x69: {  	[sflag:s23] =	ssyncset.done $0x0  }
0x6a: {  	[sflag:s23] =	ssyncadd.s32 $0xFFFFE000  }
0x6b: {  	[spmem:s2] =	stream.indirect.scatter.add.f32 [tilespmem:s20], [sflag:$0x3], $0x40, s24, s18, $0xb8;
	[tilespmem:$0x15780] =	vst v63  }
0x6c: {  	_ =	swait.ge [sflag:s25], $0x2000  }
0x6d: {  	[sflag:s25] =	ssyncset.done $0x0  }
0x6e: {  	s0 =	simm.s32 $0x0;
	[sflag:s25] =	ssyncadd.s32 $0xFFFFE000  }
0x6f: {  	v1 =	vld [tilespmem:s0+$0x100];
	_ =	sdelay $0x4  }
0x70: {  	[tilespmem:$0x4E20] =	vst v1  }
0x71: {  	v1 =	vld [tilespmem:s0+$0x2810];
	_ =	sdelay $0x4  }
0x72: {  	[tilespmem:$0x4F20] =	vst v1  }
0x73: {  	v1 =	vld [tilespmem:s0+$0x110];
	_ =	sdelay $0x4  }
0x74: {  	[tilespmem:$0x4E30] =	vst v1  }
0x75: {  	v1 =	vld [tilespmem:s0+$0x2820];
	_ =	sdelay $0x4  }
0x76: {  	[tilespmem:$0x4F30] =	vst v1  }
0x77: {  	v1 =	vld [tilespmem:s0+$0x120];
	_ =	sdelay $0x4  }
0x78: {  	[tilespmem:$0x4E40] =	vst v1  }
0x79: {  	v1 =	vld [tilespmem:s0+$0x2830];
	_ =	sdelay $0x4  }
0x7a: {  	[tilespmem:$0x4F40] =	vst v1  }
0x7b: {  	v1 =	vld [tilespmem:s0+$0x130];
	_ =	sdelay $0x4  }
0x7c: {  	[tilespmem:$0x4E50] =	vst v1  }
0x7d: {  	v1 =	vld [tilespmem:s0+$0x2840];
	_ =	sdelay $0x4  }
0x7e: {  	[tilespmem:$0x4F50] =	vst v1  }
0x7f: {  	v1 =	vld [tilespmem:s0+$0x140];
	_ =	sdelay $0x4  }
0x80: {  	[tilespmem:$0x4E60] =	vst v1  }
0x81: {  	v1 =	vld [tilespmem:s0+$0x2850];
	_ =	sdelay $0x4  }
0x82: {  	[tilespmem:$0x4F60] =	vst v1  }
0x83: {  	v1 =	vld [tilespmem:s0+$0x150];
	_ =	sdelay $0x4  }
0x84: {  	[tilespmem:$0x4E70] =	vst v1  }
0x85: {  	v1 =	vld [tilespmem:s0+$0x2860];
	_ =	sdelay $0x4  }
0x86: {  	[tilespmem:$0x4F70] =	vst v1  }
0x87: {  	v1 =	vld [tilespmem:s0+$0x160];
	_ =	sdelay $0x4  }
0x88: {  	[tilespmem:$0x4E80] =	vst v1  }
0x89: {  	v1 =	vld [tilespmem:s0+$0x2870];
	_ =	sdelay $0x4  }
0x8a: {  	[tilespmem:$0x4F80] =	vst v1  }
0x8b: {  	v1 =	vld [tilespmem:s0+$0x170];
	_ =	sdelay $0x4  }
0x8c: {  	[tilespmem:$0x4E90] =	vst v1  }
0x8d: {  	v1 =	vld [tilespmem:s0+$0x2880];
	_ =	sdelay $0x4  }
0x8e: {  	[tilespmem:$0x4F90] =	vst v1  }
0x8f: {  	[tilespmem:s20], [sflag:$0x1] =	stream.indirect.gather [hbm4b:s4+s18], $0x40, s19, s18, $0xb8;
	[tilespmem:$0x15780] =	vst v63  }
0x90: {  	_ =	swait.ge [sflag:s26], $0x2000  }
0x91: {  	[sflag:s26] =	ssyncset.done $0x0  }
0x92: {  	[sflag:s26] =	ssyncadd.s32 $0xFFFFE000  }
0x93: {  	[spmem:s2] =	stream.indirect.scatter.add.f32 [tilespmem:s22], [sflag:$0x4], $0x40, s28, s18, $0xb8;
	[tilespmem:$0x15780] =	vst v63  }
0x94: {  	_ =	swait.ge [sflag:s29], $0x2000  }
0x95: {  	[sflag:s29] =	ssyncset.done $0x0  }
0x96: {  	[sflag:s29] =	ssyncadd.s32 $0xFFFFE000  }
0x97: {  	v1 =	vld [tilespmem:s0+$0x180];
	_ =	sdelay $0x4  }
0x98: {  	[tilespmem:$0x4EA0] =	vst v1  }
0x99: {  	v1 =	vld [tilespmem:s0+$0x2890];
	_ =	sdelay $0x4  }
0x9a: {  	[tilespmem:$0x4FA0] =	vst v1  }
0x9b: {  	v1 =	vld [tilespmem:s0+$0x190];
	_ =	sdelay $0x4  }
0x9c: {  	[tilespmem:$0x4EB0] =	vst v1  }
0x9d: {  	v1 =	vld [tilespmem:s0+$0x28A0];
	_ =	sdelay $0x4  }
0x9e: {  	[tilespmem:$0x4FB0] =	vst v1  }
0x9f: {  	v1 =	vld [tilespmem:s0+$0x1A0];
	_ =	sdelay $0x4  }
0xa0: {  	[tilespmem:$0x4EC0] =	vst v1  }
0xa1: {  	v1 =	vld [tilespmem:s0+$0x28B0];
	_ =	sdelay $0x4  }
0xa2: {  	[tilespmem:$0x4FC0] =	vst v1  }
0xa3: {  	v1 =	vld [tilespmem:s0+$0x1B0];
	_ =	sdelay $0x4  }
0xa4: {  	[tilespmem:$0x4ED0] =	vst v1  }
0xa5: {  	v1 =	vld [tilespmem:s0+$0x28C0];
	_ =	sdelay $0x4  }
0xa6: {  	[tilespmem:$0x4FD0] =	vst v1  }
0xa7: {  	v1 =	vld [tilespmem:s0+$0x1C0];
	_ =	sdelay $0x4  }
0xa8: {  	[tilespmem:$0x4EE0] =	vst v1  }
0xa9: {  	v1 =	vld [tilespmem:s0+$0x28D0];
	_ =	sdelay $0x4  }
0xaa: {  	[tilespmem:$0x4FE0] =	vst v1  }
0xab: {  	v1 =	vld [tilespmem:s0+$0x1D0];
	_ =	sdelay $0x4  }
0xac: {  	[tilespmem:$0x4EF0] =	vst v1  }
0xad: {  	v1 =	vld [tilespmem:s0+$0x28E0];
	_ =	sdelay $0x4  }
0xae: {  	[tilespmem:$0x4FF0] =	vst v1  }
0xaf: {  	v1 =	vld [tilespmem:s0+$0x1E0];
	_ =	sdelay $0x4  }
0xb0: {  	[tilespmem:$0x4F00] =	vst v1  }
0xb1: {  	v1 =	vld [tilespmem:s0+$0x28F0];
	_ =	sdelay $0x4  }
0xb2: {  	[tilespmem:$0x5000] =	vst v1  }
0xb3: {  	v1 =	vld [tilespmem:s0+$0x1F0];
	_ =	sdelay $0x4  }
0xb4: {  	[tilespmem:$0x4F10] =	vst v1  }
0xb5: {  	v1 =	vld [tilespmem:s0+$0x2900];
	_ =	sdelay $0x4  }
0xb6: {  	[tilespmem:$0x5010] =	vst v1  }
0xb7: {  	[tilespmem:s22], [sflag:$0x2] =	stream.indirect.gather [hbm4b:s4+s18], $0x40, s21, s18, $0xb8;
	[tilespmem:$0x15780] =	vst v63  }
0xb8: {  	_ =	swait.ge [sflag:s23], $0x2000  }
0xb9: {  	[sflag:s23] =	ssyncset.done $0x0  }
0xba: {  	s31 =	simm.s32 $0x400;
	[sflag:s23] =	ssyncadd.s32 $0xFFFFE000  }
.LBB2_4:
0xbb: {  	[spmem:s2] =	stream.indirect.scatter.add.f32 [tilespmem:s20], [sflag:$0x3], $0x40, s24, s18, $0xb8;
	[tilespmem:$0x15780] =	vst v63  }
0xbc: {  	s0 =	smov.u32 s31  }
0xbd: {  	p1 =	sne.s32 s31, $0x9400;
	s31 =	sadd.s32 $0x400, s31;
	_ =	swait.ge [sflag:s25], $0x2000  }
0xbe: {  	[sflag:s25] =	ssyncset.done $0x0  }
0xbf: {  	s17 =	sshra.s32 s0, $0x2;
	[sflag:s25] =	ssyncadd.s32 $0xFFFFE000  }
0xc0: {  	v1 =	vld [tilespmem:s17+$0x100];
	_ =	sdelay $0x4  }
0xc1: {  	[tilespmem:$0x4E20] =	vst v1  }
0xc2: {  	v1 =	vld [tilespmem:s17+$0x2810];
	_ =	sdelay $0x4  }
0xc3: {  	[tilespmem:$0x4F20] =	vst v1  }
0xc4: {  	v1 =	vld [tilespmem:s17+$0x110];
	_ =	sdelay $0x4  }
0xc5: {  	[tilespmem:$0x4E30] =	vst v1  }
0xc6: {  	v1 =	vld [tilespmem:s17+$0x2820];
	_ =	sdelay $0x4  }
0xc7: {  	[tilespmem:$0x4F30] =	vst v1  }
0xc8: {  	v1 =	vld [tilespmem:s17+$0x120];
	_ =	sdelay $0x4  }
0xc9: {  	[tilespmem:$0x4E40] =	vst v1  }
0xca: {  	v1 =	vld [tilespmem:s17+$0x2830];
	_ =	sdelay $0x4  }
0xcb: {  	[tilespmem:$0x4F40] =	vst v1  }
0xcc: {  	v1 =	vld [tilespmem:s17+$0x130];
	_ =	sdelay $0x4  }
0xcd: {  	[tilespmem:$0x4E50] =	vst v1  }
0xce: {  	v1 =	vld [tilespmem:s17+$0x2840];
	_ =	sdelay $0x4  }
0xcf: {  	[tilespmem:$0x4F50] =	vst v1  }
0xd0: {  	v1 =	vld [tilespmem:s17+$0x140];
	_ =	sdelay $0x4  }
0xd1: {  	[tilespmem:$0x4E60] =	vst v1  }
0xd2: {  	v1 =	vld [tilespmem:s17+$0x2850];
	_ =	sdelay $0x4  }
0xd3: {  	[tilespmem:$0x4F60] =	vst v1  }
0xd4: {  	v1 =	vld [tilespmem:s17+$0x150];
	_ =	sdelay $0x4  }
0xd5: {  	[tilespmem:$0x4E70] =	vst v1  }
0xd6: {  	v1 =	vld [tilespmem:s17+$0x2860];
	_ =	sdelay $0x4  }
0xd7: {  	[tilespmem:$0x4F70] =	vst v1  }
0xd8: {  	v1 =	vld [tilespmem:s17+$0x160];
	_ =	sdelay $0x4  }
0xd9: {  	[tilespmem:$0x4E80] =	vst v1  }
0xda: {  	v1 =	vld [tilespmem:s17+$0x2870];
	_ =	sdelay $0x4  }
0xdb: {  	[tilespmem:$0x4F80] =	vst v1  }
0xdc: {  	v1 =	vld [tilespmem:s17+$0x170];
	_ =	sdelay $0x4  }
0xdd: {  	[tilespmem:$0x4E90] =	vst v1  }
0xde: {  	v1 =	vld [tilespmem:s17+$0x2880];
	_ =	sdelay $0x4  }
0xdf: {  	[tilespmem:$0x4F90] =	vst v1  }
0xe0: {  	[tilespmem:s20], [sflag:$0x1] =	stream.indirect.gather [hbm4b:s4+s18], $0x40, s19, s18, $0xb8;
	[tilespmem:$0x15780] =	vst v63  }
0xe1: {  	_ =	swait.ge [sflag:s26], $0x2000  }
0xe2: {  	[sflag:s26] =	ssyncset.done $0x0  }
0xe3: {  	[sflag:s26] =	ssyncadd.s32 $0xFFFFE000  }
0xe4: {  	[spmem:s2] =	stream.indirect.scatter.add.f32 [tilespmem:s22], [sflag:$0x4], $0x40, s28, s18, $0xb8;
	[tilespmem:$0x15780] =	vst v63  }
0xe5: {  	_ =	swait.ge [sflag:s29], $0x2000  }
0xe6: {  	[sflag:s29] =	ssyncset.done $0x0  }
0xe7: {  	[sflag:s29] =	ssyncadd.s32 $0xFFFFE000  }
0xe8: {  	v1 =	vld [tilespmem:s17+$0x180];
	_ =	sdelay $0x4  }
0xe9: {  	[tilespmem:$0x4EA0] =	vst v1  }
0xea: {  	v1 =	vld [tilespmem:s17+$0x2890];
	_ =	sdelay $0x4  }
0xeb: {  	[tilespmem:$0x4FA0] =	vst v1  }
0xec: {  	v1 =	vld [tilespmem:s17+$0x190];
	_ =	sdelay $0x4  }
0xed: {  	[tilespmem:$0x4EB0] =	vst v1  }
0xee: {  	v1 =	vld [tilespmem:s17+$0x28A0];
	_ =	sdelay $0x4  }
0xef: {  	[tilespmem:$0x4FB0] =	vst v1  }
0xf0: {  	v1 =	vld [tilespmem:s17+$0x1A0];
	_ =	sdelay $0x4  }
0xf1: {  	[tilespmem:$0x4EC0] =	vst v1  }
0xf2: {  	v1 =	vld [tilespmem:s17+$0x28B0];
	_ =	sdelay $0x4  }
0xf3: {  	[tilespmem:$0x4FC0] =	vst v1  }
0xf4: {  	v1 =	vld [tilespmem:s17+$0x1B0];
	_ =	sdelay $0x4  }
0xf5: {  	[tilespmem:$0x4ED0] =	vst v1  }
0xf6: {  	v1 =	vld [tilespmem:s17+$0x28C0];
	_ =	sdelay $0x4  }
0xf7: {  	[tilespmem:$0x4FD0] =	vst v1  }
0xf8: {  	v1 =	vld [tilespmem:s17+$0x1C0];
	_ =	sdelay $0x4  }
0xf9: {  	[tilespmem:$0x4EE0] =	vst v1  }
0xfa: {  	v1 =	vld [tilespmem:s17+$0x28D0];
	_ =	sdelay $0x4  }
0xfb: {  	[tilespmem:$0x4FE0] =	vst v1  }
0xfc: {  	v1 =	vld [tilespmem:s17+$0x1D0];
	_ =	sdelay $0x4  }
0xfd: {  	[tilespmem:$0x4EF0] =	vst v1  }
0xfe: {  	v1 =	vld [tilespmem:s17+$0x28E0];
	_ =	sdelay $0x4  }
0xff: {  	[tilespmem:$0x4FF0] =	vst v1  }
0x100: {  	v1 =	vld [tilespmem:s17+$0x1E0];
	_ =	sdelay $0x4  }
0x101: {  	[tilespmem:$0x4F00] =	vst v1  }
0x102: {  	v1 =	vld [tilespmem:s17+$0x28F0];
	_ =	sdelay $0x4  }
0x103: {  	[tilespmem:$0x5000] =	vst v1  }
0x104: {  	v1 =	vld [tilespmem:s17+$0x1F0];
	_ =	sdelay $0x4  }
0x105: {  	[tilespmem:$0x4F10] =	vst v1  }
0x106: {  	v1 =	vld [tilespmem:s17+$0x2900];
	_ =	sdelay $0x4  }
.Ltmp1:
0x107: {  	[tilespmem:$0x5010] =	vst v1;
	(pc) =	sbr.rel @p1 .LBB2_4-.Ltmp1, $4  }
0x108: {  	[tilespmem:s22], [sflag:$0x2] =	stream.indirect.gather [hbm4b:s4+s18], $0x40, s21, s18, $0xb8;
	[tilespmem:$0x15780] =	vst v63  }
0x109: {  	_ =	swait.ge [sflag:s23], $0x2000  }
0x10a: {  	[sflag:s23] =	ssyncset.done $0x0  }
0x10b: {  	[sflag:s23] =	ssyncadd.s32 $0xFFFFE000  }
0x10c: {  	[spmem:s2] =	stream.indirect.scatter.add.f32 [tilespmem:s20], [sflag:$0x3], $0x40, s24, s18, $0xb8;
	[tilespmem:$0x15780] =	vst v63  }
0x10d: {  	_ =	swait.ge [sflag:s26], $0x2000  }
0x10e: {  	[sflag:s26] =	ssyncset.done $0x0  }
0x10f: {  	[sflag:s26] =	ssyncadd.s32 $0xFFFFE000  }
0x110: {  	[spmem:s2] =	stream.indirect.scatter.add.f32 [tilespmem:s22], [sflag:$0x4], $0x40, s28, s18, $0xb8;
	[tilespmem:$0x15780] =	vst v63  }
0x111: {  	v1 =	vld [tilespmem:$0x2700]  }
0x112: {  	v2 =	vld [tilespmem:$0x4E10];
	_ =	sdelay $0x3  }
0x113: {  	[tilespmem:$0x5020] =	vst v1  }
0x114: {  	s0 =	simm.s32 $0x5020;
	[tilespmem:$0x5030] =	vst v2  }
0x115: {  	[tilespmem:s1], [sflag:$0x1] =	stream.indirect.gather [hbm4b:s4+s30], $0x40, s0, s30, $0xb8;
	[tilespmem:$0x15780] =	vst v63  }
0x116: {  	_ =	swait.ge [sflag:s23], $0x400  }
0x117: {  	[sflag:s23] =	ssyncset.done $0x0  }
0x118: {  	[sflag:s23] =	ssyncadd.s32 $0xFFFFFC00  }
0x119: {  	_ =	swait.ge [sflag:s25], $0x2000  }
0x11a: {  	[sflag:s25] =	ssyncset.done $0x0  }
0x11b: {  	[sflag:s25] =	ssyncadd.s32 $0xFFFFE000  }
0x11c: {  	_ =	swait.ge [sflag:s29], $0x2000  }
0x11d: {  	[sflag:s29] =	ssyncset.done $0x0  }
0x11e: {  	s17 =	simm.s32 $0x5030;
	[sflag:s29] =	ssyncadd.s32 $0xFFFFE000  }
0x11f: {  	[spmem:s2] =	stream.indirect.scatter.add.f32 [tilespmem:s1], [sflag:$0x3], $0x40, s17, s30, $0xb8;
	[tilespmem:$0x15780] =	vst v63  }
0x120: {  	_ =	swait.ge [sflag:s25], $0x400  }
0x121: {  	s31 =	stileid.u32;
	[sflag:s25] =	ssyncset.done $0x0  }
0x122: {  	s0 =	sshll.u32 s31, $0x6;
	[sflag:s25] =	ssyncadd.s32 $0xFFFFFC00  }
0x123: {  	s0 =	sor.u32 $0x1C05, s0;
	s17 =	sshrl.u32 s5, $0x3;
	[bflag:$0x0] =	sbarrier.arrive $0xFFFF  }
0x124: {  	[hbm:s12], [sflag:s0] =	dma.local [spmem:s17], $0x1380  }
0x125: {  	_ =	swait.ge [sflag:s16], $0x1380  }
0x126: {  	s3 =	sadd.s32 $0x1, s3;
	[sflag:s16] =	ssyncset.done $0x0  }
0x127: {  	p1 =	sne.s32 s3, s14;
	s17 =	sshrl.u32 @!p0 s9, $0x3;
	[sflag:s16] =	ssyncadd.s32 $0xFFFFEC80  }
0x128: {  	[hbm:s13], [sflag:s0] =	dma.local @!p0 [spmem:s17], $0x80  }
.Ltmp2:
0x129: {  	_ = 	snop;
	(pc) =	sbr.rel @p1 .LBB2_1-.Ltmp2, $4  }
0x12a: {  	s0 =	simm.s32 @!p0 $0x5  }
0x12b: {  	_ =	swait.ge @!p0 [sflag:s0], $0x80  }
0x12c: {  	[sflag:s0] =	ssyncset.done @!p0 $0x0  }
0x12d: {  	[sflag:s0] =	ssyncadd.s32 @!p0 $0xFFFFFF80  }
0x12e: {  	_ =	sfence.sel $0x180000  }
0x12f: {  	[bflag:$0x0] =	sbarrier.arrive $0xFFFF  }
0x130: {  	_ =	strace $0x9000004A  }
0x131: {  	s0 =	stileid.u32;
	[bflag:$0x2] =	sbarrier.arrive $0xFFFF  }
0x132: {  	p0 =	sne.s32 s0, $0x0;
	s0 =	rddreg [dreg:$0x3]  }
0x133: {  	s0 =	sadd.s32 @!p0 $0x100000, s0  }
0x134: {  	[sflag:s0] =	ssyncadd.tile.s32 @!p0 $0x1;
	_ =	shalt  }
.Lfunc_end2:
_tile_overlayer_lowered:
.L_overlay_start_2:
0x135: {  	(tag) =	ssettag $0x2  }
0x136: {  	s0 =	rddreg [dreg:$0x0];
	s2 =	stileid.u32  }
0x137: {  	s1 =	rddreg [dreg:$0x1];
	p0 =	sne.s32 s2, $0x0  }
0x138: {  	s3 =	rddreg [dreg:$0x2];
	[bflag:$0x3] =	sbarrier.arrive $0xFFFF;
	s2 =	simm.s32 @!p0 $0x1C05  }
0x139: {  	[timem:s3], [sflag:s2] =	dma.local @!p0 [hbm:s0], s1  }
0x13a: {  	s0 =	simm.s32 @!p0 $0x5  }
0x13b: {  	_ =	swait.ge @!p0 [sflag:s0], s1  }
0x13c: {  	s1 =	ssub.s32 @!p0 $0x0, s1;
	[sflag:s0] =	ssyncset.done @!p0 $0x0  }
0x13d: {  	[sflag:s0] =	ssyncadd.s32 @!p0 s1  }
0x13e: {  	[bflag:$0x3] =	sbarrier.arrive $0xFFFF  }
0x13f: {  	_ =	shalt  }

// kernel: kernel.7.cloned.1.call-start
scs
__scs_entry_jumppad:
0x0: {  	(pc) =	sbr.rel $0x88, $3  }
0x1: {  	(tag) =	ssettag $0x0;
	lr =	simm.s32 $0x1  }
0x2: {  	[smem:$0x3F99] =	sst lr;
	_ =	strace $0xD0000000  }
0x3: {  	_ = 	snop  }
0x4: {  	_ = 	snop  }
0x5: {  	_ = 	snop  }
0x6: {  	_ = 	snop  }
0x7: {  	_ = 	snop  }
__scs_overlays_trampoline_lowered:
0x8: {  	[smem:$0x3FA8] =	sst s0  }
0x9: {  	[smem:$0x3FA9] =	sst s1  }
0xa: {  	[smem:$0x3FAA] =	sst s2  }
0xb: {  	[smem:$0x3FAB] =	sst s3  }
0xc: {  	[smem:$0x3FAC] =	sst s4  }
0xd: {  	[smem:$0x3FAD] =	sst s5  }
0xe: {  	[smem:$0x3FAE] =	sst s6  }
0xf: {  	[smem:$0x3FAF] =	sst s7  }
0x10: {  	[smem:$0x3FB0] =	sst s8  }
0x11: {  	[smem:$0x3FB1] =	sst s9;
	s0 =	simm.s32 @!p0 $0x0  }
0x12: {  	s1 =	sld [smem:$0x3F97];
	s0 =	simm.s32 @p0 $0x1  }
0x13: {  	[smem:$0x3FB2] =	sst s0;
	s0 =	simm.s32 @!p1 $0x0  }
0x14: {  	s2 =	sld [smem:$0x3F96];
	s0 =	simm.s32 @p1 $0x1  }
0x15: {  	[smem:$0x3FB3] =	sst s0;
	s0 =	simm.s32 @!p2 $0x0  }
0x16: {  	s3 =	sld [smem:$0x3FDB];
	s0 =	simm.s32 @p2 $0x1  }
0x17: {  	s4 =	simm.s32 $0x1BF5;
	[smem:$0x3FB5] =	sst s0  }
0x18: {  	s0 =	sld [smem:$0x3F98];
	_ =	swait.ge [sflag:s4], $0x0  }
0x19: {  	s7 =	sld [smem:$0x3F99]  }
0x1a: {  	s8 =	sadd.s32 $0xFFFFE003, lr  }
0x1b: {  	s9 =	sadd.s32 $0xFFFFFEF7, lr;
	s5 =	simm.s32 $0xFFFFFFFF;
	p2 =	slt.u32 s8, $0xFFFFF086  }
0x1c: {  	p1 =	slt.u32 s9, $0xF7A;
	s5 =	simm.s32 @!p2 $0x0  }
0x1d: {  	s5 =	simm.s32 @p1 $0x1;
	p0 =	seq.s32 s7, s2  }
0x1e: {  	s7 =	smul.u32 @!p0 $0xF7A, s2;
	p2 =	seq.s32 @!p0 s5, $0x0  }
0x1f: {  	s9 =	smul.u32 $0xF7A, s1;
	s8 =	simm.s32 @!p0 $0x1BF5;
	p2 =	por !p2, p0  }
0x20: {  	[sflag:s8] =	ssyncset.s32 @!p0 $0xFFFFF086;
	s6 =	sadd.s32 @!p0 s3, s7;
	s7 =	simm.s32 @!p0 $0x108  }
0x21: {  	s3 =	sadd.s32 s3, s9;
	s6 =	sadd.s32 @!p0 $0x88, s6;
	s7 =	simm.s32 @p2 $0x1082  }
0x22: {  	[simem:s7], [sflag:s8] =	dma.local @!p0 [hbm:s6], $0xF7A  }
0x23: {  	s9 =	sor.u32 $0xD0000000, s2;
	s6 =	simm.s32 $0x108;
	_ =	swait.ge @!p0 [sflag:s8], $0x0  }
0x24: {  	s3 =	sadd.s32 $0x88, s3;
	s6 =	simm.s32 @!p1 $0x1082;
	[sflag:s4] =	ssyncset.s32 $0xFFFFF086  }
0x25: {  	[simem:s6], [sflag:s4] =	dma.local [hbm:s3], $0xF7A  }
0x26: {  	[smem:$0x3F99] =	sst s1;
	(tag) =	ssettag s2;
	_ =	strace s9  }
0x27: {  	s1 =	sld [smem:$0x3FA9]  }
0x28: {  	s2 =	sld [smem:$0x3FAA]  }
0x29: {  	s4 =	sld [smem:$0x3FAC]  }
0x2a: {  	p0 =	seq.s32 s5, $0x0;
	s5 =	sld [smem:$0x3FAD]  }
0x2b: {  	s6 =	sld [smem:$0x3FAE]  }
0x2c: {  	s7 =	sld [smem:$0x3FAF]  }
0x2d: {  	s3 =	simm.s32 $0x108;
	s8 =	sld [smem:$0x3FB0]  }
0x2e: {  	s3 =	simm.s32 @!p0 $0x1082;
	s9 =	sld [smem:$0x3FB1]  }
0x2f: {  	lr =	sadd.s32 s0, s3;
	s0 =	sld [smem:$0x3FA8]  }
0x30: {  	s3 =	sld [smem:$0x3FAB]  }
0x31: {  	[smem:$0x3FB4] =	sst s10  }
0x32: {  	s10 =	sld [smem:$0x3FB2];
	_ =	sdelay $0x3  }
0x33: {  	p0 =	seq.s32 s10, $0x1;
	s10 =	sld [smem:$0x3FB4];
	_ =	sdelay $0x3  }
0x34: {  	[smem:$0x3FB4] =	sst s10  }
0x35: {  	s10 =	sld [smem:$0x3FB3];
	_ =	sdelay $0x3  }
0x36: {  	p1 =	seq.s32 s10, $0x1;
	s10 =	sld [smem:$0x3FB4];
	_ =	sdelay $0x3  }
0x37: {  	[smem:$0x3FB4] =	sst s10  }
0x38: {  	s10 =	sld [smem:$0x3FB5]  }
0x39: {  	_ = 	snop;
	(pc) =	sbr.ind lr, $3  }
0x3a: {  	_ = 	snop  }
0x3b: {  	_ = 	snop  }
0x3c: {  	p2 =	seq.s32 s10, $0x1;
	s10 =	sld [smem:$0x3FB4]  }
0x3d: {  	_ =	shalt  }
0x3e: {  	_ =	shalt  }
0x3f: {  	_ =	shalt  }
0x40: {  	_ =	shalt  }
0x41: {  	_ =	shalt  }
0x42: {  	_ =	shalt  }
0x43: {  	_ =	shalt  }
0x44: {  	_ =	shalt  }
0x45: {  	_ =	shalt  }
0x46: {  	_ =	shalt  }
0x47: {  	_ =	shalt  }
0x48: {  	_ =	shalt  }
0x49: {  	_ =	shalt  }
0x4a: {  	_ =	shalt  }
0x4b: {  	_ =	shalt  }
0x4c: {  	_ =	shalt  }
0x4d: {  	_ =	shalt  }
0x4e: {  	_ =	shalt  }
0x4f: {  	_ =	shalt  }
0x50: {  	_ =	shalt  }
0x51: {  	_ =	shalt  }
0x52: {  	_ =	shalt  }
0x53: {  	_ =	shalt  }
0x54: {  	_ =	shalt  }
0x55: {  	_ =	shalt  }
0x56: {  	_ =	shalt  }
0x57: {  	_ =	shalt  }
0x58: {  	_ =	shalt  }
0x59: {  	_ =	shalt  }
0x5a: {  	_ =	shalt  }
0x5b: {  	_ =	shalt  }
0x5c: {  	_ =	shalt  }
0x5d: {  	_ =	shalt  }
0x5e: {  	_ =	shalt  }
0x5f: {  	_ =	shalt  }
0x60: {  	_ =	shalt  }
0x61: {  	_ =	shalt  }
0x62: {  	_ =	shalt  }
0x63: {  	_ =	shalt  }
0x64: {  	_ =	shalt  }
0x65: {  	_ =	shalt  }
0x66: {  	_ =	shalt  }
0x67: {  	_ =	shalt  }
0x68: {  	_ =	shalt  }
0x69: {  	_ =	shalt  }
0x6a: {  	_ =	shalt  }
0x6b: {  	_ =	shalt  }
0x6c: {  	_ =	shalt  }
0x6d: {  	_ =	shalt  }
0x6e: {  	_ =	shalt  }
0x6f: {  	_ =	shalt  }
0x70: {  	_ =	shalt  }
0x71: {  	_ =	shalt  }
0x72: {  	_ =	shalt  }
0x73: {  	_ =	shalt  }
0x74: {  	_ =	shalt  }
0x75: {  	_ =	shalt  }
0x76: {  	_ =	shalt  }
0x77: {  	_ =	shalt  }
0x78: {  	_ =	shalt  }
0x79: {  	_ =	shalt  }
0x7a: {  	_ =	shalt  }
0x7b: {  	_ =	shalt  }
0x7c: {  	_ =	shalt  }
0x7d: {  	_ =	shalt  }
0x7e: {  	_ =	shalt  }
0x7f: {  	_ =	shalt  }
0x80: {  	_ =	shalt  }
0x81: {  	_ =	shalt  }
0x82: {  	_ =	shalt  }
0x83: {  	_ =	shalt  }
0x84: {  	_ =	shalt  }
0x85: {  	_ =	shalt  }
0x86: {  	_ =	shalt  }
0x87: {  	_ =	shalt  }
.Lfunc_end0:
.L_simem_size_0:
called_computation_lowered:
.L_overlay_start_0:
0x88: {  	s2 =	sld [smem:$0x3FD9]  }
0x89: {  	s3 =	sld [smem:$0x3FFE];
	_ =	sdelay $0x1  }
0x8a: {  	s1 =	srdreg.scid  }
0x8b: {  	s0 =	sand.u32 $0x1, s1  }
0x8c: {  	s17 =	sshll.u32 s0, $0xA;
	s2 =	sadd.s32 s3, s2  }
0x8d: {  	s2 =	sadd.s32 s2, s17  }
0x8e: {  	[smem:$0x3FC0] =	sst s2  }
0x8f: {  	_ = 	snop  }
0x90: {  	s2 =	sld [smem:$0x3FD0];
	(tm) =	ssettm $0x1  }
0x91: {  	s18 =	sld [smem:$0x3FFB];
	_ =	sdelay $0x3  }
0x92: {  	_ =	strace s18  }
0x93: {  	s3 =	sld [smem:$0x3FFC];
	_ =	sdelay $0x3  }
0x94: {  	_ =	strace s3  }
0x95: {  	s3 =	sld [smem:$0x3FFD];
	_ =	sdelay $0x3  }
0x96: {  	_ =	strace s3  }
0x97: {  	_ =	strace $0x8FFFFFFF  }
0x98: {  	s19 =	sld [smem:$0x3FDB];
	_ =	sdelay $0x1  }
0x99: {  	s4 =	simm.s32 $_scs_section_size  }
0x9a: {  	s5 =	simm.s32 $_size__tile_overlayer_lowered;
	s6 =	simm.s32 $_tile_overlayer_lowered  }
0x9b: {  	s22 =	simm.s32 $0x1BFF;
	s21 =	sshll.u32 s6, $0x1;
	s3 =	sadd.s32 s4, s19  }
0x9c: {  	s7 =	simm.s32 $0x0;
	s20 =	sshll.u32 s5, $0x1;
	s5 =	sadd.s32 s21, s3  }
0x9d: {  	[timem:s7], [sflag:s22] =	dma.local [hbm:s5], s20  }
0x9e: {  	_ =	swait.ge [sflag:s22], s20  }
0x9f: {  	s4 =	ssub.s32 $0x0, s20;
	[sflag:s22] =	ssyncset.done $0x0  }
0xa0: {  	[sflag:s22] =	ssyncadd.s32 s4;
	_ =	sdelay $0x1  }
0xa1: {  	s23 =	simm.s32 $0x1B8B  }
0xa2: {  	_ =	swait.ge [sflag:s23], $0x1  }
0xa3: {  	[sflag:s23] =	ssyncset.done $0x0  }
0xa4: {  	s25 =	simm.s32 $0x1B8E;
	s24 =	sld [smem:$0x3FFE];
	[sflag:s23] =	ssyncadd.s32 $0xFFFFFFFF  }
0xa5: {  	s26 =	simm.s32 $execute0_lowered;
	[smem:$0x3FD2] =	sst s25  }
0xa6: {  	s5 =	sshll.u32 s26, $0x1;
	_ =	strace $0x80000046;
	[dreg:$0x1] =	wrdreg $0xFFFFFFFF  }
0xa7: {  	s28 =	simm.s32 $_size_execute0_lowered;
	s3 =	sadd.s32 s3, s5;
	[dreg:$0x0] =	wrdreg $0x0  }
0xa8: {  	s5 =	sshll.u32 s28, $0x1;
	[dreg:$0x2] =	wrdreg s3  }
0xa9: {  	[dreg:$0x3] =	wrdreg s5  }
0xaa: {  	[dreg:$0x4] =	wrdreg $0xC0  }
0xab: {  	_ =	task [dreg:s7], $0x5FFFF  }
0xac: {  	[dreg:$0x1] =	wrdreg $0xFFFFFFFF  }
0xad: {  	[dreg:$0x0] =	wrdreg $0x60  }
0xae: {  	[dreg:$0x2] =	wrdreg s24  }
0xaf: {  	[dreg:$0x3] =	wrdreg s2  }
0xb0: {  	[dreg:$0x4] =	wrdreg $0xBB400  }
0xb1: {  	[dreg:$0x5] =	wrdreg $0x15F800  }
0xb2: {  	[dreg:$0x6] =	wrdreg $0x9  }
0xb3: {  	_ =	task.clear_ibuf [dreg:s7], $0x7FFFF;
	_ =	strace $0x90000046  }
0xb4: {  	s29 =	simm.s32 $0x9;
	_ =	strace $0x80000048  }
0xb5: {  	_ =	swait.ge [sflag:s29], $0x1  }
0xb6: {  	[sflag:s29] =	ssyncadd.s32 $0xFFFFFFFF  }
0xb7: {  	_ =	strace $0x90000048  }
0xb8: {  	_ =	sfence  }
0xb9: {  	s30 =	sld [smem:$0x0];
	_ =	sdelay $0x2  }
0xba: {  	s31 =	sshll.u32 s1, $0xD;
	s1 =	sshrl.u32 s1, $0x2  }
0xbb: {  	s3 =	sand.u32 $0x4000, s31;
	s1 =	sadd.s32 s1, s30  }
0xbc: {  	s0 =	sor.u32 s3, s0;
	s1 =	sshll.u32 s1, $0x11  }
0xbd: {  	s0 =	sor.u32 s1, s0  }
0xbe: {  	s0 =	sadd.s32 $0x8F2B, s0  }
0xbf: {  	[sflag:s0] =	ssyncadd.remote.s32 $0x1  }
0xc0: {  	_ =	sfence.sel $0xFFFF  }
0xc1: {  	[dreg:$0x0] =	wrdreg $0xFFFFFFFF;
	(pc) =	sbr.abs _section_cstart, $3  }
0xc2: {  	[dreg:$0x1] =	wrdreg $0xFFFFFFFF  }
0xc3: {  	_ =	task.clear_ibuf [dreg:s7], $0x2FFFF;
	_ =	strace $0x9FFFFFFF  }
0xc4: {  	(tm) =	ssettm $0x7FFFFFFF  }
0xc5: {  	_ =	shalt  }
tec
execute0_lowered:
.L_overlay_start_1:
0x0: {  	(tag) =	ssettag $0x1  }
0x1: {  	s0 =	rddreg [dreg:$0x0]  }
0x2: {  	s1 =	rddreg [dreg:$0x1]  }
0x3: {  	s3 =	srdreg.scid;
	s20 =	stileid.u32  }
0x4: {  	s2 =	rddreg [dreg:$0x2];
	s28 =	simm.s32 $0x3;
	s29 =	simm.s32 $0x5  }
0x5: {  	s30 =	simm.s32 $0x2;
	s31 =	simm.s32 $0x4FA0;
	s10 =	smul.u32 $0x270, s20  }
0x6: {  	s8 =	sand.u32 $0x1, s3;
	s4 =	sshll.u32 s20, $0x1;
	s12 =	smul.u32 $0x9C00, s20  }
0x7: {  	s3 =	rddreg [dreg:$0x3];
	s17 =	smul.u32 $0x2700, s20;
	p0 =	sne.s32 s20, $0xF  }
0x8: {  	s5 =	sor.u32 s8, s4;
	s4 =	simm.s32 $0x0;
	s19 =	smul.u32 $0x9C400, s8  }
0x9: {  	s6 =	ssub.s32 $0x2, s8;
	s8 =	smul.u32 $0x27100, s8;
	s20 =	sadd.s32 $0x27090, s3  }
0xa: {  	s5 =	smul.u32 $0x4E2, s5;
	[smem:$0x7FF] =	sst s4;
	s7 =	sshrl.u32 s6, $0x1  }
0xb: {  	s9 =	sadd.s32 $0x9C, s10;
	s13 =	sadd.s32 $0x138, s10;
	s10 =	sadd.s32 $0x1D4, s10  }
0xc: {  	_ =	strace $0x80000047;
	s18 =	ssub.s32 s6, s7;
	s6 =	sadd.s32 s12, s2  }
0xd: {  	s7 =	sadd.s32 s17, s3;
	s11 =	sshll.u32 s9, $0x6;
	s9 =	sshll.u32 s9, $0x4  }
0xe: {  	s26 =	sshll.u32 s13, $0x6;
	s14 =	sshll.u32 s13, $0x4;
	s15 =	sshll.u32 s10, $0x6  }
0xf: {  	s10 =	sshll.u32 s10, $0x4;
	s21 =	sadd.s32 s12, s19;
	s24 =	sadd.s32 s17, s8  }
0x10: {  	s25 =	sshrl.u32 s19, $0x3;
	s12 =	sadd.s32 $0x27040, s3;
	[dreg:$0x17] =	wrdreg s20  }
0x11: {  	s8 =	sshrl.u32 s8, $0x3;
	s17 =	sadd.s32 $0x27060, s3;
	[dreg:$0x12] =	wrdreg s12  }
0x12: {  	s19 =	sadd.s32 $0x27080, s3;
	s20 =	simm.s32 $0x4E20;
	[dreg:$0x14] =	wrdreg s17  }
0x13: {  	s16 =	sadd.s32 s5, s0;
	s11 =	sadd.s32 s11, s2;
	[dreg:$0x16] =	wrdreg s19  }
0x14: {  	s5 =	sadd.s32 $0x15000, s0;
	s13 =	sadd.s32 s15, s2;
	[dreg:$0x5] =	wrdreg s11  }
0x15: {  	s0 =	sadd.s32 $0x28A00, s0;
	s11 =	sadd.s32 s26, s2;
	[dreg:$0x7] =	wrdreg s13  }
0x16: {  	s9 =	sadd.s32 s9, s3;
	s22 =	sadd.s32 $0xB200, s16;
	[dreg:$0x6] =	wrdreg s11  }
0x17: {  	s15 =	sadd.s32 $0x27000, s3;
	s23 =	sadd.s32 $0x1400, s16;
	[dreg:$0x8] =	wrdreg s22  }
0x18: {  	s19 =	simm.s32 $0x80;
	s26 =	smax.u32 s18, $0x1;
	[dreg:$0x9] =	wrdreg s23  }
0x19: {  	s13 =	sadd.s32 s10, s3;
	s16 =	sadd.s32 $0x27050, s3;
	[dreg:$0xe] =	wrdreg s26  }
0x1a: {  	s10 =	sshrl.u32 s21, $0x3;
	s18 =	sadd.s32 $0x27070, s3;
	[dreg:$0x13] =	wrdreg s16  }
0x1b: {  	s21 =	sadd.s32 $0x270A0, s3;
	s11 =	sadd.s32 s14, s3;
	[dreg:$0x15] =	wrdreg s18  }
0x1c: {  	s14 =	sadd.s32 $0x9C000, s2;
	s10 =	sadd.s32 s1, s10;
	[dreg:$0x18] =	wrdreg s21  }
0x1d: {  	s1 =	sadd.s32 s1, s25;
	s22 =	sadd.s32 $0x270B0, s3;
	[dreg:$0xa] =	wrdreg s10  }
0x1e: {  	s23 =	sadd.s32 $0x270C0, s3;
	s25 =	sadd.s32 $0x270E0, s3;
	[dreg:$0x19] =	wrdreg s22  }
0x1f: {  	s26 =	sadd.s32 $0x270F0, s3;
	s18 =	simm.s32 $0x7;
	[dreg:$0x1a] =	wrdreg s23  }
0x20: {  	s21 =	simm.s32 $0x5040;
	s10 =	sshrl.u32 s24, $0x3;
	[dreg:$0x1c] =	wrdreg s25  }
0x21: {  	s1 =	sadd.s32 $0x13800, s1;
	s24 =	sadd.s32 $0x270D0, s3;
	[dreg:$0x1d] =	wrdreg s26  }
0x22: {  	s22 =	simm.s32 $0x4EA0;
	s23 =	simm.s32 $0x7040;
	[dreg:$0xc] =	wrdreg s1  }
0x23: {  	s25 =	simm.s32 $0x4F20;
	s10 =	sadd.s32 s0, s10;
	[dreg:$0x1b] =	wrdreg s24  }
0x24: {  	s26 =	simm.s32 $0x15780;
	s1 =	sadd.s32 $0x27010, s3;
	[dreg:$0xb] =	wrdreg s10  }
0x25: {  	s0 =	sadd.s32 s0, s8;
	s8 =	sadd.s32 $0x27020, s3;
	[dreg:$0xf] =	wrdreg s1  }
0x26: {  	s24 =	simm.s32 $0x1;
	s0 =	sadd.s32 $0x4E00, s0;
	[dreg:$0x10] =	wrdreg s8  }
0x27: {  	s10 =	sadd.s32 $0x27030, s3;
	s1 =	simm.s32 $0x4;
	[dreg:$0xd] =	wrdreg s0  }
0x28: {  	v0 =	vimm.f32 $0.0e+00;
	v1 =	vimm.f32 $1.000000000e+00;
	s8 =	simm.s32 $0x10;
	[dreg:$0x11] =	wrdreg s10;
	s0 =	simm.s32 $0x6  }
.LBB2_1:
0x29: {  	s17 =	simm.s32 $0x100;
	s16 =	simm.s32 $0x0  }
.LBB2_2:
0x2a: {  	p1 =	sne.s32 s17, $0x9B00;
	[tilespmem:s16+$0x9470] =	vst v0;
	s10 =	smov.u32 s17;
	s17 =	sadd.s32 $0x100, s17  }
.Ltmp0:
0x2b: {  	[tilespmem:s16+$0x9460] =	vst v0;
	(pc) =	sbr.rel @p1 .LBB2_2-.Ltmp0, $3  }
0x2c: {  	[tilespmem:s16+$0x9440] =	vst v0  }
0x2d: {  	[tilespmem:s16+$0x9450] =	vst v0;
	_ =	sdelay $0x1  }
0x2e: {  	s16 =	sshra.s32 s10, $0x2  }
0x2f: {  	[tilespmem:s16+$0x9470] =	vst v0  }
0x30: {  	[tilespmem:s16+$0x9460] =	vst v0  }
0x31: {  	[tilespmem:s16+$0x9440] =	vst v0  }
0x32: {  	[tilespmem:s16+$0x9450] =	vst v0;
	s16 =	simm.s32 $0x9440  }
0x33: {  	[spmem:s6] =	stream.linear.scatter [tilespmem:s16], [sflag:$0x7], $0x2700, $0x38;
	[tilespmem:$0x18690] =	vst v63  }
0x34: {  	_ =	swait.ge [sflag:s18], $0x2700  }
0x35: {  	[sflag:s18] =	ssyncset.done $0x0  }
0x36: {  	s10 =	sadd.s32 $0x0, s7;
	s17 =	simm.s32 $0x40;
	[sflag:s18] =	ssyncadd.s32 $0xFFFFD900  }
0x37: {  	[spmem:s10] =	stream.linear.scatter [tilespmem:s16], [sflag:$0x7], $0x10, $0x38;
	[tilespmem:$0x18690] =	vst v63  }
.LBB2_4:
0x38: {  	p1 =	sne.s32 s17, $0x26C0  }
.Ltmp1:
0x39: {  	_ = 	snop;
	(pc) =	sbr.rel @p1 .LBB2_4-.Ltmp1, $4  }
0x3a: {  	_ = 	snop  }
0x3b: {  	s10 =	sshra.s32 s17, $0x2;
	s17 =	sadd.s32 $0x40, s17  }
0x3c: {  	s16 =	sadd.s32 $0x40, s16;
	s10 =	sadd.s32 s10, s7  }
0x3d: {  	[spmem:s10] =	stream.linear.scatter [tilespmem:s16], [sflag:$0x7], $0x10, $0x38;
	[tilespmem:$0x18690] =	vst v63  }
0x3e: {  	_ =	swait.ge [sflag:s18], $0x9C0  }
0x3f: {  	[sflag:s18] =	ssyncset.done $0x0  }
0x40: {  	s16 =	simm.s32 $0x9440;
	s10 =	rddreg [dreg:$0x5];
	[sflag:s18] =	ssyncadd.s32 $0xFFFFF640  }
0x41: {  	[spmem:s10] =	stream.linear.scatter [tilespmem:s16], [sflag:$0x7], $0x2700, $0x38;
	[tilespmem:$0x18690] =	vst v63  }
0x42: {  	_ =	swait.ge [sflag:s18], $0x2700  }
0x43: {  	[sflag:s18] =	ssyncset.done $0x0  }
0x44: {  	s17 =	sadd.s32 $0x0, s9;
	[sflag:s18] =	ssyncadd.s32 $0xFFFFD900  }
0x45: {  	[spmem:s17] =	stream.linear.scatter [tilespmem:s16], [sflag:$0x7], $0x10, $0x38;
	[tilespmem:$0x18690] =	vst v63  }
0x46: {  	s17 =	simm.s32 $0x40  }
.LBB2_6:
0x47: {  	p1 =	sne.s32 s17, $0x26C0  }
.Ltmp2:
0x48: {  	_ = 	snop;
	(pc) =	sbr.rel @p1 .LBB2_6-.Ltmp2, $4  }
0x49: {  	_ = 	snop  }
0x4a: {  	s10 =	sshra.s32 s17, $0x2;
	s17 =	sadd.s32 $0x40, s17  }
0x4b: {  	s16 =	sadd.s32 $0x40, s16;
	s10 =	sadd.s32 s10, s9  }
0x4c: {  	[spmem:s10] =	stream.linear.scatter [tilespmem:s16], [sflag:$0x7], $0x10, $0x38;
	[tilespmem:$0x18690] =	vst v63  }
0x4d: {  	_ =	swait.ge [sflag:s18], $0x9C0  }
0x4e: {  	[sflag:s18] =	ssyncset.done $0x0  }
0x4f: {  	s16 =	simm.s32 $0x9440;
	s10 =	rddreg [dreg:$0x6];
	[sflag:s18] =	ssyncadd.s32 $0xFFFFF640  }
0x50: {  	[spmem:s10] =	stream.linear.scatter [tilespmem:s16], [sflag:$0x7], $0x2700, $0x38;
	[tilespmem:$0x18690] =	vst v63  }
0x51: {  	_ =	swait.ge [sflag:s18], $0x2700  }
0x52: {  	[sflag:s18] =	ssyncset.done $0x0  }
0x53: {  	s17 =	sadd.s32 $0x0, s11;
	[sflag:s18] =	ssyncadd.s32 $0xFFFFD900  }
0x54: {  	[spmem:s17] =	stream.linear.scatter [tilespmem:s16], [sflag:$0x7], $0x10, $0x38;
	[tilespmem:$0x18690] =	vst v63  }
0x55: {  	s17 =	simm.s32 $0x40  }
.LBB2_8:
0x56: {  	p1 =	sne.s32 s17, $0x26C0  }
.Ltmp3:
0x57: {  	_ = 	snop;
	(pc) =	sbr.rel @p1 .LBB2_8-.Ltmp3, $4  }
0x58: {  	_ = 	snop  }
0x59: {  	s10 =	sshra.s32 s17, $0x2;
	s17 =	sadd.s32 $0x40, s17  }
0x5a: {  	s16 =	sadd.s32 $0x40, s16;
	s10 =	sadd.s32 s10, s11  }
0x5b: {  	[spmem:s10] =	stream.linear.scatter [tilespmem:s16], [sflag:$0x7], $0x10, $0x38;
	[tilespmem:$0x18690] =	vst v63  }
0x5c: {  	_ =	swait.ge [sflag:s18], $0x9C0  }
0x5d: {  	[sflag:s18] =	ssyncset.done $0x0  }
0x5e: {  	s16 =	simm.s32 $0x9440;
	s10 =	rddreg [dreg:$0x7];
	[sflag:s18] =	ssyncadd.s32 $0xFFFFF640  }
0x5f: {  	[spmem:s10] =	stream.linear.scatter [tilespmem:s16], [sflag:$0x7], $0x2700, $0x38;
	[tilespmem:$0x18690] =	vst v63  }
0x60: {  	_ =	swait.ge [sflag:s18], $0x2700  }
0x61: {  	[sflag:s18] =	ssyncset.done $0x0  }
0x62: {  	s17 =	sadd.s32 $0x0, s13;
	[sflag:s18] =	ssyncadd.s32 $0xFFFFD900  }
0x63: {  	[spmem:s17] =	stream.linear.scatter [tilespmem:s16], [sflag:$0x7], $0x10, $0x38;
	[tilespmem:$0x18690] =	vst v63  }
0x64: {  	s17 =	simm.s32 $0x40  }
.LBB2_10:
0x65: {  	p1 =	sne.s32 s17, $0x26C0  }
.Ltmp4:
0x66: {  	_ = 	snop;
	(pc) =	sbr.rel @p1 .LBB2_10-.Ltmp4, $4  }
0x67: {  	_ = 	snop  }
0x68: {  	s10 =	sshra.s32 s17, $0x2;
	s17 =	sadd.s32 $0x40, s17  }
0x69: {  	s16 =	sadd.s32 $0x40, s16;
	s10 =	sadd.s32 s10, s13  }
0x6a: {  	[spmem:s10] =	stream.linear.scatter [tilespmem:s16], [sflag:$0x7], $0x10, $0x38;
	[tilespmem:$0x18690] =	vst v63  }
0x6b: {  	_ =	swait.ge [sflag:s18], $0x9C0  }
0x6c: {  	[sflag:s18] =	ssyncset.done $0x0  }
0x6d: {  	s10 =	simm.s32 @!p0 $0x9440;
	s16 =	simm.s32 @!p0 $0x7;
	[sflag:s18] =	ssyncadd.s32 $0xFFFFF640  }
0x6e: {  	[spmem:s14] =	stream.linear.scatter @!p0 [tilespmem:s10], [sflag:$0x7], $0x400, $0x38;
	[tilespmem:$0x18690] =	vst v63  }
0x6f: {  	_ =	swait.ge @!p0 [sflag:s16], $0x400  }
0x70: {  	[sflag:s16] =	ssyncset.done @!p0 $0x0  }
0x71: {  	[sflag:s16] =	ssyncadd.s32 @!p0 $0xFFFFFC00  }
0x72: {  	[spmem:s15] =	stream.linear.scatter @!p0 [tilespmem:s10], [sflag:$0x7], $0x10, $0x38;
	[tilespmem:$0x18690] =	vst v63  }
0x73: {  	s12 =	rddreg [dreg:$0xf];
	s10 =	simm.s32 @!p0 $0x9480  }
0x74: {  	[spmem:s12] =	stream.linear.scatter @!p0 [tilespmem:s10], [sflag:$0x7], $0x10, $0x38;
	[tilespmem:$0x18690] =	vst v63  }
0x75: {  	s10 =	simm.s32 @!p0 $0x94C0;
	s12 =	rddreg [dreg:$0x10]  }
0x76: {  	[spmem:s12] =	stream.linear.scatter @!p0 [tilespmem:s10], [sflag:$0x7], $0x10, $0x38;
	[tilespmem:$0x18690] =	vst v63  }
0x77: {  	s10 =	simm.s32 @!p0 $0x9500;
	s12 =	rddreg [dreg:$0x11]  }
0x78: {  	[spmem:s12] =	stream.linear.scatter @!p0 [tilespmem:s10], [sflag:$0x7], $0x10, $0x38;
	[tilespmem:$0x18690] =	vst v63  }
0x79: {  	s10 =	simm.s32 @!p0 $0x9540;
	s12 =	rddreg [dreg:$0x12]  }
0x7a: {  	[spmem:s12] =	stream.linear.scatter @!p0 [tilespmem:s10], [sflag:$0x7], $0x10, $0x38;
	[tilespmem:$0x18690] =	vst v63  }
0x7b: {  	s10 =	simm.s32 @!p0 $0x9580;
	s12 =	rddreg [dreg:$0x13]  }
0x7c: {  	[spmem:s12] =	stream.linear.scatter @!p0 [tilespmem:s10], [sflag:$0x7], $0x10, $0x38;
	[tilespmem:$0x18690] =	vst v63  }
0x7d: {  	s10 =	simm.s32 @!p0 $0x95C0;
	s12 =	rddreg [dreg:$0x14]  }
0x7e: {  	[spmem:s12] =	stream.linear.scatter @!p0 [tilespmem:s10], [sflag:$0x7], $0x10, $0x38;
	[tilespmem:$0x18690] =	vst v63  }
0x7f: {  	s10 =	simm.s32 @!p0 $0x9600;
	s12 =	rddreg [dreg:$0x15]  }
0x80: {  	[spmem:s12] =	stream.linear.scatter @!p0 [tilespmem:s10], [sflag:$0x7], $0x10, $0x38;
	[tilespmem:$0x18690] =	vst v63  }
0x81: {  	s10 =	simm.s32 @!p0 $0x9640;
	s12 =	rddreg [dreg:$0x16]  }
0x82: {  	[spmem:s12] =	stream.linear.scatter @!p0 [tilespmem:s10], [sflag:$0x7], $0x10, $0x38;
	[tilespmem:$0x18690] =	vst v63  }
0x83: {  	s10 =	simm.s32 @!p0 $0x9680;
	s12 =	rddreg [dreg:$0x17]  }
0x84: {  	[spmem:s12] =	stream.linear.scatter @!p0 [tilespmem:s10], [sflag:$0x7], $0x10, $0x38;
	[tilespmem:$0x18690] =	vst v63  }
0x85: {  	s10 =	simm.s32 @!p0 $0x96C0;
	s12 =	rddreg [dreg:$0x18]  }
0x86: {  	[spmem:s12] =	stream.linear.scatter @!p0 [tilespmem:s10], [sflag:$0x7], $0x10, $0x38;
	[tilespmem:$0x18690] =	vst v63  }
0x87: {  	s10 =	simm.s32 @!p0 $0x9700;
	s12 =	rddreg [dreg:$0x19]  }
0x88: {  	[spmem:s12] =	stream.linear.scatter @!p0 [tilespmem:s10], [sflag:$0x7], $0x10, $0x38;
	[tilespmem:$0x18690] =	vst v63  }
0x89: {  	s10 =	simm.s32 @!p0 $0x9740;
	s12 =	rddreg [dreg:$0x1a]  }
0x8a: {  	[spmem:s12] =	stream.linear.scatter @!p0 [tilespmem:s10], [sflag:$0x7], $0x10, $0x38;
	[tilespmem:$0x18690] =	vst v63  }
0x8b: {  	s10 =	simm.s32 @!p0 $0x9780;
	s12 =	rddreg [dreg:$0x1b]  }
0x8c: {  	[spmem:s12] =	stream.linear.scatter @!p0 [tilespmem:s10], [sflag:$0x7], $0x10, $0x38;
	[tilespmem:$0x18690] =	vst v63  }
0x8d: {  	s10 =	simm.s32 @!p0 $0x97C0;
	s12 =	rddreg [dreg:$0x1c]  }
0x8e: {  	[spmem:s12] =	stream.linear.scatter @!p0 [tilespmem:s10], [sflag:$0x7], $0x10, $0x38;
	[tilespmem:$0x18690] =	vst v63  }
0x8f: {  	s10 =	simm.s32 @!p0 $0x9800;
	s12 =	rddreg [dreg:$0x1d]  }
0x90: {  	[spmem:s12] =	stream.linear.scatter @!p0 [tilespmem:s10], [sflag:$0x7], $0x10, $0x38;
	[tilespmem:$0x18690] =	vst v63  }
0x91: {  	_ =	swait.ge @!p0 [sflag:s16], $0x100  }
0x92: {  	[sflag:s16] =	ssyncset.done @!p0 $0x0  }
0x93: {  	s17 =	simm.s32 $0x0;
	[sflag:s16] =	ssyncadd.s32 @!p0 $0xFFFFFF00;
	s16 =	simm.s32 $0x40  }
.LBB2_12:
0x94: {  	p1 =	sne.s32 s16, $0x1FC0;
	[tilespmem:s17+$0x15780] =	vst v1;
	s10 =	smov.u32 s16;
	s16 =	sadd.s32 $0x40, s16  }
.Ltmp5:
0x95: {  	(pc) =	sbr.rel @p1 .LBB2_12-.Ltmp5, $2  }
0x96: {  	_ =	sdelay $0x2  }
0x97: {  	s17 =	sshra.s32 s10, $0x2  }
0x98: {  	[tilespmem:s17+$0x15780] =	vst v1;
	s10 =	simm.s32 $0x0;
	s16 =	rddreg [dreg:$0x8]  }
0x99: {  	[tilespmem:s10], [sflag:$0x7] =	stream.linear.gather [hbm4b:s16+s10], $0x2710, $0x38;
	[tilespmem:$0x18690] =	vst v63  }
0x9a: {  	_ =	swait.ge [sflag:s18], $0x2710  }
0x9b: {  	[sflag:s18] =	ssyncset.done $0x0  }
0x9c: {  	s12 =	simm.s32 $0x2710;
	s17 =	rddreg [dreg:$0x9];
	[sflag:s18] =	ssyncadd.s32 $0xFFFFD8F0  }
0x9d: {  	[tilespmem:s12], [sflag:$0x7] =	stream.linear.gather [hbm4b:s17+s10], $0x2710, $0x38;
	[tilespmem:$0x18690] =	vst v63  }
0x9e: {  	_ =	swait.ge [sflag:s18], $0x2710  }
0x9f: {  	[sflag:s18] =	ssyncset.done $0x0  }
0xa0: {  	[sflag:s18] =	ssyncadd.s32 $0xFFFFD8F0  }
0xa1: {  	[bflag:$0x0] =	sbarrier.arrive $0xFFFF  }
0xa2: {  	v2 =	vld [tilespmem:$0x0]  }
0xa3: {  	v3 =	vld [tilespmem:$0x2710]  }
0xa4: {  	v4 =	vld [tilespmem:$0x10]  }
0xa5: {  	v5 =	vld [tilespmem:$0x2720]  }
0xa6: {  	v6 =	vld [tilespmem:$0x20]  }
0xa7: {  	[tilespmem:$0x4E20] =	vst v2;
	v2 =	vld [tilespmem:$0x2730]  }
0xa8: {  	v49 =	vld [tilespmem:$0x2740];
	[tilespmem:$0x4F20] =	vst v3  }
0xa9: {  	v50 =	vld [tilespmem:$0x40];
	[tilespmem:$0x4E30] =	vst v4  }
0xaa: {  	v51 =	vld [tilespmem:$0x2750];
	[tilespmem:$0x4F30] =	vst v5  }
0xab: {  	v3 =	vld [tilespmem:$0x30];
	[tilespmem:$0x4E40] =	vst v6  }
0xac: {  	[tilespmem:$0x4F40] =	vst v2;
	v2 =	vld [tilespmem:$0x50]  }
0xad: {  	v52 =	vld [tilespmem:$0x60];
	[tilespmem:$0x4F50] =	vst v49  }
0xae: {  	v53 =	vld [tilespmem:$0x2770];
	[tilespmem:$0x4E60] =	vst v50  }
0xaf: {  	v54 =	vld [tilespmem:$0x70];
	[tilespmem:$0x4F60] =	vst v51  }
0xb0: {  	[tilespmem:$0x4E50] =	vst v3;
	v3 =	vld [tilespmem:$0x2760]  }
0xb1: {  	[tilespmem:$0x4E70] =	vst v2;
	v2 =	vld [tilespmem:$0x2780]  }
0xb2: {  	[tilespmem:$0x4E80] =	vst v52  }
0xb3: {  	[tilespmem:$0x4F80] =	vst v53  }
0xb4: {  	[tilespmem:$0x4E90] =	vst v54  }
0xb5: {  	[tilespmem:$0x4F70] =	vst v3  }
0xb6: {  	[tilespmem:$0x4F90] =	vst v2  }
0xb7: {  	[tilespmem:s21], [sflag:$0x1] =	stream.indirect.gather [hbm4b:s5+s19], $0x40, s20, s19, $0xb8;
	[tilespmem:$0x18690] =	vst v63  }
0xb8: {  	v2 =	vld [tilespmem:$0x80]  }
0xb9: {  	v3 =	vld [tilespmem:$0x2790]  }
0xba: {  	v55 =	vld [tilespmem:$0x90]  }
0xbb: {  	v56 =	vld [tilespmem:$0x27A0]  }
0xbc: {  	v57 =	vld [tilespmem:$0xA0]  }
0xbd: {  	[tilespmem:$0x4EA0] =	vst v2;
	v2 =	vld [tilespmem:$0x27B0]  }
0xbe: {  	v58 =	vld [tilespmem:$0x27C0];
	[tilespmem:$0x4FA0] =	vst v3  }
0xbf: {  	v59 =	vld [tilespmem:$0xC0];
	[tilespmem:$0x4EB0] =	vst v55  }
0xc0: {  	v60 =	vld [tilespmem:$0x27D0];
	[tilespmem:$0x4FB0] =	vst v56  }
0xc1: {  	v3 =	vld [tilespmem:$0xB0];
	[tilespmem:$0x4EC0] =	vst v57  }
0xc2: {  	[tilespmem:$0x4FC0] =	vst v2;
	v2 =	vld [tilespmem:$0xD0]  }
0xc3: {  	v61 =	vld [tilespmem:$0xE0];
	[tilespmem:$0x4FD0] =	vst v58  }
0xc4: {  	v62 =	vld [tilespmem:$0x27F0];
	[tilespmem:$0x4EE0] =	vst v59  }
0xc5: {  	v63 =	vld [tilespmem:$0xF0];
	[tilespmem:$0x4FE0] =	vst v60  }
0xc6: {  	[tilespmem:$0x4ED0] =	vst v3;
	v3 =	vld [tilespmem:$0x27E0]  }
0xc7: {  	[tilespmem:$0x4EF0] =	vst v2;
	v2 =	vld [tilespmem:$0x2800]  }
0xc8: {  	[tilespmem:$0x4F00] =	vst v61  }
0xc9: {  	[tilespmem:$0x5000] =	vst v62  }
0xca: {  	[tilespmem:$0x4F10] =	vst v63  }
0xcb: {  	[tilespmem:$0x4FF0] =	vst v3  }
0xcc: {  	[tilespmem:$0x5010] =	vst v2  }
0xcd: {  	[tilespmem:s23], [sflag:$0x2] =	stream.indirect.gather [hbm4b:s5+s19], $0x40, s22, s19, $0xb8;
	[tilespmem:$0x18690] =	vst v63  }
0xce: {  	_ =	swait.ge [sflag:s24], $0x2000  }
0xcf: {  	[sflag:s24] =	ssyncset.done $0x0  }
0xd0: {  	[sflag:s24] =	ssyncadd.s32 $0xFFFFE000  }
0xd1: {  	[spmem:s2] =	stream.indirect.scatter.add.f32 [tilespmem:s21], [sflag:$0x3], $0x40, s25, s19, $0xb8;
	[tilespmem:$0x18690] =	vst v63  }
0xd2: {  	_ = 	snop  }
0xd3: {  	[spmem:s3] =	stream.indirect.scatter.add.f32 [tilespmem:s26], [sflag:$0x5], $0x10, s25, s19, $0xb8;
	[tilespmem:$0x18690] =	vst v63  }
0xd4: {  	_ =	swait.ge [sflag:s28], $0x2000  }
0xd5: {  	[sflag:s28] =	ssyncset.done $0x0  }
0xd6: {  	[sflag:s28] =	ssyncadd.s32 $0xFFFFE000  }
0xd7: {  	_ =	swait.ge [sflag:s29], $0x800  }
0xd8: {  	[sflag:s29] =	ssyncset.done $0x0  }
0xd9: {  	s17 =	simm.s32 $0x0;
	[sflag:s29] =	ssyncadd.s32 $0xFFFFF800  }
0xda: {  	v2 =	vld [tilespmem:s17+$0x100];
	_ =	sdelay $0x4  }
0xdb: {  	[tilespmem:$0x4E20] =	vst v2  }
0xdc: {  	v2 =	vld [tilespmem:s17+$0x2810];
	_ =	sdelay $0x4  }
0xdd: {  	[tilespmem:$0x4F20] =	vst v2  }
0xde: {  	v2 =	vld [tilespmem:s17+$0x110];
	_ =	sdelay $0x4  }
0xdf: {  	[tilespmem:$0x4E30] =	vst v2  }
0xe0: {  	v2 =	vld [tilespmem:s17+$0x2820];
	_ =	sdelay $0x4  }
0xe1: {  	[tilespmem:$0x4F30] =	vst v2  }
0xe2: {  	v2 =	vld [tilespmem:s17+$0x120];
	_ =	sdelay $0x4  }
0xe3: {  	[tilespmem:$0x4E40] =	vst v2  }
0xe4: {  	v2 =	vld [tilespmem:s17+$0x2830];
	_ =	sdelay $0x4  }
0xe5: {  	[tilespmem:$0x4F40] =	vst v2  }
0xe6: {  	v2 =	vld [tilespmem:s17+$0x130];
	_ =	sdelay $0x4  }
0xe7: {  	[tilespmem:$0x4E50] =	vst v2  }
0xe8: {  	v2 =	vld [tilespmem:s17+$0x2840];
	_ =	sdelay $0x4  }
0xe9: {  	[tilespmem:$0x4F50] =	vst v2  }
0xea: {  	v2 =	vld [tilespmem:s17+$0x140];
	_ =	sdelay $0x4  }
0xeb: {  	[tilespmem:$0x4E60] =	vst v2  }
0xec: {  	v2 =	vld [tilespmem:s17+$0x2850];
	_ =	sdelay $0x4  }
0xed: {  	[tilespmem:$0x4F60] =	vst v2  }
0xee: {  	v2 =	vld [tilespmem:s17+$0x150];
	_ =	sdelay $0x4  }
0xef: {  	[tilespmem:$0x4E70] =	vst v2  }
0xf0: {  	v2 =	vld [tilespmem:s17+$0x2860];
	_ =	sdelay $0x4  }
0xf1: {  	[tilespmem:$0x4F70] =	vst v2  }
0xf2: {  	v2 =	vld [tilespmem:s17+$0x160];
	_ =	sdelay $0x4  }
0xf3: {  	[tilespmem:$0x4E80] =	vst v2  }
0xf4: {  	v2 =	vld [tilespmem:s17+$0x2870];
	_ =	sdelay $0x4  }
0xf5: {  	[tilespmem:$0x4F80] =	vst v2  }
0xf6: {  	v2 =	vld [tilespmem:s17+$0x170];
	_ =	sdelay $0x4  }
0xf7: {  	[tilespmem:$0x4E90] =	vst v2  }
0xf8: {  	v2 =	vld [tilespmem:s17+$0x2880];
	_ =	sdelay $0x4  }
0xf9: {  	[tilespmem:$0x4F90] =	vst v2  }
0xfa: {  	[tilespmem:s21], [sflag:$0x1] =	stream.indirect.gather [hbm4b:s5+s19], $0x40, s20, s19, $0xb8;
	[tilespmem:$0x18690] =	vst v63  }
0xfb: {  	_ =	swait.ge [sflag:s30], $0x2000  }
0xfc: {  	[sflag:s30] =	ssyncset.done $0x0  }
0xfd: {  	[sflag:s30] =	ssyncadd.s32 $0xFFFFE000  }
0xfe: {  	[spmem:s2] =	stream.indirect.scatter.add.f32 [tilespmem:s23], [sflag:$0x4], $0x40, s31, s19, $0xb8;
	[tilespmem:$0x18690] =	vst v63  }
0xff: {  	_ = 	snop  }
0x100: {  	[spmem:s3] =	stream.indirect.scatter.add.f32 [tilespmem:s26], [sflag:$0x6], $0x10, s31, s19, $0xb8;
	[tilespmem:$0x18690] =	vst v63  }
0x101: {  	_ =	swait.ge [sflag:s1], $0x2000  }
0x102: {  	[sflag:s1] =	ssyncset.done $0x0  }
0x103: {  	[sflag:s1] =	ssyncadd.s32 $0xFFFFE000  }
0x104: {  	_ =	swait.ge [sflag:s0], $0x800  }
0x105: {  	[sflag:s0] =	ssyncset.done $0x0  }
0x106: {  	[sflag:s0] =	ssyncadd.s32 $0xFFFFF800  }
0x107: {  	v2 =	vld [tilespmem:s17+$0x180];
	_ =	sdelay $0x4  }
0x108: {  	[tilespmem:$0x4EA0] =	vst v2  }
0x109: {  	v2 =	vld [tilespmem:s17+$0x2890];
	_ =	sdelay $0x4  }
0x10a: {  	[tilespmem:$0x4FA0] =	vst v2  }
0x10b: {  	v2 =	vld [tilespmem:s17+$0x190];
	_ =	sdelay $0x4  }
0x10c: {  	[tilespmem:$0x4EB0] =	vst v2  }
0x10d: {  	v2 =	vld [tilespmem:s17+$0x28A0];
	_ =	sdelay $0x4  }
0x10e: {  	[tilespmem:$0x4FB0] =	vst v2  }
0x10f: {  	v2 =	vld [tilespmem:s17+$0x1A0];
	_ =	sdelay $0x4  }
0x110: {  	[tilespmem:$0x4EC0] =	vst v2  }
0x111: {  	v2 =	vld [tilespmem:s17+$0x28B0];
	_ =	sdelay $0x4  }
0x112: {  	[tilespmem:$0x4FC0] =	vst v2  }
0x113: {  	v2 =	vld [tilespmem:s17+$0x1B0];
	_ =	sdelay $0x4  }
0x114: {  	[tilespmem:$0x4ED0] =	vst v2  }
0x115: {  	v2 =	vld [tilespmem:s17+$0x28C0];
	_ =	sdelay $0x4  }
0x116: {  	[tilespmem:$0x4FD0] =	vst v2  }
0x117: {  	v2 =	vld [tilespmem:s17+$0x1C0];
	_ =	sdelay $0x4  }
0x118: {  	[tilespmem:$0x4EE0] =	vst v2  }
0x119: {  	v2 =	vld [tilespmem:s17+$0x28D0];
	_ =	sdelay $0x4  }
0x11a: {  	[tilespmem:$0x4FE0] =	vst v2  }
0x11b: {  	v2 =	vld [tilespmem:s17+$0x1D0];
	_ =	sdelay $0x4  }
0x11c: {  	[tilespmem:$0x4EF0] =	vst v2  }
0x11d: {  	v2 =	vld [tilespmem:s17+$0x28E0];
	_ =	sdelay $0x4  }
0x11e: {  	[tilespmem:$0x4FF0] =	vst v2  }
0x11f: {  	v2 =	vld [tilespmem:s17+$0x1E0];
	_ =	sdelay $0x4  }
0x120: {  	[tilespmem:$0x4F00] =	vst v2  }
0x121: {  	v2 =	vld [tilespmem:s17+$0x28F0];
	_ =	sdelay $0x4  }
0x122: {  	[tilespmem:$0x5000] =	vst v2  }
0x123: {  	v2 =	vld [tilespmem:s17+$0x1F0];
	_ =	sdelay $0x4  }
0x124: {  	[tilespmem:$0x4F10] =	vst v2  }
0x125: {  	v2 =	vld [tilespmem:s17+$0x2900];
	_ =	sdelay $0x4  }
0x126: {  	[tilespmem:$0x5010] =	vst v2  }
0x127: {  	[tilespmem:s23], [sflag:$0x2] =	stream.indirect.gather [hbm4b:s5+s19], $0x40, s22, s19, $0xb8;
	[tilespmem:$0x18690] =	vst v63  }
0x128: {  	_ =	swait.ge [sflag:s24], $0x2000  }
0x129: {  	[sflag:s24] =	ssyncset.done $0x0  }
0x12a: {  	s16 =	simm.s32 $0x400;
	[sflag:s24] =	ssyncadd.s32 $0xFFFFE000  }
0x12b: {  	[spmem:s2] =	stream.indirect.scatter.add.f32 [tilespmem:s21], [sflag:$0x3], $0x40, s25, s19, $0xb8;
	[tilespmem:$0x18690] =	vst v63  }
.LBB2_14:
0x12c: {  	[spmem:s3] =	stream.indirect.scatter.add.f32 [tilespmem:s26], [sflag:$0x5], $0x10, s25, s19, $0xb8;
	[tilespmem:$0x18690] =	vst v63  }
0x12d: {  	s10 =	smov.u32 s16  }
0x12e: {  	p1 =	sne.s32 s16, $0x9400;
	s16 =	sadd.s32 $0x400, s16;
	_ =	swait.ge [sflag:s28], $0x2000  }
0x12f: {  	[sflag:s28] =	ssyncset.done $0x0  }
0x130: {  	[sflag:s28] =	ssyncadd.s32 $0xFFFFE000  }
0x131: {  	_ =	swait.ge [sflag:s29], $0x800  }
0x132: {  	[sflag:s29] =	ssyncset.done $0x0  }
0x133: {  	s17 =	sshra.s32 s10, $0x2;
	[sflag:s29] =	ssyncadd.s32 $0xFFFFF800  }
0x134: {  	v2 =	vld [tilespmem:s17+$0x100];
	_ =	sdelay $0x4  }
0x135: {  	[tilespmem:$0x4E20] =	vst v2  }
0x136: {  	v2 =	vld [tilespmem:s17+$0x2810];
	_ =	sdelay $0x4  }
0x137: {  	[tilespmem:$0x4F20] =	vst v2  }
0x138: {  	v2 =	vld [tilespmem:s17+$0x110];
	_ =	sdelay $0x4  }
0x139: {  	[tilespmem:$0x4E30] =	vst v2  }
0x13a: {  	v2 =	vld [tilespmem:s17+$0x2820];
	_ =	sdelay $0x4  }
0x13b: {  	[tilespmem:$0x4F30] =	vst v2  }
0x13c: {  	v2 =	vld [tilespmem:s17+$0x120];
	_ =	sdelay $0x4  }
0x13d: {  	[tilespmem:$0x4E40] =	vst v2  }
0x13e: {  	v2 =	vld [tilespmem:s17+$0x2830];
	_ =	sdelay $0x4  }
0x13f: {  	[tilespmem:$0x4F40] =	vst v2  }
0x140: {  	v2 =	vld [tilespmem:s17+$0x130];
	_ =	sdelay $0x4  }
0x141: {  	[tilespmem:$0x4E50] =	vst v2  }
0x142: {  	v2 =	vld [tilespmem:s17+$0x2840];
	_ =	sdelay $0x4  }
0x143: {  	[tilespmem:$0x4F50] =	vst v2  }
0x144: {  	v2 =	vld [tilespmem:s17+$0x140];
	_ =	sdelay $0x4  }
0x145: {  	[tilespmem:$0x4E60] =	vst v2  }
0x146: {  	v2 =	vld [tilespmem:s17+$0x2850];
	_ =	sdelay $0x4  }
0x147: {  	[tilespmem:$0x4F60] =	vst v2  }
0x148: {  	v2 =	vld [tilespmem:s17+$0x150];
	_ =	sdelay $0x4  }
0x149: {  	[tilespmem:$0x4E70] =	vst v2  }
0x14a: {  	v2 =	vld [tilespmem:s17+$0x2860];
	_ =	sdelay $0x4  }
0x14b: {  	[tilespmem:$0x4F70] =	vst v2  }
0x14c: {  	v2 =	vld [tilespmem:s17+$0x160];
	_ =	sdelay $0x4  }
0x14d: {  	[tilespmem:$0x4E80] =	vst v2  }
0x14e: {  	v2 =	vld [tilespmem:s17+$0x2870];
	_ =	sdelay $0x4  }
0x14f: {  	[tilespmem:$0x4F80] =	vst v2  }
0x150: {  	v2 =	vld [tilespmem:s17+$0x170];
	_ =	sdelay $0x4  }
0x151: {  	[tilespmem:$0x4E90] =	vst v2  }
0x152: {  	v2 =	vld [tilespmem:s17+$0x2880];
	_ =	sdelay $0x4  }
0x153: {  	[tilespmem:$0x4F90] =	vst v2  }
0x154: {  	[tilespmem:s21], [sflag:$0x1] =	stream.indirect.gather [hbm4b:s5+s19], $0x40, s20, s19, $0xb8;
	[tilespmem:$0x18690] =	vst v63  }
0x155: {  	_ =	swait.ge [sflag:s30], $0x2000  }
0x156: {  	[sflag:s30] =	ssyncset.done $0x0  }
0x157: {  	[sflag:s30] =	ssyncadd.s32 $0xFFFFE000  }
0x158: {  	[spmem:s2] =	stream.indirect.scatter.add.f32 [tilespmem:s23], [sflag:$0x4], $0x40, s31, s19, $0xb8;
	[tilespmem:$0x18690] =	vst v63  }
0x159: {  	_ = 	snop  }
0x15a: {  	[spmem:s3] =	stream.indirect.scatter.add.f32 [tilespmem:s26], [sflag:$0x6], $0x10, s31, s19, $0xb8;
	[tilespmem:$0x18690] =	vst v63  }
0x15b: {  	_ =	swait.ge [sflag:s1], $0x2000  }
0x15c: {  	[sflag:s1] =	ssyncset.done $0x0  }
0x15d: {  	[sflag:s1] =	ssyncadd.s32 $0xFFFFE000  }
0x15e: {  	_ =	swait.ge [sflag:s0], $0x800  }
0x15f: {  	[sflag:s0] =	ssyncset.done $0x0  }
0x160: {  	[sflag:s0] =	ssyncadd.s32 $0xFFFFF800  }
0x161: {  	v2 =	vld [tilespmem:s17+$0x180];
	_ =	sdelay $0x4  }
0x162: {  	[tilespmem:$0x4EA0] =	vst v2  }
0x163: {  	v2 =	vld [tilespmem:s17+$0x2890];
	_ =	sdelay $0x4  }
0x164: {  	[tilespmem:$0x4FA0] =	vst v2  }
0x165: {  	v2 =	vld [tilespmem:s17+$0x190];
	_ =	sdelay $0x4  }
0x166: {  	[tilespmem:$0x4EB0] =	vst v2  }
0x167: {  	v2 =	vld [tilespmem:s17+$0x28A0];
	_ =	sdelay $0x4  }
0x168: {  	[tilespmem:$0x4FB0] =	vst v2  }
0x169: {  	v2 =	vld [tilespmem:s17+$0x1A0];
	_ =	sdelay $0x4  }
0x16a: {  	[tilespmem:$0x4EC0] =	vst v2  }
0x16b: {  	v2 =	vld [tilespmem:s17+$0x28B0];
	_ =	sdelay $0x4  }
0x16c: {  	[tilespmem:$0x4FC0] =	vst v2  }
0x16d: {  	v2 =	vld [tilespmem:s17+$0x1B0];
	_ =	sdelay $0x4  }
0x16e: {  	[tilespmem:$0x4ED0] =	vst v2  }
0x16f: {  	v2 =	vld [tilespmem:s17+$0x28C0];
	_ =	sdelay $0x4  }
0x170: {  	[tilespmem:$0x4FD0] =	vst v2  }
0x171: {  	v2 =	vld [tilespmem:s17+$0x1C0];
	_ =	sdelay $0x4  }
0x172: {  	[tilespmem:$0x4EE0] =	vst v2  }
0x173: {  	v2 =	vld [tilespmem:s17+$0x28D0];
	_ =	sdelay $0x4  }
0x174: {  	[tilespmem:$0x4FE0] =	vst v2  }
0x175: {  	v2 =	vld [tilespmem:s17+$0x1D0];
	_ =	sdelay $0x4  }
0x176: {  	[tilespmem:$0x4EF0] =	vst v2  }
0x177: {  	v2 =	vld [tilespmem:s17+$0x28E0];
	_ =	sdelay $0x4  }
0x178: {  	[tilespmem:$0x4FF0] =	vst v2  }
0x179: {  	v2 =	vld [tilespmem:s17+$0x1E0];
	_ =	sdelay $0x4  }
0x17a: {  	[tilespmem:$0x4F00] =	vst v2  }
0x17b: {  	v2 =	vld [tilespmem:s17+$0x28F0];
	_ =	sdelay $0x4  }
0x17c: {  	[tilespmem:$0x5000] =	vst v2  }
0x17d: {  	v2 =	vld [tilespmem:s17+$0x1F0];
	_ =	sdelay $0x4  }
0x17e: {  	[tilespmem:$0x4F10] =	vst v2  }
0x17f: {  	v2 =	vld [tilespmem:s17+$0x2900];
	_ =	sdelay $0x4  }
0x180: {  	[tilespmem:$0x5010] =	vst v2  }
0x181: {  	[tilespmem:s23], [sflag:$0x2] =	stream.indirect.gather [hbm4b:s5+s19], $0x40, s22, s19, $0xb8;
	[tilespmem:$0x18690] =	vst v63  }
.Ltmp6:
0x182: {  	_ = 	snop;
	(pc) =	sbr.rel @p1 .LBB2_14-.Ltmp6, $4  }
0x183: {  	_ =	swait.ge [sflag:s24], $0x2000  }
0x184: {  	[sflag:s24] =	ssyncset.done $0x0  }
0x185: {  	[sflag:s24] =	ssyncadd.s32 $0xFFFFE000  }
0x186: {  	[spmem:s2] =	stream.indirect.scatter.add.f32 [tilespmem:s21], [sflag:$0x3], $0x40, s25, s19, $0xb8;
	[tilespmem:$0x18690] =	vst v63  }
0x187: {  	[spmem:s3] =	stream.indirect.scatter.add.f32 [tilespmem:s26], [sflag:$0x5], $0x10, s25, s19, $0xb8;
	[tilespmem:$0x18690] =	vst v63  }
0x188: {  	_ =	swait.ge [sflag:s30], $0x2000  }
0x189: {  	[sflag:s30] =	ssyncset.done $0x0  }
0x18a: {  	[sflag:s30] =	ssyncadd.s32 $0xFFFFE000  }
0x18b: {  	[spmem:s2] =	stream.indirect.scatter.add.f32 [tilespmem:s23], [sflag:$0x4], $0x40, s31, s19, $0xb8;
	[tilespmem:$0x18690] =	vst v63  }
0x18c: {  	_ = 	snop  }
0x18d: {  	[spmem:s3] =	stream.indirect.scatter.add.f32 [tilespmem:s26], [sflag:$0x6], $0x10, s31, s19, $0xb8;
	[tilespmem:$0x18690] =	vst v63  }
0x18e: {  	v2 =	vld [tilespmem:$0x2700]  }
0x18f: {  	v3 =	vld [tilespmem:$0x4E10];
	_ =	sdelay $0x3  }
0x190: {  	[tilespmem:$0x5020] =	vst v2  }
0x191: {  	s10 =	simm.s32 $0x5020;
	s12 =	simm.s32 $0x9040;
	[tilespmem:$0x5030] =	vst v3  }
0x192: {  	[tilespmem:s12], [sflag:$0x1] =	stream.indirect.gather [hbm4b:s5+s8], $0x40, s10, s8, $0xb8;
	[tilespmem:$0x18690] =	vst v63  }
0x193: {  	_ =	swait.ge [sflag:s24], $0x400  }
0x194: {  	[sflag:s24] =	ssyncset.done $0x0  }
0x195: {  	[sflag:s24] =	ssyncadd.s32 $0xFFFFFC00  }
0x196: {  	_ =	swait.ge [sflag:s28], $0x2000  }
0x197: {  	[sflag:s28] =	ssyncset.done $0x0  }
0x198: {  	[sflag:s28] =	ssyncadd.s32 $0xFFFFE000  }
0x199: {  	_ =	swait.ge [sflag:s29], $0x800  }
0x19a: {  	[sflag:s29] =	ssyncset.done $0x0  }
0x19b: {  	[sflag:s29] =	ssyncadd.s32 $0xFFFFF800  }
0x19c: {  	_ =	swait.ge [sflag:s1], $0x2000  }
0x19d: {  	[sflag:s1] =	ssyncset.done $0x0  }
0x19e: {  	[sflag:s1] =	ssyncadd.s32 $0xFFFFE000  }
0x19f: {  	_ =	swait.ge [sflag:s0], $0x800  }
0x1a0: {  	[sflag:s0] =	ssyncset.done $0x0  }
0x1a1: {  	s17 =	simm.s32 $0x5030;
	[sflag:s0] =	ssyncadd.s32 $0xFFFFF800  }
0x1a2: {  	[spmem:s2] =	stream.indirect.scatter.add.f32 [tilespmem:s12], [sflag:$0x3], $0x40, s17, s8, $0xb8;
	[tilespmem:$0x18690] =	vst v63  }
0x1a3: {  	_ =	swait.ge [sflag:s28], $0x400  }
0x1a4: {  	[sflag:s28] =	ssyncset.done $0x0  }
0x1a5: {  	[sflag:s28] =	ssyncadd.s32 $0xFFFFFC00  }
0x1a6: {  	[spmem:s3] =	stream.indirect.scatter.add.f32 [tilespmem:s26], [sflag:$0x5], $0x10, s17, s8, $0xb8;
	[tilespmem:$0x18690] =	vst v63  }
0x1a7: {  	_ =	swait.ge [sflag:s29], $0x100  }
0x1a8: {  	[sflag:s29] =	ssyncset.done $0x0  }
0x1a9: {  	s16 =	stileid.u32;
	[sflag:s29] =	ssyncadd.s32 $0xFFFFFF00  }
0x1aa: {  	s10 =	sshll.u32 s16, $0x6;
	[bflag:$0x0] =	sbarrier.arrive $0xFFFF  }
0x1ab: {  	s16 =	sshrl.u32 s6, $0x3;
	s10 =	sor.u32 $0x1C07, s10;
	s17 =	rddreg [dreg:$0xa]  }
0x1ac: {  	[hbm:s17], [sflag:s10] =	dma.local [spmem:s16], $0x1380  }
0x1ad: {  	_ =	swait.ge [sflag:s18], $0x1380  }
0x1ae: {  	[sflag:s18] =	ssyncset.done $0x0  }
0x1af: {  	s17 =	sshrl.u32 s7, $0x3;
	s12 =	rddreg [dreg:$0xb];
	[sflag:s18] =	ssyncadd.s32 $0xFFFFEC80  }
0x1b0: {  	[hbm:s12], [sflag:s10] =	dma.local [spmem:s17], $0x4E0  }
0x1b1: {  	_ =	swait.ge [sflag:s18], $0x4E0  }
0x1b2: {  	[sflag:s18] =	ssyncset.done $0x0  }
0x1b3: {  	s16 =	sshrl.u32 @!p0 s14, $0x3;
	s17 =	rddreg [dreg:$0xc];
	[sflag:s18] =	ssyncadd.s32 $0xFFFFFB20  }
0x1b4: {  	[hbm:s17], [sflag:s10] =	dma.local @!p0 [spmem:s16], $0x80  }
0x1b5: {  	s16 =	simm.s32 @!p0 $0x7  }
0x1b6: {  	_ =	swait.ge @!p0 [sflag:s16], $0x80  }
0x1b7: {  	[sflag:s16] =	ssyncset.done @!p0 $0x0  }
0x1b8: {  	s17 =	sshrl.u32 @!p0 s15, $0x3;
	s12 =	rddreg [dreg:$0xd];
	[sflag:s16] =	ssyncadd.s32 @!p0 $0xFFFFFF80  }
0x1b9: {  	[hbm:s12], [sflag:s10] =	dma.local @!p0 [spmem:s17], $0x20  }
0x1ba: {  	_ =	swait.ge @!p0 [sflag:s16], $0x20  }
0x1bb: {  	s4 =	sadd.s32 $0x1, s4;
	s17 =	rddreg [dreg:$0xe]  }
0x1bc: {  	p1 =	sne.s32 s4, s17  }
.Ltmp7:
0x1bd: {  	_ = 	snop;
	(pc) =	sbr.rel @p1 .LBB2_1-.Ltmp7, $3  }
0x1be: {  	_ =	sdelay $0x1  }
0x1bf: {  	[sflag:s16] =	ssyncset.done @!p0 $0x0  }
0x1c0: {  	[sflag:s16] =	ssyncadd.s32 @!p0 $0xFFFFFFE0  }
0x1c1: {  	_ =	sfence.sel $0x180000  }
0x1c2: {  	[bflag:$0x0] =	sbarrier.arrive $0xFFFF  }
0x1c3: {  	_ =	strace $0x90000047  }
0x1c4: {  	s0 =	stileid.u32;
	[bflag:$0x2] =	sbarrier.arrive $0xFFFF  }
0x1c5: {  	p0 =	sne.s32 s0, $0x0;
	s0 =	rddreg [dreg:$0x4]  }
0x1c6: {  	s0 =	sadd.s32 @!p0 $0x100000, s0  }
0x1c7: {  	[sflag:s0] =	ssyncadd.tile.s32 @!p0 $0x1;
	_ =	shalt  }
.Lfunc_end2:
_tile_overlayer_lowered:
.L_overlay_start_2:
0x1c8: {  	(tag) =	ssettag $0x2  }
0x1c9: {  	s0 =	rddreg [dreg:$0x0];
	s2 =	stileid.u32  }
0x1ca: {  	s1 =	rddreg [dreg:$0x1];
	p0 =	sne.s32 s2, $0x0  }
0x1cb: {  	s3 =	rddreg [dreg:$0x2];
	[bflag:$0x3] =	sbarrier.arrive $0xFFFF;
	s2 =	simm.s32 @!p0 $0x1C07  }
0x1cc: {  	[timem:s3], [sflag:s2] =	dma.local @!p0 [hbm:s0], s1  }
0x1cd: {  	s0 =	simm.s32 @!p0 $0x7  }
0x1ce: {  	_ =	swait.ge @!p0 [sflag:s0], s1  }
0x1cf: {  	s1 =	ssub.s32 @!p0 $0x0, s1;
	[sflag:s0] =	ssyncset.done @!p0 $0x0  }
0x1d0: {  	[sflag:s0] =	ssyncadd.s32 @!p0 s1  }
0x1d1: {  	[bflag:$0x3] =	sbarrier.arrive $0xFFFF  }
0x1d2: {  	_ =	shalt  }

</sc_bundles>
